<compile_context>
chip_gen: v7x
topology: tpu7x:2x2x1
jax: 0.10.2.dev20260603
libtpu: 0.0.44.dev20260713+nightly
codegen_flags: <defaults>
</compile_context>

<pallas_src>
import functools

import jax
import jax.numpy as jnp
from jax import lax
from jax.experimental import pallas as pl
from jax.experimental.pallas import tpu as pltpu
from jax.experimental.pallas import tpu_sc as plsc

N = 10000
E = 320000
D = 128
HP = 16
NC = 2
NS = 16
NW = NC * NS
EW = E // NW
G = 80
K = EW // G
RT = N // NS
RTC = 632
ZR = 80
NPAD = 10016
NB = 8
QD = 4


def _tile_row_base(s):
    return pl.multiple_of((s * RT) // 8 * 8, 8)


def _zero_acc(zbuf, acc, base, zsem):
    def _zero_row(i, carry):
        zbuf[i] = jnp.zeros((HP,), jnp.float32)
        return carry

    lax.fori_loop(0, ZR, _zero_row, 0)
    for k in range(8):
        pltpu.async_copy(zbuf, acc.at[pl.ds(base + ZR * k, ZR)], zsem)
    for k in range(8):
        pltpu.make_async_copy(zbuf, acc.at[pl.ds(base + ZR * k, ZR)],
                              zsem).wait()


_mesh = plsc.VectorSubcoreMesh(core_axis_name="c", subcore_axis_name="s")


@functools.partial(
    pl.kernel,
    out_type=jax.ShapeDtypeStruct((NC, N, HP), jnp.float32),
    mesh=_mesh,
    compiler_params=pltpu.CompilerParams(use_tc_tiling_on_sc=False),
    scratch_types=[
        pltpu.VMEM((G, K), jnp.int32),
        pltpu.VMEM((K, HP), jnp.float32),
        pltpu.VMEM((ZR, HP), jnp.float32),
        pltpu.VMEM_SHARED((NPAD, HP), jnp.float32),
        [pltpu.SemaphoreType.DMA] * NB,
        pltpu.SemaphoreType.DMA,
    ],
)
def _sc_degree(src_hbm, deg_out, src_v, ones_v, zbuf, acc, ss, zsem):
    c = lax.axis_index("c")
    s = lax.axis_index("s")
    wid = s * NC + c

    pltpu.sync_copy(src_hbm.at[wid], src_v)

    def _ones_row(i, carry):
        ones_v[i] = jnp.ones((HP,), jnp.float32)
        return carry

    lax.fori_loop(0, K, _ones_row, 0)
    base = _tile_row_base(s)
    _zero_acc(zbuf, acc, base, zsem)
    plsc.subcore_barrier()

    def _scat4(i, carry):
        for j in range(NB):
            g = NB * i + j

            @pl.when(g >= NB)
            def _():
                pltpu.make_async_copy(ones_v, acc.at[src_v.at[g - NB]],
                                      ss[j]).wait()

            pltpu.async_copy(ones_v, acc.at[src_v.at[g]], ss[j], add=True)
        return carry

    lax.fori_loop(0, G // NB, _scat4, 0)
    for j in range(NB):
        pltpu.make_async_copy(ones_v, acc.at[src_v.at[G - NB + j]],
                              ss[j]).wait()
    plsc.subcore_barrier()
    pltpu.sync_copy(acc.at[pl.ds(base, RTC)], deg_out.at[c, pl.ds(base, RTC)])


@functools.partial(
    pl.kernel,
    out_type=jax.ShapeDtypeStruct((NC, N, HP), jnp.float32),
    mesh=_mesh,
    compiler_params=pltpu.CompilerParams(use_tc_tiling_on_sc=False),
    scratch_types=[
        pltpu.VMEM((G, K), jnp.int32),
        pltpu.VMEM((G, K), jnp.int32),
        [pltpu.VMEM((K, HP), jnp.float32)] * NB,
        pltpu.VMEM((ZR, HP), jnp.float32),
        pltpu.VMEM_SHARED((NPAD, HP), jnp.float32),
        pltpu.VMEM_SHARED((N, HP), jnp.float32),
        [pltpu.SemaphoreType.DMA] * NB,
        [pltpu.SemaphoreType.DMA] * NB,
        pltpu.SemaphoreType.DMA,
        pltpu.SemaphoreType.DMA,
    ],
)
def _sc_gather_scatter(table_hbm, src_hbm, dst_hbm, out_hbm,
                       src_v, dst_v, bufs, zbuf, acc, tbl, gs, ss, zsem, tsem):
    c = lax.axis_index("c")
    s = lax.axis_index("s")
    wid = s * NC + c

    pltpu.sync_copy(src_hbm.at[wid], src_v)
    pltpu.sync_copy(dst_hbm.at[wid], dst_v)
    base = _tile_row_base(s)
    pltpu.async_copy(table_hbm.at[pl.ds(base, RTC)],
                     tbl.at[pl.ds(base, RTC)], tsem)
    _zero_acc(zbuf, acc, base, zsem)
    pltpu.make_async_copy(table_hbm.at[pl.ds(base, RTC)],
                          tbl.at[pl.ds(base, RTC)], tsem).wait()
    plsc.subcore_barrier()

    for b in range(QD):
        pltpu.async_copy(tbl.at[src_v.at[b]], bufs[b], gs[b])

    def _pipe(i, carry):
        for j in range(NB):
            g = NB * i + j
            b = j
            b2 = (j + QD) % NB
            pltpu.make_async_copy(tbl.at[src_v.at[g]],
                                  bufs[b], gs[b]).wait()
            pltpu.async_copy(bufs[b], acc.at[dst_v.at[g]], ss[b], add=True)

            @pl.when(g >= QD)
            def _():
                pltpu.make_async_copy(bufs[b2], acc.at[dst_v.at[g - QD]],
                                      ss[b2]).wait()

            @pl.when(g + QD < G)
            def _():
                pltpu.async_copy(tbl.at[src_v.at[g + QD]],
                                 bufs[b2], gs[b2])
        return carry

    lax.fori_loop(0, G // NB, _pipe, 0)
    for g in range(G - QD, G):
        pltpu.make_async_copy(bufs[g % NB], acc.at[dst_v.at[g]],
                              ss[g % NB]).wait()
    plsc.subcore_barrier()
    pltpu.sync_copy(acc.at[pl.ds(base, RTC)], out_hbm.at[c, pl.ds(base, RTC)])


N8 = N // 8
LW = 128


def _pk_spec(r):
    return pl.BlockSpec((r, LW), lambda i: (i, 0))


def _part_spec(core):
    return pl.BlockSpec((1, N8, LW), lambda i, core=core: (core, i, 0))


def _full_spec(shape):
    return pl.BlockSpec(shape, lambda i: tuple(0 for _ in shape))


_R8 = N8


def _tc_mm(x_pk, wblk):
    def body(x_ref, w_ref, y_ref):
        y_ref[...] = jnp.dot(x_ref[...], w_ref[...],
                             preferred_element_type=jnp.float32)

    return pl.pallas_call(
        body,
        grid=(1,),
        in_specs=[
            pl.BlockSpec((_R8, 8 * D), lambda i: (i, 0)),
            _full_spec((8 * D, LW)),
        ],
        out_specs=_pk_spec(_R8),
        out_shape=jax.ShapeDtypeStruct((N8, LW), jnp.float32),
    )(x_pk, wblk)


def _tc_scale(ya, degp):
    def body(ya_ref, d0_ref, d1_ref, ta_ref, di_ref):
        deg = d0_ref[0] + d1_ref[0]
        dinv = jnp.where(deg > 0, lax.rsqrt(jnp.maximum(deg, 1e-12)), 0.0)
        ta_ref[...] = dinv * ya_ref[...]
        di_ref[...] = dinv

    return pl.pallas_call(
        body,
        grid=(1,),
        in_specs=[_pk_spec(_R8), _part_spec(0), _part_spec(1)],
        out_specs=[_pk_spec(_R8), _pk_spec(_R8)],
        out_shape=[jax.ShapeDtypeStruct((N8, LW), jnp.float32)] * 2,
    )(ya, degp, degp)


def _tc2(za, aggp, di, w1blk, w0blk, bat):
    def body(za_ref, a0_ref, a1_ref, di_ref, w1_ref, w0_ref, b_ref,
             tb_ref, zb_ref):
        dib = di_ref[...]
        h = jnp.maximum(
            za_ref[...] - dib * (a0_ref[0] + a1_ref[0]) + b_ref[0:1, :],
            0.0)
        tb_ref[...] = dib * jnp.dot(h, w1_ref[...],
                                    preferred_element_type=jnp.float32)
        zb_ref[...] = jnp.dot(h, w0_ref[...],
                              preferred_element_type=jnp.float32)

    return pl.pallas_call(
        body,
        grid=(1,),
        in_specs=[
            _pk_spec(_R8), _part_spec(0), _part_spec(1), _pk_spec(_R8),
            _full_spec((LW, LW)), _full_spec((LW, LW)), _full_spec((8, LW)),
        ],
        out_specs=[_pk_spec(_R8), _pk_spec(_R8)],
        out_shape=[jax.ShapeDtypeStruct((N8, LW), jnp.float32)] * 2,
    )(za, aggp, aggp, di, w1blk, w0blk, bat)


def _tc3(zb, aggp, di, woblk, bbt, bot):
    def body(zb_ref, a0_ref, a1_ref, di_ref, wo_ref, bb_ref, bo_ref, o_ref):
        h = jnp.maximum(
            zb_ref[...] - di_ref[...] * (a0_ref[0] + a1_ref[0])
            + bb_ref[0:1, :],
            0.0)
        o_ref[...] = (jnp.dot(h, wo_ref[...],
                              preferred_element_type=jnp.float32)
                      + bo_ref[0:1, :])

    return pl.pallas_call(
        body,
        grid=(1,),
        in_specs=[
            _pk_spec(_R8), _part_spec(0), _part_spec(1), _pk_spec(_R8),
            _full_spec((LW, LW)), _full_spec((8, LW)), _full_spec((8, LW)),
        ],
        out_specs=_pk_spec(_R8),
        out_shape=jax.ShapeDtypeStruct((N8, LW), jnp.float32),
    )(zb, aggp, aggp, di, woblk, bbt, bot)


def kernel(x, edge_index, W0a, W1a, ba, W0b, W1b, bb, Wo, bo):
    H = W0a.shape[1]
    C = Wo.shape[1]
    src = edge_index[0].reshape(NW, G, K)
    dst = edge_index[1].reshape(NW, G, K)

    eye8 = jnp.eye(8, dtype=jnp.float32)
    w1a_blk = jnp.kron(eye8, jnp.pad(W1a, ((0, 0), (0, HP - H))))
    w0a_blk = jnp.kron(eye8, jnp.pad(W0a, ((0, 0), (0, HP - H))))
    w1b_blk = jnp.kron(eye8, jnp.pad(W1b, ((0, HP - H), (0, HP - H))))
    w0b_blk = jnp.kron(eye8, jnp.pad(W0b, ((0, HP - H), (0, HP - H))))
    wo_blk = jnp.kron(eye8, jnp.pad(Wo, ((0, HP - H), (0, HP - C))))
    bat = jnp.tile(jnp.pad(ba, (0, HP - H)), (8, 8))
    bbt = jnp.tile(jnp.pad(bb, (0, HP - H)), (8, 8))
    bot = jnp.tile(jnp.pad(bo, (0, HP - C)), (8, 8))

    x_pk = x.reshape(N8, 8 * D)
    deg_pk = _sc_degree(src).reshape(NC, N8, LW)
    ya = _tc_mm(x_pk, w1a_blk)
    ta_pk, di = _tc_scale(ya, deg_pk)
    za = _tc_mm(x_pk, w0a_blk)
    agg_pk = _sc_gather_scatter(ta_pk.reshape(N, HP), src,
                                dst).reshape(NC, N8, LW)
    tb_pk, zb = _tc2(za, agg_pk, di, w1b_blk, w0b_blk, bat)
    agg2_pk = _sc_gather_scatter(tb_pk.reshape(N, HP), src,
                                 dst).reshape(NC, N8, LW)
    o_pk = _tc3(zb, agg2_pk, di, wo_blk, bbt, bot)
    return o_pk.reshape(N, HP)[:, :C]

# --- scband reference (transcript-rebuilt; emitter-appended) ---
"""Pipeline reference for scband-net-78606491452018 (READ-ONLY COPY).

The authoritative reference and input builder live on the scoring server;
editing this copy changes nothing except your own understanding.
"""

import jax, jax.numpy as jnp
import numpy as np

N = 10000
E = 320000
D = 128
H = 11  # int(128 ** 0.5)
C = 10


def setup_inputs(seed: int = 0) -> dict:
    key = jax.random.key(seed)
    ks = jax.random.split(key, 12)
    x = jax.random.normal(ks[0], (N, D), dtype=jnp.float32)
    edge_index = jax.random.randint(ks[1], (2, E), 0, N, dtype=jnp.int32)
    s1 = 1.0 / np.sqrt(D)
    s2 = 1.0 / np.sqrt(H)
    W0a = jax.random.uniform(ks[2], (D, H), jnp.float32, -s1, s1)
    W1a = jax.random.uniform(ks[3], (D, H), jnp.float32, -s1, s1)
    ba = jax.random.uniform(ks[4], (H,), jnp.float32, -s1, s1)
    W0b = jax.random.uniform(ks[5], (H, H), jnp.float32, -s2, s2)
    W1b = jax.random.uniform(ks[6], (H, H), jnp.float32, -s2, s2)
    bb = jax.random.uniform(ks[7], (H,), jnp.float32, -s2, s2)
    Wo = jax.random.uniform(ks[8], (H, C), jnp.float32, -s2, s2)
    bo = jax.random.uniform(ks[9], (C,), jnp.float32, -s2, s2)
    return {"x": x, "edge_index": edge_index, "W0a": W0a, "W1a": W1a, "ba": ba,
            "W0b": W0b, "W1b": W1b, "bb": bb, "Wo": Wo, "bo": bo}


def _cheb_k2(x, src, dst, wnorm, W0, W1, b):
    # ChebConv with K=2, lambda_max=2.0 (PyG default):
    # Tx_0 = x ; Tx_1 = L_hat x = -D^{-1/2} A D^{-1/2} x (diagonal cancels)
    msg = wnorm[:, None] * jnp.take(x, src, axis=0)
    tx1 = jnp.zeros_like(x).at[dst].add(msg)
    return x @ W0 + tx1 @ W1 + b


def reference(x, edge_index, W0a, W1a, ba, W0b, W1b, bb, Wo, bo):
    src = edge_index[0]
    dst = edge_index[1]
    ones = jnp.ones((E,), dtype=x.dtype)
    deg = jnp.zeros((N,), dtype=x.dtype).at[src].add(ones)
    dinv = jnp.where(deg > 0, jax.lax.rsqrt(jnp.maximum(deg, 1e-12)), 0.0)
    wnorm = -(jnp.take(dinv, src) * jnp.take(dinv, dst))
    h = jax.nn.relu(_cheb_k2(x, src, dst, wnorm, W0a, W1a, ba))
    # dropout is identity in eval mode
    h = jax.nn.relu(_cheb_k2(h, src, dst, wnorm, W0b, W1b, bb))
    out = h @ Wo + bo
    return out

if __name__ == "__main__":
    import jax
    _d = setup_inputs()
    print(jax.jit(kernel)(*tuple(_d.values())))

</pallas_src>

<mosaic_0001>
#map = affine_map<(d0, d1) -> (0, 0)>
#map1 = affine_map<(d0, d1) -> (0, 0, 0)>
module attributes {stable_mosaic.version = 14 : i64} {
  func.func @_sc_gather_scatter(%arg0: i32, %arg1: i32, %arg2: memref<10000x16xf32, #tpu.memory_space<hbm>>, %arg3: memref<32x80x125xi32, #tpu.memory_space<hbm>>, %arg4: memref<32x80x125xi32, #tpu.memory_space<hbm>>, %arg5: memref<2x10000x16xf32, #tpu.memory_space<hbm>>, %arg6: memref<80x125xi32, #tpu.memory_space<vmem>>, %arg7: memref<80x125xi32, #tpu.memory_space<vmem>>, %arg8: memref<125x16xf32, #tpu.memory_space<vmem>>, %arg9: memref<125x16xf32, #tpu.memory_space<vmem>>, %arg10: memref<125x16xf32, #tpu.memory_space<vmem>>, %arg11: memref<125x16xf32, #tpu.memory_space<vmem>>, %arg12: memref<125x16xf32, #tpu.memory_space<vmem>>, %arg13: memref<125x16xf32, #tpu.memory_space<vmem>>, %arg14: memref<125x16xf32, #tpu.memory_space<vmem>>, %arg15: memref<125x16xf32, #tpu.memory_space<vmem>>, %arg16: memref<80x16xf32, #tpu.memory_space<vmem>>, %arg17: memref<10016x16xf32, #tpu.memory_space<vmem_shared>>, %arg18: memref<10000x16xf32, #tpu.memory_space<vmem_shared>>, %arg19: memref<!tpu.dma_semaphore, #tpu.memory_space<semaphore_mem>>, %arg20: memref<!tpu.dma_semaphore, #tpu.memory_space<semaphore_mem>>, %arg21: memref<!tpu.dma_semaphore, #tpu.memory_space<semaphore_mem>>, %arg22: memref<!tpu.dma_semaphore, #tpu.memory_space<semaphore_mem>>, %arg23: memref<!tpu.dma_semaphore, #tpu.memory_space<semaphore_mem>>, %arg24: memref<!tpu.dma_semaphore, #tpu.memory_space<semaphore_mem>>, %arg25: memref<!tpu.dma_semaphore, #tpu.memory_space<semaphore_mem>>, %arg26: memref<!tpu.dma_semaphore, #tpu.memory_space<semaphore_mem>>, %arg27: memref<!tpu.dma_semaphore, #tpu.memory_space<semaphore_mem>>, %arg28: memref<!tpu.dma_semaphore, #tpu.memory_space<semaphore_mem>>, %arg29: memref<!tpu.dma_semaphore, #tpu.memory_space<semaphore_mem>>, %arg30: memref<!tpu.dma_semaphore, #tpu.memory_space<semaphore_mem>>, %arg31: memref<!tpu.dma_semaphore, #tpu.memory_space<semaphore_mem>>, %arg32: memref<!tpu.dma_semaphore, #tpu.memory_space<semaphore_mem>>, %arg33: memref<!tpu.dma_semaphore, #tpu.memory_space<semaphore_mem>>, %arg34: memref<!tpu.dma_semaphore, #tpu.memory_space<semaphore_mem>>, %arg35: memref<!tpu.dma_semaphore, #tpu.memory_space<semaphore_mem>>, %arg36: memref<!tpu.dma_semaphore, #tpu.memory_space<semaphore_mem>>) attributes {dimension_semantics = [#tpu.dimension_semantics<core_parallel>, #tpu.dimension_semantics<subcore_parallel>], iteration_bounds = array<i64: 2, 16>, scalar_prefetch = 0 : i64, scratch_operands = 31 : i64, tpu.core_type = #tpu.core_type<sc_vector_subcore>, window_params = [{transform_indices = #map}, {transform_indices = #map1}, {transform_indices = #map1}, {transform_indices = #map1}]} {
    %mul3A = arith.constant 2 : i32
    %mul3A_0 = arith.muli %arg1, %mul3A : i32
    %add3A = arith.addi %mul3A_0, %arg0 : i32
    "tpu.region"() ({
      %run_scoped3A = tpu.sem_alloc : memref<!tpu.dma_semaphore, #tpu.memory_space<semaphore_mem>>
      %dma_start3A_191 = arith.constant 0 : i32
      %dma_start3A_192 = arith.constant 0 : i32
      %dma_start3A_193 = tpu.memref_slice %arg3[%add3A, %dma_start3A_191, %dma_start3A_192] : memref<32x80x125xi32, #tpu.memory_space<hbm>> -> memref<1x80x125xi32, #tpu.memory_space<hbm>>
      %dma_start3A_194 = tpu.memref_squeeze %dma_start3A_193 : memref<1x80x125xi32, #tpu.memory_space<hbm>> -> memref<80x125xi32, #tpu.memory_space<hbm>>
      %dma_start3A_195 = arith.constant 0 : i32
      %dma_start3A_196 = arith.constant 0 : i32
      %dma_start3A_197 = tpu.memref_slice %arg3[%add3A, %dma_start3A_195, %dma_start3A_196] : memref<32x80x125xi32, #tpu.memory_space<hbm>> -> memref<1x80x125xi32, #tpu.memory_space<hbm>>
      %dma_start3A_198 = tpu.memref_squeeze %dma_start3A_197 : memref<1x80x125xi32, #tpu.memory_space<hbm>> -> memref<80x125xi32, #tpu.memory_space<hbm>>
      tpu.enqueue_dma source(%dma_start3A_198 : memref<80x125xi32, #tpu.memory_space<hbm>>) target(%arg6 : memref<80x125xi32, #tpu.memory_space<vmem>>) target_semaphore(%run_scoped3A : memref<!tpu.dma_semaphore, #tpu.memory_space<semaphore_mem>>)
      %dma_wait3A_199 = arith.constant 0 : i32
      %dma_wait3A_200 = arith.constant 0 : i32
      %dma_wait3A_201 = tpu.memref_slice %arg3[%add3A, %dma_wait3A_199, %dma_wait3A_200] : memref<32x80x125xi32, #tpu.memory_space<hbm>> -> memref<1x80x125xi32, #tpu.memory_space<hbm>>
      %dma_wait3A_202 = tpu.memref_squeeze %dma_wait3A_201 : memref<1x80x125xi32, #tpu.memory_space<hbm>> -> memref<80x125xi32, #tpu.memory_space<hbm>>
      %dma_wait3A_203 = arith.constant 0 : i32
      %dma_wait3A_204 = arith.constant 0 : i32
      %dma_wait3A_205 = tpu.memref_slice %arg3[%add3A, %dma_wait3A_203, %dma_wait3A_204] : memref<32x80x125xi32, #tpu.memory_space<hbm>> -> memref<1x80x125xi32, #tpu.memory_space<hbm>>
      %dma_wait3A_206 = tpu.memref_squeeze %dma_wait3A_205 : memref<1x80x125xi32, #tpu.memory_space<hbm>> -> memref<80x125xi32, #tpu.memory_space<hbm>>
      tpu.wait_dma2 semaphore(%run_scoped3A : memref<!tpu.dma_semaphore, #tpu.memory_space<semaphore_mem>>) src(%dma_wait3A_206 : memref<80x125xi32, #tpu.memory_space<hbm>>) dst(%arg6 : memref<80x125xi32, #tpu.memory_space<vmem>>)
      tpu.yield
    }) : () -> ()
    "tpu.region"() ({
      %run_scoped3A = tpu.sem_alloc : memref<!tpu.dma_semaphore, #tpu.memory_space<semaphore_mem>>
      %dma_start3A_191 = arith.constant 0 : i32
      %dma_start3A_192 = arith.constant 0 : i32
      %dma_start3A_193 = tpu.memref_slice %arg4[%add3A, %dma_start3A_191, %dma_start3A_192] : memref<32x80x125xi32, #tpu.memory_space<hbm>> -> memref<1x80x125xi32, #tpu.memory_space<hbm>>
      %dma_start3A_194 = tpu.memref_squeeze %dma_start3A_193 : memref<1x80x125xi32, #tpu.memory_space<hbm>> -> memref<80x125xi32, #tpu.memory_space<hbm>>
      %dma_start3A_195 = arith.constant 0 : i32
      %dma_start3A_196 = arith.constant 0 : i32
      %dma_start3A_197 = tpu.memref_slice %arg4[%add3A, %dma_start3A_195, %dma_start3A_196] : memref<32x80x125xi32, #tpu.memory_space<hbm>> -> memref<1x80x125xi32, #tpu.memory_space<hbm>>
      %dma_start3A_198 = tpu.memref_squeeze %dma_start3A_197 : memref<1x80x125xi32, #tpu.memory_space<hbm>> -> memref<80x125xi32, #tpu.memory_space<hbm>>
      tpu.enqueue_dma source(%dma_start3A_198 : memref<80x125xi32, #tpu.memory_space<hbm>>) target(%arg7 : memref<80x125xi32, #tpu.memory_space<vmem>>) target_semaphore(%run_scoped3A : memref<!tpu.dma_semaphore, #tpu.memory_space<semaphore_mem>>)
      %dma_wait3A_199 = arith.constant 0 : i32
      %dma_wait3A_200 = arith.constant 0 : i32
      %dma_wait3A_201 = tpu.memref_slice %arg4[%add3A, %dma_wait3A_199, %dma_wait3A_200] : memref<32x80x125xi32, #tpu.memory_space<hbm>> -> memref<1x80x125xi32, #tpu.memory_space<hbm>>
      %dma_wait3A_202 = tpu.memref_squeeze %dma_wait3A_201 : memref<1x80x125xi32, #tpu.memory_space<hbm>> -> memref<80x125xi32, #tpu.memory_space<hbm>>
      %dma_wait3A_203 = arith.constant 0 : i32
      %dma_wait3A_204 = arith.constant 0 : i32
      %dma_wait3A_205 = tpu.memref_slice %arg4[%add3A, %dma_wait3A_203, %dma_wait3A_204] : memref<32x80x125xi32, #tpu.memory_space<hbm>> -> memref<1x80x125xi32, #tpu.memory_space<hbm>>
      %dma_wait3A_206 = tpu.memref_squeeze %dma_wait3A_205 : memref<1x80x125xi32, #tpu.memory_space<hbm>> -> memref<80x125xi32, #tpu.memory_space<hbm>>
      tpu.wait_dma2 semaphore(%run_scoped3A : memref<!tpu.dma_semaphore, #tpu.memory_space<semaphore_mem>>) src(%dma_wait3A_206 : memref<80x125xi32, #tpu.memory_space<hbm>>) dst(%arg7 : memref<80x125xi32, #tpu.memory_space<vmem>>)
      tpu.yield
    }) : () -> ()
    %mul3A_1 = arith.constant 625 : i32
    %mul3A_2 = arith.muli %arg1, %mul3A_1 : i32
    %jit3A = arith.constant 8 : i32
    %div3A = arith.divsi %mul3A_2, %jit3A : i32
    %sign3A = arith.constant 0 : i32
    %sign3A_3 = arith.cmpi sgt, %mul3A_2, %sign3A : i32
    %sign3A_4 = arith.extui %sign3A_3 : i1 to i32
    %sign3A_5 = arith.constant 0 : i32
    %sign3A_6 = arith.cmpi slt, %mul3A_2, %sign3A_5 : i32
    %sign3A_7 = arith.extui %sign3A_6 : i1 to i32
    %sign3A_8 = arith.subi %sign3A_4, %sign3A_7 : i32
    %sign3A_9 = arith.constant 0 : i32
    %sign3A_10 = arith.cmpi sgt, %jit3A, %sign3A_9 : i32
    %sign3A_11 = arith.extui %sign3A_10 : i1 to i32
    %sign3A_12 = arith.constant 0 : i32
    %sign3A_13 = arith.cmpi slt, %jit3A, %sign3A_12 : i32
    %sign3A_14 = arith.extui %sign3A_13 : i1 to i32
    %sign3A_15 = arith.subi %sign3A_11, %sign3A_14 : i32
    %ne3A = arith.cmpi ne, %sign3A_8, %sign3A_15 : i32
    %rem3A = arith.remsi %mul3A_2, %jit3A : i32
    %ne3A_16 = arith.constant 0 : i32
    %ne3A_17 = arith.cmpi ne, %rem3A, %ne3A_16 : i32
    %and3A = arith.andi %ne3A, %ne3A_17 : i1
    %sub3A = arith.constant 1 : i32
    %sub3A_18 = arith.subi %div3A, %sub3A : i32
    %select_n3A = arith.select %and3A, %sub3A_18, %div3A : i32
    %mul3A_19 = arith.constant 8 : i32
    %mul3A_20 = arith.muli %select_n3A, %mul3A_19 : i32
    %multiple_of3A = tpu.assume_multiple %mul3A_20, 8 : i32
    %dma_start3A = arith.constant 0 : i32
    %dma_start3A_21 = tpu.memref_slice %arg18[%multiple_of3A, %dma_start3A] : memref<10000x16xf32, #tpu.memory_space<vmem_shared>> -> memref<632x16xf32, #tpu.memory_space<vmem_shared>>
    %dma_start3A_22 = arith.constant 0 : i32
    %dma_start3A_23 = tpu.memref_slice %arg2[%multiple_of3A, %dma_start3A_22] : memref<10000x16xf32, #tpu.memory_space<hbm>> -> memref<632x16xf32, #tpu.memory_space<hbm>>
    tpu.enqueue_dma source(%dma_start3A_23 : memref<632x16xf32, #tpu.memory_space<hbm>>) target(%dma_start3A_21 : memref<632x16xf32, #tpu.memory_space<vmem_shared>>) target_semaphore(%arg36 : memref<!tpu.dma_semaphore, #tpu.memory_space<semaphore_mem>>)
    %scan3A = arith.constant 0 : i32
    %scan3A_24 = arith.constant 0 : i32
    %scan3A_25 = arith.constant 80 : i32
    %scan3A_26 = arith.addi %scan3A_24, %scan3A_25 : i32
    %scan3A_27 = arith.constant 1 : i32
    scf.for %scan3A_191 = %scan3A_24 to %scan3A_26 step %scan3A_27  : i32 {
      %broadcast_in_dim3A = arith.constant 0.000000e+00 : f32
      %broadcast_in_dim3A_192 = vector.broadcast %broadcast_in_dim3A : f32 to vector<16xf32>
      %swap3A = arith.index_cast %scan3A_191 : i32 to index
      %swap3A_193 = arith.constant 0 : index
      %swap3A_194 = tpu.vector_load %arg16[%swap3A, %swap3A_193] {strides = array<i32>} : memref<80x16xf32, #tpu.memory_space<vmem>>, vector<1x16xf32>,
      %swap3A_195 = vector.shape_cast %swap3A_194 : vector<1x16xf32> to vector<16xf32>
      %swap3A_196 = vector.shape_cast %broadcast_in_dim3A_192 : vector<16xf32> to vector<1x16xf32>
      tpu.vector_store %arg16[%swap3A, %swap3A_193], %swap3A_196 {strides = array<i32>} : memref<80x16xf32, #tpu.memory_space<vmem>>, vector<1x16xf32>,
    }
    %scan3A_28 = arith.constant 80 : i32
    %add3A_29 = arith.constant 0 : i32
    %add3A_30 = arith.addi %multiple_of3A, %add3A_29 : i32
    %dma_start3A_31 = arith.constant 0 : i32
    %dma_start3A_32 = tpu.memref_slice %arg17[%add3A_30, %dma_start3A_31] : memref<10016x16xf32, #tpu.memory_space<vmem_shared>> -> memref<80x16xf32, #tpu.memory_space<vmem_shared>>
    %dma_start3A_33 = arith.constant 0 : i32
    %dma_start3A_34 = tpu.memref_slice %arg17[%add3A_30, %dma_start3A_33] : memref<10016x16xf32, #tpu.memory_space<vmem_shared>> -> memref<80x16xf32, #tpu.memory_space<vmem_shared>>
    tpu.enqueue_dma source(%arg16 : memref<80x16xf32, #tpu.memory_space<vmem>>) target(%dma_start3A_34 : memref<80x16xf32, #tpu.memory_space<vmem_shared>>) target_semaphore(%arg35 : memref<!tpu.dma_semaphore, #tpu.memory_space<semaphore_mem>>)
    %add3A_35 = arith.constant 80 : i32
    %add3A_36 = arith.addi %multiple_of3A, %add3A_35 : i32
    %dma_start3A_37 = arith.constant 0 : i32
    %dma_start3A_38 = tpu.memref_slice %arg17[%add3A_36, %dma_start3A_37] : memref<10016x16xf32, #tpu.memory_space<vmem_shared>> -> memref<80x16xf32, #tpu.memory_space<vmem_shared>>
    %dma_start3A_39 = arith.constant 0 : i32
    %dma_start3A_40 = tpu.memref_slice %arg17[%add3A_36, %dma_start3A_39] : memref<10016x16xf32, #tpu.memory_space<vmem_shared>> -> memref<80x16xf32, #tpu.memory_space<vmem_shared>>
    tpu.enqueue_dma source(%arg16 : memref<80x16xf32, #tpu.memory_space<vmem>>) target(%dma_start3A_40 : memref<80x16xf32, #tpu.memory_space<vmem_shared>>) target_semaphore(%arg35 : memref<!tpu.dma_semaphore, #tpu.memory_space<semaphore_mem>>)
    %add3A_41 = arith.constant 160 : i32
    %add3A_42 = arith.addi %multiple_of3A, %add3A_41 : i32
    %dma_start3A_43 = arith.constant 0 : i32
    %dma_start3A_44 = tpu.memref_slice %arg17[%add3A_42, %dma_start3A_43] : memref<10016x16xf32, #tpu.memory_space<vmem_shared>> -> memref<80x16xf32, #tpu.memory_space<vmem_shared>>
    %dma_start3A_45 = arith.constant 0 : i32
    %dma_start3A_46 = tpu.memref_slice %arg17[%add3A_42, %dma_start3A_45] : memref<10016x16xf32, #tpu.memory_space<vmem_shared>> -> memref<80x16xf32, #tpu.memory_space<vmem_shared>>
    tpu.enqueue_dma source(%arg16 : memref<80x16xf32, #tpu.memory_space<vmem>>) target(%dma_start3A_46 : memref<80x16xf32, #tpu.memory_space<vmem_shared>>) target_semaphore(%arg35 : memref<!tpu.dma_semaphore, #tpu.memory_space<semaphore_mem>>)
    %add3A_47 = arith.constant 240 : i32
    %add3A_48 = arith.addi %multiple_of3A, %add3A_47 : i32
    %dma_start3A_49 = arith.constant 0 : i32
    %dma_start3A_50 = tpu.memref_slice %arg17[%add3A_48, %dma_start3A_49] : memref<10016x16xf32, #tpu.memory_space<vmem_shared>> -> memref<80x16xf32, #tpu.memory_space<vmem_shared>>
    %dma_start3A_51 = arith.constant 0 : i32
    %dma_start3A_52 = tpu.memref_slice %arg17[%add3A_48, %dma_start3A_51] : memref<10016x16xf32, #tpu.memory_space<vmem_shared>> -> memref<80x16xf32, #tpu.memory_space<vmem_shared>>
    tpu.enqueue_dma source(%arg16 : memref<80x16xf32, #tpu.memory_space<vmem>>) target(%dma_start3A_52 : memref<80x16xf32, #tpu.memory_space<vmem_shared>>) target_semaphore(%arg35 : memref<!tpu.dma_semaphore, #tpu.memory_space<semaphore_mem>>)
    %add3A_53 = arith.constant 320 : i32
    %add3A_54 = arith.addi %multiple_of3A, %add3A_53 : i32
    %dma_start3A_55 = arith.constant 0 : i32
    %dma_start3A_56 = tpu.memref_slice %arg17[%add3A_54, %dma_start3A_55] : memref<10016x16xf32, #tpu.memory_space<vmem_shared>> -> memref<80x16xf32, #tpu.memory_space<vmem_shared>>
    %dma_start3A_57 = arith.constant 0 : i32
    %dma_start3A_58 = tpu.memref_slice %arg17[%add3A_54, %dma_start3A_57] : memref<10016x16xf32, #tpu.memory_space<vmem_shared>> -> memref<80x16xf32, #tpu.memory_space<vmem_shared>>
    tpu.enqueue_dma source(%arg16 : memref<80x16xf32, #tpu.memory_space<vmem>>) target(%dma_start3A_58 : memref<80x16xf32, #tpu.memory_space<vmem_shared>>) target_semaphore(%arg35 : memref<!tpu.dma_semaphore, #tpu.memory_space<semaphore_mem>>)
    %add3A_59 = arith.constant 400 : i32
    %add3A_60 = arith.addi %multiple_of3A, %add3A_59 : i32
    %dma_start3A_61 = arith.constant 0 : i32
    %dma_start3A_62 = tpu.memref_slice %arg17[%add3A_60, %dma_start3A_61] : memref<10016x16xf32, #tpu.memory_space<vmem_shared>> -> memref<80x16xf32, #tpu.memory_space<vmem_shared>>
    %dma_start3A_63 = arith.constant 0 : i32
    %dma_start3A_64 = tpu.memref_slice %arg17[%add3A_60, %dma_start3A_63] : memref<10016x16xf32, #tpu.memory_space<vmem_shared>> -> memref<80x16xf32, #tpu.memory_space<vmem_shared>>
    tpu.enqueue_dma source(%arg16 : memref<80x16xf32, #tpu.memory_space<vmem>>) target(%dma_start3A_64 : memref<80x16xf32, #tpu.memory_space<vmem_shared>>) target_semaphore(%arg35 : memref<!tpu.dma_semaphore, #tpu.memory_space<semaphore_mem>>)
    %add3A_65 = arith.constant 480 : i32
    %add3A_66 = arith.addi %multiple_of3A, %add3A_65 : i32
    %dma_start3A_67 = arith.constant 0 : i32
    %dma_start3A_68 = tpu.memref_slice %arg17[%add3A_66, %dma_start3A_67] : memref<10016x16xf32, #tpu.memory_space<vmem_shared>> -> memref<80x16xf32, #tpu.memory_space<vmem_shared>>
    %dma_start3A_69 = arith.constant 0 : i32
    %dma_start3A_70 = tpu.memref_slice %arg17[%add3A_66, %dma_start3A_69] : memref<10016x16xf32, #tpu.memory_space<vmem_shared>> -> memref<80x16xf32, #tpu.memory_space<vmem_shared>>
    tpu.enqueue_dma source(%arg16 : memref<80x16xf32, #tpu.memory_space<vmem>>) target(%dma_start3A_70 : memref<80x16xf32, #tpu.memory_space<vmem_shared>>) target_semaphore(%arg35 : memref<!tpu.dma_semaphore, #tpu.memory_space<semaphore_mem>>)
    %add3A_71 = arith.constant 560 : i32
    %add3A_72 = arith.addi %multiple_of3A, %add3A_71 : i32
    %dma_start3A_73 = arith.constant 0 : i32
    %dma_start3A_74 = tpu.memref_slice %arg17[%add3A_72, %dma_start3A_73] : memref<10016x16xf32, #tpu.memory_space<vmem_shared>> -> memref<80x16xf32, #tpu.memory_space<vmem_shared>>
    %dma_start3A_75 = arith.constant 0 : i32
    %dma_start3A_76 = tpu.memref_slice %arg17[%add3A_72, %dma_start3A_75] : memref<10016x16xf32, #tpu.memory_space<vmem_shared>> -> memref<80x16xf32, #tpu.memory_space<vmem_shared>>
    tpu.enqueue_dma source(%arg16 : memref<80x16xf32, #tpu.memory_space<vmem>>) target(%dma_start3A_76 : memref<80x16xf32, #tpu.memory_space<vmem_shared>>) target_semaphore(%arg35 : memref<!tpu.dma_semaphore, #tpu.memory_space<semaphore_mem>>)
    %add3A_77 = arith.constant 0 : i32
    %add3A_78 = arith.addi %multiple_of3A, %add3A_77 : i32
    %dma_wait3A = arith.constant 0 : i32
    %dma_wait3A_79 = tpu.memref_slice %arg17[%add3A_78, %dma_wait3A] : memref<10016x16xf32, #tpu.memory_space<vmem_shared>> -> memref<80x16xf32, #tpu.memory_space<vmem_shared>>
    %dma_wait3A_80 = arith.constant 0 : i32
    %dma_wait3A_81 = tpu.memref_slice %arg17[%add3A_78, %dma_wait3A_80] : memref<10016x16xf32, #tpu.memory_space<vmem_shared>> -> memref<80x16xf32, #tpu.memory_space<vmem_shared>>
    tpu.wait_dma2 semaphore(%arg35 : memref<!tpu.dma_semaphore, #tpu.memory_space<semaphore_mem>>) src(%arg16 : memref<80x16xf32, #tpu.memory_space<vmem>>) dst(%dma_wait3A_81 : memref<80x16xf32, #tpu.memory_space<vmem_shared>>)
    %add3A_82 = arith.constant 80 : i32
    %add3A_83 = arith.addi %multiple_of3A, %add3A_82 : i32
    %dma_wait3A_84 = arith.constant 0 : i32
    %dma_wait3A_85 = tpu.memref_slice %arg17[%add3A_83, %dma_wait3A_84] : memref<10016x16xf32, #tpu.memory_space<vmem_shared>> -> memref<80x16xf32, #tpu.memory_space<vmem_shared>>
    %dma_wait3A_86 = arith.constant 0 : i32
    %dma_wait3A_87 = tpu.memref_slice %arg17[%add3A_83, %dma_wait3A_86] : memref<10016x16xf32, #tpu.memory_space<vmem_shared>> -> memref<80x16xf32, #tpu.memory_space<vmem_shared>>
    tpu.wait_dma2 semaphore(%arg35 : memref<!tpu.dma_semaphore, #tpu.memory_space<semaphore_mem>>) src(%arg16 : memref<80x16xf32, #tpu.memory_space<vmem>>) dst(%dma_wait3A_87 : memref<80x16xf32, #tpu.memory_space<vmem_shared>>)
    %add3A_88 = arith.constant 160 : i32
    %add3A_89 = arith.addi %multiple_of3A, %add3A_88 : i32
    %dma_wait3A_90 = arith.constant 0 : i32
    %dma_wait3A_91 = tpu.memref_slice %arg17[%add3A_89, %dma_wait3A_90] : memref<10016x16xf32, #tpu.memory_space<vmem_shared>> -> memref<80x16xf32, #tpu.memory_space<vmem_shared>>
    %dma_wait3A_92 = arith.constant 0 : i32
    %dma_wait3A_93 = tpu.memref_slice %arg17[%add3A_89, %dma_wait3A_92] : memref<10016x16xf32, #tpu.memory_space<vmem_shared>> -> memref<80x16xf32, #tpu.memory_space<vmem_shared>>
    tpu.wait_dma2 semaphore(%arg35 : memref<!tpu.dma_semaphore, #tpu.memory_space<semaphore_mem>>) src(%arg16 : memref<80x16xf32, #tpu.memory_space<vmem>>) dst(%dma_wait3A_93 : memref<80x16xf32, #tpu.memory_space<vmem_shared>>)
    %add3A_94 = arith.constant 240 : i32
    %add3A_95 = arith.addi %multiple_of3A, %add3A_94 : i32
    %dma_wait3A_96 = arith.constant 0 : i32
    %dma_wait3A_97 = tpu.memref_slice %arg17[%add3A_95, %dma_wait3A_96] : memref<10016x16xf32, #tpu.memory_space<vmem_shared>> -> memref<80x16xf32, #tpu.memory_space<vmem_shared>>
    %dma_wait3A_98 = arith.constant 0 : i32
    %dma_wait3A_99 = tpu.memref_slice %arg17[%add3A_95, %dma_wait3A_98] : memref<10016x16xf32, #tpu.memory_space<vmem_shared>> -> memref<80x16xf32, #tpu.memory_space<vmem_shared>>
    tpu.wait_dma2 semaphore(%arg35 : memref<!tpu.dma_semaphore, #tpu.memory_space<semaphore_mem>>) src(%arg16 : memref<80x16xf32, #tpu.memory_space<vmem>>) dst(%dma_wait3A_99 : memref<80x16xf32, #tpu.memory_space<vmem_shared>>)
    %add3A_100 = arith.constant 320 : i32
    %add3A_101 = arith.addi %multiple_of3A, %add3A_100 : i32
    %dma_wait3A_102 = arith.constant 0 : i32
    %dma_wait3A_103 = tpu.memref_slice %arg17[%add3A_101, %dma_wait3A_102] : memref<10016x16xf32, #tpu.memory_space<vmem_shared>> -> memref<80x16xf32, #tpu.memory_space<vmem_shared>>
    %dma_wait3A_104 = arith.constant 0 : i32
    %dma_wait3A_105 = tpu.memref_slice %arg17[%add3A_101, %dma_wait3A_104] : memref<10016x16xf32, #tpu.memory_space<vmem_shared>> -> memref<80x16xf32, #tpu.memory_space<vmem_shared>>
    tpu.wait_dma2 semaphore(%arg35 : memref<!tpu.dma_semaphore, #tpu.memory_space<semaphore_mem>>) src(%arg16 : memref<80x16xf32, #tpu.memory_space<vmem>>) dst(%dma_wait3A_105 : memref<80x16xf32, #tpu.memory_space<vmem_shared>>)
    %add3A_106 = arith.constant 400 : i32
    %add3A_107 = arith.addi %multiple_of3A, %add3A_106 : i32
    %dma_wait3A_108 = arith.constant 0 : i32
    %dma_wait3A_109 = tpu.memref_slice %arg17[%add3A_107, %dma_wait3A_108] : memref<10016x16xf32, #tpu.memory_space<vmem_shared>> -> memref<80x16xf32, #tpu.memory_space<vmem_shared>>
    %dma_wait3A_110 = arith.constant 0 : i32
    %dma_wait3A_111 = tpu.memref_slice %arg17[%add3A_107, %dma_wait3A_110] : memref<10016x16xf32, #tpu.memory_space<vmem_shared>> -> memref<80x16xf32, #tpu.memory_space<vmem_shared>>
    tpu.wait_dma2 semaphore(%arg35 : memref<!tpu.dma_semaphore, #tpu.memory_space<semaphore_mem>>) src(%arg16 : memref<80x16xf32, #tpu.memory_space<vmem>>) dst(%dma_wait3A_111 : memref<80x16xf32, #tpu.memory_space<vmem_shared>>)
    %add3A_112 = arith.constant 480 : i32
    %add3A_113 = arith.addi %multiple_of3A, %add3A_112 : i32
    %dma_wait3A_114 = arith.constant 0 : i32
    %dma_wait3A_115 = tpu.memref_slice %arg17[%add3A_113, %dma_wait3A_114] : memref<10016x16xf32, #tpu.memory_space<vmem_shared>> -> memref<80x16xf32, #tpu.memory_space<vmem_shared>>
    %dma_wait3A_116 = arith.constant 0 : i32
    %dma_wait3A_117 = tpu.memref_slice %arg17[%add3A_113, %dma_wait3A_116] : memref<10016x16xf32, #tpu.memory_space<vmem_shared>> -> memref<80x16xf32, #tpu.memory_space<vmem_shared>>
    tpu.wait_dma2 semaphore(%arg35 : memref<!tpu.dma_semaphore, #tpu.memory_space<semaphore_mem>>) src(%arg16 : memref<80x16xf32, #tpu.memory_space<vmem>>) dst(%dma_wait3A_117 : memref<80x16xf32, #tpu.memory_space<vmem_shared>>)
    %add3A_118 = arith.constant 560 : i32
    %add3A_119 = arith.addi %multiple_of3A, %add3A_118 : i32
    %dma_wait3A_120 = arith.constant 0 : i32
    %dma_wait3A_121 = tpu.memref_slice %arg17[%add3A_119, %dma_wait3A_120] : memref<10016x16xf32, #tpu.memory_space<vmem_shared>> -> memref<80x16xf32, #tpu.memory_space<vmem_shared>>
    %dma_wait3A_122 = arith.constant 0 : i32
    %dma_wait3A_123 = tpu.memref_slice %arg17[%add3A_119, %dma_wait3A_122] : memref<10016x16xf32, #tpu.memory_space<vmem_shared>> -> memref<80x16xf32, #tpu.memory_space<vmem_shared>>
    tpu.wait_dma2 semaphore(%arg35 : memref<!tpu.dma_semaphore, #tpu.memory_space<semaphore_mem>>) src(%arg16 : memref<80x16xf32, #tpu.memory_space<vmem>>) dst(%dma_wait3A_123 : memref<80x16xf32, #tpu.memory_space<vmem_shared>>)
    %dma_wait3A_124 = arith.constant 0 : i32
    %dma_wait3A_125 = tpu.memref_slice %arg18[%multiple_of3A, %dma_wait3A_124] : memref<10000x16xf32, #tpu.memory_space<vmem_shared>> -> memref<632x16xf32, #tpu.memory_space<vmem_shared>>
    %dma_wait3A_126 = arith.constant 0 : i32
    %dma_wait3A_127 = tpu.memref_slice %arg2[%multiple_of3A, %dma_wait3A_126] : memref<10000x16xf32, #tpu.memory_space<hbm>> -> memref<632x16xf32, #tpu.memory_space<hbm>>
    tpu.wait_dma2 semaphore(%arg36 : memref<!tpu.dma_semaphore, #tpu.memory_space<semaphore_mem>>) src(%dma_wait3A_127 : memref<632x16xf32, #tpu.memory_space<hbm>>) dst(%dma_wait3A_125 : memref<632x16xf32, #tpu.memory_space<vmem_shared>>)
    %barrier3A = arith.constant 0 : index
    tpu.barrier barrier_id(%barrier3A)
    %dma_start3A_128 = arith.constant 0 : i32
    %dma_start3A_129 = arith.constant 0 : i32
    %dma_start3A_130 = tpu.memref_slice %arg6[%dma_start3A_128, %dma_start3A_129] : memref<80x125xi32, #tpu.memory_space<vmem>> -> memref<1x125xi32, #tpu.memory_space<vmem>>
    %dma_start3A_131 = tpu.memref_squeeze %dma_start3A_130 : memref<1x125xi32, #tpu.memory_space<vmem>> -> memref<125xi32, #tpu.memory_space<vmem>>
    %dma_start3A_132 = arith.constant 0 : i32
    %dma_start3A_133 = arith.constant 0 : i32
    %dma_start3A_134 = tpu.memref_slice %arg18[%dma_start3A_132, %dma_start3A_133] : memref<10000x16xf32, #tpu.memory_space<vmem_shared>> -> memref<10000x16xf32, #tpu.memory_space<vmem_shared>>
    tpu.enqueue_indirect_dma source(%dma_start3A_134 : memref<10000x16xf32, #tpu.memory_space<vmem_shared>>) target(%arg8 : memref<125x16xf32, #tpu.memory_space<vmem>>) offsets(%dma_start3A_131 : memref<125xi32, #tpu.memory_space<vmem>>) semaphore(%arg19 : memref<!tpu.dma_semaphore, #tpu.memory_space<semaphore_mem>>)
    %dma_start3A_135 = arith.constant 1 : i32
    %dma_start3A_136 = arith.constant 0 : i32
    %dma_start3A_137 = tpu.memref_slice %arg6[%dma_start3A_135, %dma_start3A_136] : memref<80x125xi32, #tpu.memory_space<vmem>> -> memref<1x125xi32, #tpu.memory_space<vmem>>
    %dma_start3A_138 = tpu.memref_squeeze %dma_start3A_137 : memref<1x125xi32, #tpu.memory_space<vmem>> -> memref<125xi32, #tpu.memory_space<vmem>>
    %dma_start3A_139 = arith.constant 0 : i32
    %dma_start3A_140 = arith.constant 0 : i32
    %dma_start3A_141 = tpu.memref_slice %arg18[%dma_start3A_139, %dma_start3A_140] : memref<10000x16xf32, #tpu.memory_space<vmem_shared>> -> memref<10000x16xf32, #tpu.memory_space<vmem_shared>>
    tpu.enqueue_indirect_dma source(%dma_start3A_141 : memref<10000x16xf32, #tpu.memory_space<vmem_shared>>) target(%arg9 : memref<125x16xf32, #tpu.memory_space<vmem>>) offsets(%dma_start3A_138 : memref<125xi32, #tpu.memory_space<vmem>>) semaphore(%arg20 : memref<!tpu.dma_semaphore, #tpu.memory_space<semaphore_mem>>)
    %dma_start3A_142 = arith.constant 2 : i32
    %dma_start3A_143 = arith.constant 0 : i32
    %dma_start3A_144 = tpu.memref_slice %arg6[%dma_start3A_142, %dma_start3A_143] : memref<80x125xi32, #tpu.memory_space<vmem>> -> memref<1x125xi32, #tpu.memory_space<vmem>>
    %dma_start3A_145 = tpu.memref_squeeze %dma_start3A_144 : memref<1x125xi32, #tpu.memory_space<vmem>> -> memref<125xi32, #tpu.memory_space<vmem>>
    %dma_start3A_146 = arith.constant 0 : i32
    %dma_start3A_147 = arith.constant 0 : i32
    %dma_start3A_148 = tpu.memref_slice %arg18[%dma_start3A_146, %dma_start3A_147] : memref<10000x16xf32, #tpu.memory_space<vmem_shared>> -> memref<10000x16xf32, #tpu.memory_space<vmem_shared>>
    tpu.enqueue_indirect_dma source(%dma_start3A_148 : memref<10000x16xf32, #tpu.memory_space<vmem_shared>>) target(%arg10 : memref<125x16xf32, #tpu.memory_space<vmem>>) offsets(%dma_start3A_145 : memref<125xi32, #tpu.memory_space<vmem>>) semaphore(%arg21 : memref<!tpu.dma_semaphore, #tpu.memory_space<semaphore_mem>>)
    %dma_start3A_149 = arith.constant 3 : i32
    %dma_start3A_150 = arith.constant 0 : i32
    %dma_start3A_151 = tpu.memref_slice %arg6[%dma_start3A_149, %dma_start3A_150] : memref<80x125xi32, #tpu.memory_space<vmem>> -> memref<1x125xi32, #tpu.memory_space<vmem>>
    %dma_start3A_152 = tpu.memref_squeeze %dma_start3A_151 : memref<1x125xi32, #tpu.memory_space<vmem>> -> memref<125xi32, #tpu.memory_space<vmem>>
    %dma_start3A_153 = arith.constant 0 : i32
    %dma_start3A_154 = arith.constant 0 : i32
    %dma_start3A_155 = tpu.memref_slice %arg18[%dma_start3A_153, %dma_start3A_154] : memref<10000x16xf32, #tpu.memory_space<vmem_shared>> -> memref<10000x16xf32, #tpu.memory_space<vmem_shared>>
    tpu.enqueue_indirect_dma source(%dma_start3A_155 : memref<10000x16xf32, #tpu.memory_space<vmem_shared>>) target(%arg11 : memref<125x16xf32, #tpu.memory_space<vmem>>) offsets(%dma_start3A_152 : memref<125xi32, #tpu.memory_space<vmem>>) semaphore(%arg22 : memref<!tpu.dma_semaphore, #tpu.memory_space<semaphore_mem>>)
    %scan3A_156 = arith.constant 0 : i32
    %scan3A_157 = arith.constant 0 : i32
    %scan3A_158 = arith.constant 10 : i32
    %scan3A_159 = arith.addi %scan3A_157, %scan3A_158 : i32
    %scan3A_160 = arith.constant 1 : i32
    scf.for %scan3A_191 = %scan3A_157 to %scan3A_159 step %scan3A_160  : i32 {
      %mul3A_192 = arith.constant 8 : i32
      %mul3A_193 = arith.muli %mul3A_192, %scan3A_191 : i32
      %add3A_194 = arith.constant 0 : i32
      %add3A_195 = arith.addi %mul3A_193, %add3A_194 : i32
      %dma_wait3A_196 = arith.constant 0 : i32
      %dma_wait3A_197 = tpu.memref_slice %arg6[%add3A_195, %dma_wait3A_196] : memref<80x125xi32, #tpu.memory_space<vmem>> -> memref<1x125xi32, #tpu.memory_space<vmem>>
      %dma_wait3A_198 = tpu.memref_squeeze %dma_wait3A_197 : memref<1x125xi32, #tpu.memory_space<vmem>> -> memref<125xi32, #tpu.memory_space<vmem>>
      %dma_wait3A_199 = arith.constant 0 : i32
      %dma_wait3A_200 = arith.constant 0 : i32
      %dma_wait3A_201 = tpu.memref_slice %arg18[%dma_wait3A_199, %dma_wait3A_200] : memref<10000x16xf32, #tpu.memory_space<vmem_shared>> -> memref<10000x16xf32, #tpu.memory_space<vmem_shared>>
      tpu.wait_indirect_dma semaphore(%arg19 : memref<!tpu.dma_semaphore, #tpu.memory_space<semaphore_mem>>) src(%dma_wait3A_201 : memref<10000x16xf32, #tpu.memory_space<vmem_shared>>) dst(%arg8 : memref<125x16xf32, #tpu.memory_space<vmem>>)
      %dma_start3A_202 = arith.constant 0 : i32
      %dma_start3A_203 = tpu.memref_slice %arg7[%add3A_195, %dma_start3A_202] : memref<80x125xi32, #tpu.memory_space<vmem>> -> memref<1x125xi32, #tpu.memory_space<vmem>>
      %dma_start3A_204 = tpu.memref_squeeze %dma_start3A_203 : memref<1x125xi32, #tpu.memory_space<vmem>> -> memref<125xi32, #tpu.memory_space<vmem>>
      %dma_start3A_205 = arith.constant 0 : i32
      %dma_start3A_206 = arith.constant 0 : i32
      %dma_start3A_207 = tpu.memref_slice %arg17[%dma_start3A_205, %dma_start3A_206] : memref<10016x16xf32, #tpu.memory_space<vmem_shared>> -> memref<10016x16xf32, #tpu.memory_space<vmem_shared>>
      tpu.enqueue_indirect_dma source(%arg8 : memref<125x16xf32, #tpu.memory_space<vmem>>) target(%dma_start3A_207 : memref<10016x16xf32, #tpu.memory_space<vmem_shared>>) offsets(%dma_start3A_204 : memref<125xi32, #tpu.memory_space<vmem>>) semaphore(%arg27 : memref<!tpu.dma_semaphore, #tpu.memory_space<semaphore_mem>>) {add = true}
      %ge3A = arith.constant 4 : i32
      %ge3A_208 = arith.cmpi sge, %add3A_195, %ge3A : i32
      %convert_element_type3A = arith.extui %ge3A_208 : i1 to i32
      %cond3A = arith.constant 0 : i32
      %cond3A_209 = arith.cmpi ne, %convert_element_type3A, %cond3A : i32
      scf.if %cond3A_209 {
        %sub3A_412 = arith.constant 4 : i32
        %sub3A_413 = arith.subi %add3A_195, %sub3A_412 : i32
        %dma_wait3A_414 = arith.constant 0 : i32
        %dma_wait3A_415 = tpu.memref_slice %arg7[%sub3A_413, %dma_wait3A_414] : memref<80x125xi32, #tpu.memory_space<vmem>> -> memref<1x125xi32, #tpu.memory_space<vmem>>
        %dma_wait3A_416 = tpu.memref_squeeze %dma_wait3A_415 : memref<1x125xi32, #tpu.memory_space<vmem>> -> memref<125xi32, #tpu.memory_space<vmem>>
        %dma_wait3A_417 = arith.constant 0 : i32
        %dma_wait3A_418 = arith.constant 0 : i32
        %dma_wait3A_419 = tpu.memref_slice %arg17[%dma_wait3A_417, %dma_wait3A_418] : memref<10016x16xf32, #tpu.memory_space<vmem_shared>> -> memref<10016x16xf32, #tpu.memory_space<vmem_shared>>
        tpu.wait_indirect_dma semaphore(%arg31 : memref<!tpu.dma_semaphore, #tpu.memory_space<semaphore_mem>>) src(%arg12 : memref<125x16xf32, #tpu.memory_space<vmem>>) dst(%dma_wait3A_419 : memref<10016x16xf32, #tpu.memory_space<vmem_shared>>)
      } else {
      }
      %add3A_210 = arith.constant 4 : i32
      %add3A_211 = arith.addi %add3A_195, %add3A_210 : i32
      %lt3A = arith.constant 80 : i32
      %lt3A_212 = arith.cmpi slt, %add3A_211, %lt3A : i32
      %convert_element_type3A_213 = arith.extui %lt3A_212 : i1 to i32
      %cond3A_214 = arith.constant 0 : i32
      %cond3A_215 = arith.cmpi ne, %convert_element_type3A_213, %cond3A_214 : i32
      scf.if %cond3A_215 {
        %add3A_412 = arith.constant 4 : i32
        %add3A_413 = arith.addi %add3A_195, %add3A_412 : i32
        %dma_start3A_414 = arith.constant 0 : i32
        %dma_start3A_415 = tpu.memref_slice %arg6[%add3A_413, %dma_start3A_414] : memref<80x125xi32, #tpu.memory_space<vmem>> -> memref<1x125xi32, #tpu.memory_space<vmem>>
        %dma_start3A_416 = tpu.memref_squeeze %dma_start3A_415 : memref<1x125xi32, #tpu.memory_space<vmem>> -> memref<125xi32, #tpu.memory_space<vmem>>
        %dma_start3A_417 = arith.constant 0 : i32
        %dma_start3A_418 = arith.constant 0 : i32
        %dma_start3A_419 = tpu.memref_slice %arg18[%dma_start3A_417, %dma_start3A_418] : memref<10000x16xf32, #tpu.memory_space<vmem_shared>> -> memref<10000x16xf32, #tpu.memory_space<vmem_shared>>
        tpu.enqueue_indirect_dma source(%dma_start3A_419 : memref<10000x16xf32, #tpu.memory_space<vmem_shared>>) target(%arg12 : memref<125x16xf32, #tpu.memory_space<vmem>>) offsets(%dma_start3A_416 : memref<125xi32, #tpu.memory_space<vmem>>) semaphore(%arg23 : memref<!tpu.dma_semaphore, #tpu.memory_space<semaphore_mem>>)
      } else {
      }
      %mul3A_216 = arith.constant 8 : i32
      %mul3A_217 = arith.muli %mul3A_216, %scan3A_191 : i32
      %add3A_218 = arith.constant 1 : i32
      %add3A_219 = arith.addi %mul3A_217, %add3A_218 : i32
      %dma_wait3A_220 = arith.constant 0 : i32
      %dma_wait3A_221 = tpu.memref_slice %arg6[%add3A_219, %dma_wait3A_220] : memref<80x125xi32, #tpu.memory_space<vmem>> -> memref<1x125xi32, #tpu.memory_space<vmem>>
      %dma_wait3A_222 = tpu.memref_squeeze %dma_wait3A_221 : memref<1x125xi32, #tpu.memory_space<vmem>> -> memref<125xi32, #tpu.memory_space<vmem>>
      %dma_wait3A_223 = arith.constant 0 : i32
      %dma_wait3A_224 = arith.constant 0 : i32
      %dma_wait3A_225 = tpu.memref_slice %arg18[%dma_wait3A_223, %dma_wait3A_224] : memref<10000x16xf32, #tpu.memory_space<vmem_shared>> -> memref<10000x16xf32, #tpu.memory_space<vmem_shared>>
      tpu.wait_indirect_dma semaphore(%arg20 : memref<!tpu.dma_semaphore, #tpu.memory_space<semaphore_mem>>) src(%dma_wait3A_225 : memref<10000x16xf32, #tpu.memory_space<vmem_shared>>) dst(%arg9 : memref<125x16xf32, #tpu.memory_space<vmem>>)
      %dma_start3A_226 = arith.constant 0 : i32
      %dma_start3A_227 = tpu.memref_slice %arg7[%add3A_219, %dma_start3A_226] : memref<80x125xi32, #tpu.memory_space<vmem>> -> memref<1x125xi32, #tpu.memory_space<vmem>>
      %dma_start3A_228 = tpu.memref_squeeze %dma_start3A_227 : memref<1x125xi32, #tpu.memory_space<vmem>> -> memref<125xi32, #tpu.memory_space<vmem>>
      %dma_start3A_229 = arith.constant 0 : i32
      %dma_start3A_230 = arith.constant 0 : i32
      %dma_start3A_231 = tpu.memref_slice %arg17[%dma_start3A_229, %dma_start3A_230] : memref<10016x16xf32, #tpu.memory_space<vmem_shared>> -> memref<10016x16xf32, #tpu.memory_space<vmem_shared>>
      tpu.enqueue_indirect_dma source(%arg9 : memref<125x16xf32, #tpu.memory_space<vmem>>) target(%dma_start3A_231 : memref<10016x16xf32, #tpu.memory_space<vmem_shared>>) offsets(%dma_start3A_228 : memref<125xi32, #tpu.memory_space<vmem>>) semaphore(%arg28 : memref<!tpu.dma_semaphore, #tpu.memory_space<semaphore_mem>>) {add = true}
      %ge3A_232 = arith.constant 4 : i32
      %ge3A_233 = arith.cmpi sge, %add3A_219, %ge3A_232 : i32
      %convert_element_type3A_234 = arith.extui %ge3A_233 : i1 to i32
      %cond3A_235 = arith.constant 0 : i32
      %cond3A_236 = arith.cmpi ne, %convert_element_type3A_234, %cond3A_235 : i32
      scf.if %cond3A_236 {
        %sub3A_412 = arith.constant 4 : i32
        %sub3A_413 = arith.subi %add3A_219, %sub3A_412 : i32
        %dma_wait3A_414 = arith.constant 0 : i32
        %dma_wait3A_415 = tpu.memref_slice %arg7[%sub3A_413, %dma_wait3A_414] : memref<80x125xi32, #tpu.memory_space<vmem>> -> memref<1x125xi32, #tpu.memory_space<vmem>>
        %dma_wait3A_416 = tpu.memref_squeeze %dma_wait3A_415 : memref<1x125xi32, #tpu.memory_space<vmem>> -> memref<125xi32, #tpu.memory_space<vmem>>
        %dma_wait3A_417 = arith.constant 0 : i32
        %dma_wait3A_418 = arith.constant 0 : i32
        %dma_wait3A_419 = tpu.memref_slice %arg17[%dma_wait3A_417, %dma_wait3A_418] : memref<10016x16xf32, #tpu.memory_space<vmem_shared>> -> memref<10016x16xf32, #tpu.memory_space<vmem_shared>>
        tpu.wait_indirect_dma semaphore(%arg32 : memref<!tpu.dma_semaphore, #tpu.memory_space<semaphore_mem>>) src(%arg13 : memref<125x16xf32, #tpu.memory_space<vmem>>) dst(%dma_wait3A_419 : memref<10016x16xf32, #tpu.memory_space<vmem_shared>>)
      } else {
      }
      %add3A_237 = arith.constant 4 : i32
      %add3A_238 = arith.addi %add3A_219, %add3A_237 : i32
      %lt3A_239 = arith.constant 80 : i32
      %lt3A_240 = arith.cmpi slt, %add3A_238, %lt3A_239 : i32
      %convert_element_type3A_241 = arith.extui %lt3A_240 : i1 to i32
      %cond3A_242 = arith.constant 0 : i32
      %cond3A_243 = arith.cmpi ne, %convert_element_type3A_241, %cond3A_242 : i32
      scf.if %cond3A_243 {
        %add3A_412 = arith.constant 4 : i32
        %add3A_413 = arith.addi %add3A_219, %add3A_412 : i32
        %dma_start3A_414 = arith.constant 0 : i32
        %dma_start3A_415 = tpu.memref_slice %arg6[%add3A_413, %dma_start3A_414] : memref<80x125xi32, #tpu.memory_space<vmem>> -> memref<1x125xi32, #tpu.memory_space<vmem>>
        %dma_start3A_416 = tpu.memref_squeeze %dma_start3A_415 : memref<1x125xi32, #tpu.memory_space<vmem>> -> memref<125xi32, #tpu.memory_space<vmem>>
        %dma_start3A_417 = arith.constant 0 : i32
        %dma_start3A_418 = arith.constant 0 : i32
        %dma_start3A_419 = tpu.memref_slice %arg18[%dma_start3A_417, %dma_start3A_418] : memref<10000x16xf32, #tpu.memory_space<vmem_shared>> -> memref<10000x16xf32, #tpu.memory_space<vmem_shared>>
        tpu.enqueue_indirect_dma source(%dma_start3A_419 : memref<10000x16xf32, #tpu.memory_space<vmem_shared>>) target(%arg13 : memref<125x16xf32, #tpu.memory_space<vmem>>) offsets(%dma_start3A_416 : memref<125xi32, #tpu.memory_space<vmem>>) semaphore(%arg24 : memref<!tpu.dma_semaphore, #tpu.memory_space<semaphore_mem>>)
      } else {
      }
      %mul3A_244 = arith.constant 8 : i32
      %mul3A_245 = arith.muli %mul3A_244, %scan3A_191 : i32
      %add3A_246 = arith.constant 2 : i32
      %add3A_247 = arith.addi %mul3A_245, %add3A_246 : i32
      %dma_wait3A_248 = arith.constant 0 : i32
      %dma_wait3A_249 = tpu.memref_slice %arg6[%add3A_247, %dma_wait3A_248] : memref<80x125xi32, #tpu.memory_space<vmem>> -> memref<1x125xi32, #tpu.memory_space<vmem>>
      %dma_wait3A_250 = tpu.memref_squeeze %dma_wait3A_249 : memref<1x125xi32, #tpu.memory_space<vmem>> -> memref<125xi32, #tpu.memory_space<vmem>>
      %dma_wait3A_251 = arith.constant 0 : i32
      %dma_wait3A_252 = arith.constant 0 : i32
      %dma_wait3A_253 = tpu.memref_slice %arg18[%dma_wait3A_251, %dma_wait3A_252] : memref<10000x16xf32, #tpu.memory_space<vmem_shared>> -> memref<10000x16xf32, #tpu.memory_space<vmem_shared>>
      tpu.wait_indirect_dma semaphore(%arg21 : memref<!tpu.dma_semaphore, #tpu.memory_space<semaphore_mem>>) src(%dma_wait3A_253 : memref<10000x16xf32, #tpu.memory_space<vmem_shared>>) dst(%arg10 : memref<125x16xf32, #tpu.memory_space<vmem>>)
      %dma_start3A_254 = arith.constant 0 : i32
      %dma_start3A_255 = tpu.memref_slice %arg7[%add3A_247, %dma_start3A_254] : memref<80x125xi32, #tpu.memory_space<vmem>> -> memref<1x125xi32, #tpu.memory_space<vmem>>
      %dma_start3A_256 = tpu.memref_squeeze %dma_start3A_255 : memref<1x125xi32, #tpu.memory_space<vmem>> -> memref<125xi32, #tpu.memory_space<vmem>>
      %dma_start3A_257 = arith.constant 0 : i32
      %dma_start3A_258 = arith.constant 0 : i32
      %dma_start3A_259 = tpu.memref_slice %arg17[%dma_start3A_257, %dma_start3A_258] : memref<10016x16xf32, #tpu.memory_space<vmem_shared>> -> memref<10016x16xf32, #tpu.memory_space<vmem_shared>>
      tpu.enqueue_indirect_dma source(%arg10 : memref<125x16xf32, #tpu.memory_space<vmem>>) target(%dma_start3A_259 : memref<10016x16xf32, #tpu.memory_space<vmem_shared>>) offsets(%dma_start3A_256 : memref<125xi32, #tpu.memory_space<vmem>>) semaphore(%arg29 : memref<!tpu.dma_semaphore, #tpu.memory_space<semaphore_mem>>) {add = true}
      %ge3A_260 = arith.constant 4 : i32
      %ge3A_261 = arith.cmpi sge, %add3A_247, %ge3A_260 : i32
      %convert_element_type3A_262 = arith.extui %ge3A_261 : i1 to i32
      %cond3A_263 = arith.constant 0 : i32
      %cond3A_264 = arith.cmpi ne, %convert_element_type3A_262, %cond3A_263 : i32
      scf.if %cond3A_264 {
        %sub3A_412 = arith.constant 4 : i32
        %sub3A_413 = arith.subi %add3A_247, %sub3A_412 : i32
        %dma_wait3A_414 = arith.constant 0 : i32
        %dma_wait3A_415 = tpu.memref_slice %arg7[%sub3A_413, %dma_wait3A_414] : memref<80x125xi32, #tpu.memory_space<vmem>> -> memref<1x125xi32, #tpu.memory_space<vmem>>
        %dma_wait3A_416 = tpu.memref_squeeze %dma_wait3A_415 : memref<1x125xi32, #tpu.memory_space<vmem>> -> memref<125xi32, #tpu.memory_space<vmem>>
        %dma_wait3A_417 = arith.constant 0 : i32
        %dma_wait3A_418 = arith.constant 0 : i32
        %dma_wait3A_419 = tpu.memref_slice %arg17[%dma_wait3A_417, %dma_wait3A_418] : memref<10016x16xf32, #tpu.memory_space<vmem_shared>> -> memref<10016x16xf32, #tpu.memory_space<vmem_shared>>
        tpu.wait_indirect_dma semaphore(%arg33 : memref<!tpu.dma_semaphore, #tpu.memory_space<semaphore_mem>>) src(%arg14 : memref<125x16xf32, #tpu.memory_space<vmem>>) dst(%dma_wait3A_419 : memref<10016x16xf32, #tpu.memory_space<vmem_shared>>)
      } else {
      }
      %add3A_265 = arith.constant 4 : i32
      %add3A_266 = arith.addi %add3A_247, %add3A_265 : i32
      %lt3A_267 = arith.constant 80 : i32
      %lt3A_268 = arith.cmpi slt, %add3A_266, %lt3A_267 : i32
      %convert_element_type3A_269 = arith.extui %lt3A_268 : i1 to i32
      %cond3A_270 = arith.constant 0 : i32
      %cond3A_271 = arith.cmpi ne, %convert_element_type3A_269, %cond3A_270 : i32
      scf.if %cond3A_271 {
        %add3A_412 = arith.constant 4 : i32
        %add3A_413 = arith.addi %add3A_247, %add3A_412 : i32
        %dma_start3A_414 = arith.constant 0 : i32
        %dma_start3A_415 = tpu.memref_slice %arg6[%add3A_413, %dma_start3A_414] : memref<80x125xi32, #tpu.memory_space<vmem>> -> memref<1x125xi32, #tpu.memory_space<vmem>>
        %dma_start3A_416 = tpu.memref_squeeze %dma_start3A_415 : memref<1x125xi32, #tpu.memory_space<vmem>> -> memref<125xi32, #tpu.memory_space<vmem>>
        %dma_start3A_417 = arith.constant 0 : i32
        %dma_start3A_418 = arith.constant 0 : i32
        %dma_start3A_419 = tpu.memref_slice %arg18[%dma_start3A_417, %dma_start3A_418] : memref<10000x16xf32, #tpu.memory_space<vmem_shared>> -> memref<10000x16xf32, #tpu.memory_space<vmem_shared>>
        tpu.enqueue_indirect_dma source(%dma_start3A_419 : memref<10000x16xf32, #tpu.memory_space<vmem_shared>>) target(%arg14 : memref<125x16xf32, #tpu.memory_space<vmem>>) offsets(%dma_start3A_416 : memref<125xi32, #tpu.memory_space<vmem>>) semaphore(%arg25 : memref<!tpu.dma_semaphore, #tpu.memory_space<semaphore_mem>>)
      } else {
      }
      %mul3A_272 = arith.constant 8 : i32
      %mul3A_273 = arith.muli %mul3A_272, %scan3A_191 : i32
      %add3A_274 = arith.constant 3 : i32
      %add3A_275 = arith.addi %mul3A_273, %add3A_274 : i32
      %dma_wait3A_276 = arith.constant 0 : i32
      %dma_wait3A_277 = tpu.memref_slice %arg6[%add3A_275, %dma_wait3A_276] : memref<80x125xi32, #tpu.memory_space<vmem>> -> memref<1x125xi32, #tpu.memory_space<vmem>>
      %dma_wait3A_278 = tpu.memref_squeeze %dma_wait3A_277 : memref<1x125xi32, #tpu.memory_space<vmem>> -> memref<125xi32, #tpu.memory_space<vmem>>
      %dma_wait3A_279 = arith.constant 0 : i32
      %dma_wait3A_280 = arith.constant 0 : i32
      %dma_wait3A_281 = tpu.memref_slice %arg18[%dma_wait3A_279, %dma_wait3A_280] : memref<10000x16xf32, #tpu.memory_space<vmem_shared>> -> memref<10000x16xf32, #tpu.memory_space<vmem_shared>>
      tpu.wait_indirect_dma semaphore(%arg22 : memref<!tpu.dma_semaphore, #tpu.memory_space<semaphore_mem>>) src(%dma_wait3A_281 : memref<10000x16xf32, #tpu.memory_space<vmem_shared>>) dst(%arg11 : memref<125x16xf32, #tpu.memory_space<vmem>>)
      %dma_start3A_282 = arith.constant 0 : i32
      %dma_start3A_283 = tpu.memref_slice %arg7[%add3A_275, %dma_start3A_282] : memref<80x125xi32, #tpu.memory_space<vmem>> -> memref<1x125xi32, #tpu.memory_space<vmem>>
      %dma_start3A_284 = tpu.memref_squeeze %dma_start3A_283 : memref<1x125xi32, #tpu.memory_space<vmem>> -> memref<125xi32, #tpu.memory_space<vmem>>
      %dma_start3A_285 = arith.constant 0 : i32
      %dma_start3A_286 = arith.constant 0 : i32
      %dma_start3A_287 = tpu.memref_slice %arg17[%dma_start3A_285, %dma_start3A_286] : memref<10016x16xf32, #tpu.memory_space<vmem_shared>> -> memref<10016x16xf32, #tpu.memory_space<vmem_shared>>
      tpu.enqueue_indirect_dma source(%arg11 : memref<125x16xf32, #tpu.memory_space<vmem>>) target(%dma_start3A_287 : memref<10016x16xf32, #tpu.memory_space<vmem_shared>>) offsets(%dma_start3A_284 : memref<125xi32, #tpu.memory_space<vmem>>) semaphore(%arg30 : memref<!tpu.dma_semaphore, #tpu.memory_space<semaphore_mem>>) {add = true}
      %ge3A_288 = arith.constant 4 : i32
      %ge3A_289 = arith.cmpi sge, %add3A_275, %ge3A_288 : i32
      %convert_element_type3A_290 = arith.extui %ge3A_289 : i1 to i32
      %cond3A_291 = arith.constant 0 : i32
      %cond3A_292 = arith.cmpi ne, %convert_element_type3A_290, %cond3A_291 : i32
      scf.if %cond3A_292 {
        %sub3A_412 = arith.constant 4 : i32
        %sub3A_413 = arith.subi %add3A_275, %sub3A_412 : i32
        %dma_wait3A_414 = arith.constant 0 : i32
        %dma_wait3A_415 = tpu.memref_slice %arg7[%sub3A_413, %dma_wait3A_414] : memref<80x125xi32, #tpu.memory_space<vmem>> -> memref<1x125xi32, #tpu.memory_space<vmem>>
        %dma_wait3A_416 = tpu.memref_squeeze %dma_wait3A_415 : memref<1x125xi32, #tpu.memory_space<vmem>> -> memref<125xi32, #tpu.memory_space<vmem>>
        %dma_wait3A_417 = arith.constant 0 : i32
        %dma_wait3A_418 = arith.constant 0 : i32
        %dma_wait3A_419 = tpu.memref_slice %arg17[%dma_wait3A_417, %dma_wait3A_418] : memref<10016x16xf32, #tpu.memory_space<vmem_shared>> -> memref<10016x16xf32, #tpu.memory_space<vmem_shared>>
        tpu.wait_indirect_dma semaphore(%arg34 : memref<!tpu.dma_semaphore, #tpu.memory_space<semaphore_mem>>) src(%arg15 : memref<125x16xf32, #tpu.memory_space<vmem>>) dst(%dma_wait3A_419 : memref<10016x16xf32, #tpu.memory_space<vmem_shared>>)
      } else {
      }
      %add3A_293 = arith.constant 4 : i32
      %add3A_294 = arith.addi %add3A_275, %add3A_293 : i32
      %lt3A_295 = arith.constant 80 : i32
      %lt3A_296 = arith.cmpi slt, %add3A_294, %lt3A_295 : i32
      %convert_element_type3A_297 = arith.extui %lt3A_296 : i1 to i32
      %cond3A_298 = arith.constant 0 : i32
      %cond3A_299 = arith.cmpi ne, %convert_element_type3A_297, %cond3A_298 : i32
      scf.if %cond3A_299 {
        %add3A_412 = arith.constant 4 : i32
        %add3A_413 = arith.addi %add3A_275, %add3A_412 : i32
        %dma_start3A_414 = arith.constant 0 : i32
        %dma_start3A_415 = tpu.memref_slice %arg6[%add3A_413, %dma_start3A_414] : memref<80x125xi32, #tpu.memory_space<vmem>> -> memref<1x125xi32, #tpu.memory_space<vmem>>
        %dma_start3A_416 = tpu.memref_squeeze %dma_start3A_415 : memref<1x125xi32, #tpu.memory_space<vmem>> -> memref<125xi32, #tpu.memory_space<vmem>>
        %dma_start3A_417 = arith.constant 0 : i32
        %dma_start3A_418 = arith.constant 0 : i32
        %dma_start3A_419 = tpu.memref_slice %arg18[%dma_start3A_417, %dma_start3A_418] : memref<10000x16xf32, #tpu.memory_space<vmem_shared>> -> memref<10000x16xf32, #tpu.memory_space<vmem_shared>>
        tpu.enqueue_indirect_dma source(%dma_start3A_419 : memref<10000x16xf32, #tpu.memory_space<vmem_shared>>) target(%arg15 : memref<125x16xf32, #tpu.memory_space<vmem>>) offsets(%dma_start3A_416 : memref<125xi32, #tpu.memory_space<vmem>>) semaphore(%arg26 : memref<!tpu.dma_semaphore, #tpu.memory_space<semaphore_mem>>)
      } else {
      }
      %mul3A_300 = arith.constant 8 : i32
      %mul3A_301 = arith.muli %mul3A_300, %scan3A_191 : i32
      %add3A_302 = arith.constant 4 : i32
      %add3A_303 = arith.addi %mul3A_301, %add3A_302 : i32
      %dma_wait3A_304 = arith.constant 0 : i32
      %dma_wait3A_305 = tpu.memref_slice %arg6[%add3A_303, %dma_wait3A_304] : memref<80x125xi32, #tpu.memory_space<vmem>> -> memref<1x125xi32, #tpu.memory_space<vmem>>
      %dma_wait3A_306 = tpu.memref_squeeze %dma_wait3A_305 : memref<1x125xi32, #tpu.memory_space<vmem>> -> memref<125xi32, #tpu.memory_space<vmem>>
      %dma_wait3A_307 = arith.constant 0 : i32
      %dma_wait3A_308 = arith.constant 0 : i32
      %dma_wait3A_309 = tpu.memref_slice %arg18[%dma_wait3A_307, %dma_wait3A_308] : memref<10000x16xf32, #tpu.memory_space<vmem_shared>> -> memref<10000x16xf32, #tpu.memory_space<vmem_shared>>
      tpu.wait_indirect_dma semaphore(%arg23 : memref<!tpu.dma_semaphore, #tpu.memory_space<semaphore_mem>>) src(%dma_wait3A_309 : memref<10000x16xf32, #tpu.memory_space<vmem_shared>>) dst(%arg12 : memref<125x16xf32, #tpu.memory_space<vmem>>)
      %dma_start3A_310 = arith.constant 0 : i32
      %dma_start3A_311 = tpu.memref_slice %arg7[%add3A_303, %dma_start3A_310] : memref<80x125xi32, #tpu.memory_space<vmem>> -> memref<1x125xi32, #tpu.memory_space<vmem>>
      %dma_start3A_312 = tpu.memref_squeeze %dma_start3A_311 : memref<1x125xi32, #tpu.memory_space<vmem>> -> memref<125xi32, #tpu.memory_space<vmem>>
      %dma_start3A_313 = arith.constant 0 : i32
      %dma_start3A_314 = arith.constant 0 : i32
      %dma_start3A_315 = tpu.memref_slice %arg17[%dma_start3A_313, %dma_start3A_314] : memref<10016x16xf32, #tpu.memory_space<vmem_shared>> -> memref<10016x16xf32, #tpu.memory_space<vmem_shared>>
      tpu.enqueue_indirect_dma source(%arg12 : memref<125x16xf32, #tpu.memory_space<vmem>>) target(%dma_start3A_315 : memref<10016x16xf32, #tpu.memory_space<vmem_shared>>) offsets(%dma_start3A_312 : memref<125xi32, #tpu.memory_space<vmem>>) semaphore(%arg31 : memref<!tpu.dma_semaphore, #tpu.memory_space<semaphore_mem>>) {add = true}
      %ge3A_316 = arith.constant 4 : i32
      %ge3A_317 = arith.cmpi sge, %add3A_303, %ge3A_316 : i32
      %convert_element_type3A_318 = arith.extui %ge3A_317 : i1 to i32
      %cond3A_319 = arith.constant 0 : i32
      %cond3A_320 = arith.cmpi ne, %convert_element_type3A_318, %cond3A_319 : i32
      scf.if %cond3A_320 {
        %sub3A_412 = arith.constant 4 : i32
        %sub3A_413 = arith.subi %add3A_303, %sub3A_412 : i32
        %dma_wait3A_414 = arith.constant 0 : i32
        %dma_wait3A_415 = tpu.memref_slice %arg7[%sub3A_413, %dma_wait3A_414] : memref<80x125xi32, #tpu.memory_space<vmem>> -> memref<1x125xi32, #tpu.memory_space<vmem>>
        %dma_wait3A_416 = tpu.memref_squeeze %dma_wait3A_415 : memref<1x125xi32, #tpu.memory_space<vmem>> -> memref<125xi32, #tpu.memory_space<vmem>>
        %dma_wait3A_417 = arith.constant 0 : i32
        %dma_wait3A_418 = arith.constant 0 : i32
        %dma_wait3A_419 = tpu.memref_slice %arg17[%dma_wait3A_417, %dma_wait3A_418] : memref<10016x16xf32, #tpu.memory_space<vmem_shared>> -> memref<10016x16xf32, #tpu.memory_space<vmem_shared>>
        tpu.wait_indirect_dma semaphore(%arg27 : memref<!tpu.dma_semaphore, #tpu.memory_space<semaphore_mem>>) src(%arg8 : memref<125x16xf32, #tpu.memory_space<vmem>>) dst(%dma_wait3A_419 : memref<10016x16xf32, #tpu.memory_space<vmem_shared>>)
      } else {
      }
      %add3A_321 = arith.constant 4 : i32
      %add3A_322 = arith.addi %add3A_303, %add3A_321 : i32
      %lt3A_323 = arith.constant 80 : i32
      %lt3A_324 = arith.cmpi slt, %add3A_322, %lt3A_323 : i32
      %convert_element_type3A_325 = arith.extui %lt3A_324 : i1 to i32
      %cond3A_326 = arith.constant 0 : i32
      %cond3A_327 = arith.cmpi ne, %convert_element_type3A_325, %cond3A_326 : i32
      scf.if %cond3A_327 {
        %add3A_412 = arith.constant 4 : i32
        %add3A_413 = arith.addi %add3A_303, %add3A_412 : i32
        %dma_start3A_414 = arith.constant 0 : i32
        %dma_start3A_415 = tpu.memref_slice %arg6[%add3A_413, %dma_start3A_414] : memref<80x125xi32, #tpu.memory_space<vmem>> -> memref<1x125xi32, #tpu.memory_space<vmem>>
        %dma_start3A_416 = tpu.memref_squeeze %dma_start3A_415 : memref<1x125xi32, #tpu.memory_space<vmem>> -> memref<125xi32, #tpu.memory_space<vmem>>
        %dma_start3A_417 = arith.constant 0 : i32
        %dma_start3A_418 = arith.constant 0 : i32
        %dma_start3A_419 = tpu.memref_slice %arg18[%dma_start3A_417, %dma_start3A_418] : memref<10000x16xf32, #tpu.memory_space<vmem_shared>> -> memref<10000x16xf32, #tpu.memory_space<vmem_shared>>
        tpu.enqueue_indirect_dma source(%dma_start3A_419 : memref<10000x16xf32, #tpu.memory_space<vmem_shared>>) target(%arg8 : memref<125x16xf32, #tpu.memory_space<vmem>>) offsets(%dma_start3A_416 : memref<125xi32, #tpu.memory_space<vmem>>) semaphore(%arg19 : memref<!tpu.dma_semaphore, #tpu.memory_space<semaphore_mem>>)
      } else {
      }
      %mul3A_328 = arith.constant 8 : i32
      %mul3A_329 = arith.muli %mul3A_328, %scan3A_191 : i32
      %add3A_330 = arith.constant 5 : i32
      %add3A_331 = arith.addi %mul3A_329, %add3A_330 : i32
      %dma_wait3A_332 = arith.constant 0 : i32
      %dma_wait3A_333 = tpu.memref_slice %arg6[%add3A_331, %dma_wait3A_332] : memref<80x125xi32, #tpu.memory_space<vmem>> -> memref<1x125xi32, #tpu.memory_space<vmem>>
      %dma_wait3A_334 = tpu.memref_squeeze %dma_wait3A_333 : memref<1x125xi32, #tpu.memory_space<vmem>> -> memref<125xi32, #tpu.memory_space<vmem>>
      %dma_wait3A_335 = arith.constant 0 : i32
      %dma_wait3A_336 = arith.constant 0 : i32
      %dma_wait3A_337 = tpu.memref_slice %arg18[%dma_wait3A_335, %dma_wait3A_336] : memref<10000x16xf32, #tpu.memory_space<vmem_shared>> -> memref<10000x16xf32, #tpu.memory_space<vmem_shared>>
      tpu.wait_indirect_dma semaphore(%arg24 : memref<!tpu.dma_semaphore, #tpu.memory_space<semaphore_mem>>) src(%dma_wait3A_337 : memref<10000x16xf32, #tpu.memory_space<vmem_shared>>) dst(%arg13 : memref<125x16xf32, #tpu.memory_space<vmem>>)
      %dma_start3A_338 = arith.constant 0 : i32
      %dma_start3A_339 = tpu.memref_slice %arg7[%add3A_331, %dma_start3A_338] : memref<80x125xi32, #tpu.memory_space<vmem>> -> memref<1x125xi32, #tpu.memory_space<vmem>>
      %dma_start3A_340 = tpu.memref_squeeze %dma_start3A_339 : memref<1x125xi32, #tpu.memory_space<vmem>> -> memref<125xi32, #tpu.memory_space<vmem>>
      %dma_start3A_341 = arith.constant 0 : i32
      %dma_start3A_342 = arith.constant 0 : i32
      %dma_start3A_343 = tpu.memref_slice %arg17[%dma_start3A_341, %dma_start3A_342] : memref<10016x16xf32, #tpu.memory_space<vmem_shared>> -> memref<10016x16xf32, #tpu.memory_space<vmem_shared>>
      tpu.enqueue_indirect_dma source(%arg13 : memref<125x16xf32, #tpu.memory_space<vmem>>) target(%dma_start3A_343 : memref<10016x16xf32, #tpu.memory_space<vmem_shared>>) offsets(%dma_start3A_340 : memref<125xi32, #tpu.memory_space<vmem>>) semaphore(%arg32 : memref<!tpu.dma_semaphore, #tpu.memory_space<semaphore_mem>>) {add = true}
      %ge3A_344 = arith.constant 4 : i32
      %ge3A_345 = arith.cmpi sge, %add3A_331, %ge3A_344 : i32
      %convert_element_type3A_346 = arith.extui %ge3A_345 : i1 to i32
      %cond3A_347 = arith.constant 0 : i32
      %cond3A_348 = arith.cmpi ne, %convert_element_type3A_346, %cond3A_347 : i32
      scf.if %cond3A_348 {
        %sub3A_412 = arith.constant 4 : i32
        %sub3A_413 = arith.subi %add3A_331, %sub3A_412 : i32
        %dma_wait3A_414 = arith.constant 0 : i32
        %dma_wait3A_415 = tpu.memref_slice %arg7[%sub3A_413, %dma_wait3A_414] : memref<80x125xi32, #tpu.memory_space<vmem>> -> memref<1x125xi32, #tpu.memory_space<vmem>>
        %dma_wait3A_416 = tpu.memref_squeeze %dma_wait3A_415 : memref<1x125xi32, #tpu.memory_space<vmem>> -> memref<125xi32, #tpu.memory_space<vmem>>
        %dma_wait3A_417 = arith.constant 0 : i32
        %dma_wait3A_418 = arith.constant 0 : i32
        %dma_wait3A_419 = tpu.memref_slice %arg17[%dma_wait3A_417, %dma_wait3A_418] : memref<10016x16xf32, #tpu.memory_space<vmem_shared>> -> memref<10016x16xf32, #tpu.memory_space<vmem_shared>>
        tpu.wait_indirect_dma semaphore(%arg28 : memref<!tpu.dma_semaphore, #tpu.memory_space<semaphore_mem>>) src(%arg9 : memref<125x16xf32, #tpu.memory_space<vmem>>) dst(%dma_wait3A_419 : memref<10016x16xf32, #tpu.memory_space<vmem_shared>>)
      } else {
      }
      %add3A_349 = arith.constant 4 : i32
      %add3A_350 = arith.addi %add3A_331, %add3A_349 : i32
      %lt3A_351 = arith.constant 80 : i32
      %lt3A_352 = arith.cmpi slt, %add3A_350, %lt3A_351 : i32
      %convert_element_type3A_353 = arith.extui %lt3A_352 : i1 to i32
      %cond3A_354 = arith.constant 0 : i32
      %cond3A_355 = arith.cmpi ne, %convert_element_type3A_353, %cond3A_354 : i32
      scf.if %cond3A_355 {
        %add3A_412 = arith.constant 4 : i32
        %add3A_413 = arith.addi %add3A_331, %add3A_412 : i32
        %dma_start3A_414 = arith.constant 0 : i32
        %dma_start3A_415 = tpu.memref_slice %arg6[%add3A_413, %dma_start3A_414] : memref<80x125xi32, #tpu.memory_space<vmem>> -> memref<1x125xi32, #tpu.memory_space<vmem>>
        %dma_start3A_416 = tpu.memref_squeeze %dma_start3A_415 : memref<1x125xi32, #tpu.memory_space<vmem>> -> memref<125xi32, #tpu.memory_space<vmem>>
        %dma_start3A_417 = arith.constant 0 : i32
        %dma_start3A_418 = arith.constant 0 : i32
        %dma_start3A_419 = tpu.memref_slice %arg18[%dma_start3A_417, %dma_start3A_418] : memref<10000x16xf32, #tpu.memory_space<vmem_shared>> -> memref<10000x16xf32, #tpu.memory_space<vmem_shared>>
        tpu.enqueue_indirect_dma source(%dma_start3A_419 : memref<10000x16xf32, #tpu.memory_space<vmem_shared>>) target(%arg9 : memref<125x16xf32, #tpu.memory_space<vmem>>) offsets(%dma_start3A_416 : memref<125xi32, #tpu.memory_space<vmem>>) semaphore(%arg20 : memref<!tpu.dma_semaphore, #tpu.memory_space<semaphore_mem>>)
      } else {
      }
      %mul3A_356 = arith.constant 8 : i32
      %mul3A_357 = arith.muli %mul3A_356, %scan3A_191 : i32
      %add3A_358 = arith.constant 6 : i32
      %add3A_359 = arith.addi %mul3A_357, %add3A_358 : i32
      %dma_wait3A_360 = arith.constant 0 : i32
      %dma_wait3A_361 = tpu.memref_slice %arg6[%add3A_359, %dma_wait3A_360] : memref<80x125xi32, #tpu.memory_space<vmem>> -> memref<1x125xi32, #tpu.memory_space<vmem>>
      %dma_wait3A_362 = tpu.memref_squeeze %dma_wait3A_361 : memref<1x125xi32, #tpu.memory_space<vmem>> -> memref<125xi32, #tpu.memory_space<vmem>>
      %dma_wait3A_363 = arith.constant 0 : i32
      %dma_wait3A_364 = arith.constant 0 : i32
      %dma_wait3A_365 = tpu.memref_slice %arg18[%dma_wait3A_363, %dma_wait3A_364] : memref<10000x16xf32, #tpu.memory_space<vmem_shared>> -> memref<10000x16xf32, #tpu.memory_space<vmem_shared>>
      tpu.wait_indirect_dma semaphore(%arg25 : memref<!tpu.dma_semaphore, #tpu.memory_space<semaphore_mem>>) src(%dma_wait3A_365 : memref<10000x16xf32, #tpu.memory_space<vmem_shared>>) dst(%arg14 : memref<125x16xf32, #tpu.memory_space<vmem>>)
      %dma_start3A_366 = arith.constant 0 : i32
      %dma_start3A_367 = tpu.memref_slice %arg7[%add3A_359, %dma_start3A_366] : memref<80x125xi32, #tpu.memory_space<vmem>> -> memref<1x125xi32, #tpu.memory_space<vmem>>
      %dma_start3A_368 = tpu.memref_squeeze %dma_start3A_367 : memref<1x125xi32, #tpu.memory_space<vmem>> -> memref<125xi32, #tpu.memory_space<vmem>>
      %dma_start3A_369 = arith.constant 0 : i32
      %dma_start3A_370 = arith.constant 0 : i32
      %dma_start3A_371 = tpu.memref_slice %arg17[%dma_start3A_369, %dma_start3A_370] : memref<10016x16xf32, #tpu.memory_space<vmem_shared>> -> memref<10016x16xf32, #tpu.memory_space<vmem_shared>>
      tpu.enqueue_indirect_dma source(%arg14 : memref<125x16xf32, #tpu.memory_space<vmem>>) target(%dma_start3A_371 : memref<10016x16xf32, #tpu.memory_space<vmem_shared>>) offsets(%dma_start3A_368 : memref<125xi32, #tpu.memory_space<vmem>>) semaphore(%arg33 : memref<!tpu.dma_semaphore, #tpu.memory_space<semaphore_mem>>) {add = true}
      %ge3A_372 = arith.constant 4 : i32
      %ge3A_373 = arith.cmpi sge, %add3A_359, %ge3A_372 : i32
      %convert_element_type3A_374 = arith.extui %ge3A_373 : i1 to i32
      %cond3A_375 = arith.constant 0 : i32
      %cond3A_376 = arith.cmpi ne, %convert_element_type3A_374, %cond3A_375 : i32
      scf.if %cond3A_376 {
        %sub3A_412 = arith.constant 4 : i32
        %sub3A_413 = arith.subi %add3A_359, %sub3A_412 : i32
        %dma_wait3A_414 = arith.constant 0 : i32
        %dma_wait3A_415 = tpu.memref_slice %arg7[%sub3A_413, %dma_wait3A_414] : memref<80x125xi32, #tpu.memory_space<vmem>> -> memref<1x125xi32, #tpu.memory_space<vmem>>
        %dma_wait3A_416 = tpu.memref_squeeze %dma_wait3A_415 : memref<1x125xi32, #tpu.memory_space<vmem>> -> memref<125xi32, #tpu.memory_space<vmem>>
        %dma_wait3A_417 = arith.constant 0 : i32
        %dma_wait3A_418 = arith.constant 0 : i32
        %dma_wait3A_419 = tpu.memref_slice %arg17[%dma_wait3A_417, %dma_wait3A_418] : memref<10016x16xf32, #tpu.memory_space<vmem_shared>> -> memref<10016x16xf32, #tpu.memory_space<vmem_shared>>
        tpu.wait_indirect_dma semaphore(%arg29 : memref<!tpu.dma_semaphore, #tpu.memory_space<semaphore_mem>>) src(%arg10 : memref<125x16xf32, #tpu.memory_space<vmem>>) dst(%dma_wait3A_419 : memref<10016x16xf32, #tpu.memory_space<vmem_shared>>)
      } else {
      }
      %add3A_377 = arith.constant 4 : i32
      %add3A_378 = arith.addi %add3A_359, %add3A_377 : i32
      %lt3A_379 = arith.constant 80 : i32
      %lt3A_380 = arith.cmpi slt, %add3A_378, %lt3A_379 : i32
      %convert_element_type3A_381 = arith.extui %lt3A_380 : i1 to i32
      %cond3A_382 = arith.constant 0 : i32
      %cond3A_383 = arith.cmpi ne, %convert_element_type3A_381, %cond3A_382 : i32
      scf.if %cond3A_383 {
        %add3A_412 = arith.constant 4 : i32
        %add3A_413 = arith.addi %add3A_359, %add3A_412 : i32
        %dma_start3A_414 = arith.constant 0 : i32
        %dma_start3A_415 = tpu.memref_slice %arg6[%add3A_413, %dma_start3A_414] : memref<80x125xi32, #tpu.memory_space<vmem>> -> memref<1x125xi32, #tpu.memory_space<vmem>>
        %dma_start3A_416 = tpu.memref_squeeze %dma_start3A_415 : memref<1x125xi32, #tpu.memory_space<vmem>> -> memref<125xi32, #tpu.memory_space<vmem>>
        %dma_start3A_417 = arith.constant 0 : i32
        %dma_start3A_418 = arith.constant 0 : i32
        %dma_start3A_419 = tpu.memref_slice %arg18[%dma_start3A_417, %dma_start3A_418] : memref<10000x16xf32, #tpu.memory_space<vmem_shared>> -> memref<10000x16xf32, #tpu.memory_space<vmem_shared>>
        tpu.enqueue_indirect_dma source(%dma_start3A_419 : memref<10000x16xf32, #tpu.memory_space<vmem_shared>>) target(%arg10 : memref<125x16xf32, #tpu.memory_space<vmem>>) offsets(%dma_start3A_416 : memref<125xi32, #tpu.memory_space<vmem>>) semaphore(%arg21 : memref<!tpu.dma_semaphore, #tpu.memory_space<semaphore_mem>>)
      } else {
      }
      %mul3A_384 = arith.constant 8 : i32
      %mul3A_385 = arith.muli %mul3A_384, %scan3A_191 : i32
      %add3A_386 = arith.constant 7 : i32
      %add3A_387 = arith.addi %mul3A_385, %add3A_386 : i32
      %dma_wait3A_388 = arith.constant 0 : i32
      %dma_wait3A_389 = tpu.memref_slice %arg6[%add3A_387, %dma_wait3A_388] : memref<80x125xi32, #tpu.memory_space<vmem>> -> memref<1x125xi32, #tpu.memory_space<vmem>>
      %dma_wait3A_390 = tpu.memref_squeeze %dma_wait3A_389 : memref<1x125xi32, #tpu.memory_space<vmem>> -> memref<125xi32, #tpu.memory_space<vmem>>
      %dma_wait3A_391 = arith.constant 0 : i32
      %dma_wait3A_392 = arith.constant 0 : i32
      %dma_wait3A_393 = tpu.memref_slice %arg18[%dma_wait3A_391, %dma_wait3A_392] : memref<10000x16xf32, #tpu.memory_space<vmem_shared>> -> memref<10000x16xf32, #tpu.memory_space<vmem_shared>>
      tpu.wait_indirect_dma semaphore(%arg26 : memref<!tpu.dma_semaphore, #tpu.memory_space<semaphore_mem>>) src(%dma_wait3A_393 : memref<10000x16xf32, #tpu.memory_space<vmem_shared>>) dst(%arg15 : memref<125x16xf32, #tpu.memory_space<vmem>>)
      %dma_start3A_394 = arith.constant 0 : i32
      %dma_start3A_395 = tpu.memref_slice %arg7[%add3A_387, %dma_start3A_394] : memref<80x125xi32, #tpu.memory_space<vmem>> -> memref<1x125xi32, #tpu.memory_space<vmem>>
      %dma_start3A_396 = tpu.memref_squeeze %dma_start3A_395 : memref<1x125xi32, #tpu.memory_space<vmem>> -> memref<125xi32, #tpu.memory_space<vmem>>
      %dma_start3A_397 = arith.constant 0 : i32
      %dma_start3A_398 = arith.constant 0 : i32
      %dma_start3A_399 = tpu.memref_slice %arg17[%dma_start3A_397, %dma_start3A_398] : memref<10016x16xf32, #tpu.memory_space<vmem_shared>> -> memref<10016x16xf32, #tpu.memory_space<vmem_shared>>
      tpu.enqueue_indirect_dma source(%arg15 : memref<125x16xf32, #tpu.memory_space<vmem>>) target(%dma_start3A_399 : memref<10016x16xf32, #tpu.memory_space<vmem_shared>>) offsets(%dma_start3A_396 : memref<125xi32, #tpu.memory_space<vmem>>) semaphore(%arg34 : memref<!tpu.dma_semaphore, #tpu.memory_space<semaphore_mem>>) {add = true}
      %ge3A_400 = arith.constant 4 : i32
      %ge3A_401 = arith.cmpi sge, %add3A_387, %ge3A_400 : i32
      %convert_element_type3A_402 = arith.extui %ge3A_401 : i1 to i32
      %cond3A_403 = arith.constant 0 : i32
      %cond3A_404 = arith.cmpi ne, %convert_element_type3A_402, %cond3A_403 : i32
      scf.if %cond3A_404 {
        %sub3A_412 = arith.constant 4 : i32
        %sub3A_413 = arith.subi %add3A_387, %sub3A_412 : i32
        %dma_wait3A_414 = arith.constant 0 : i32
        %dma_wait3A_415 = tpu.memref_slice %arg7[%sub3A_413, %dma_wait3A_414] : memref<80x125xi32, #tpu.memory_space<vmem>> -> memref<1x125xi32, #tpu.memory_space<vmem>>
        %dma_wait3A_416 = tpu.memref_squeeze %dma_wait3A_415 : memref<1x125xi32, #tpu.memory_space<vmem>> -> memref<125xi32, #tpu.memory_space<vmem>>
        %dma_wait3A_417 = arith.constant 0 : i32
        %dma_wait3A_418 = arith.constant 0 : i32
        %dma_wait3A_419 = tpu.memref_slice %arg17[%dma_wait3A_417, %dma_wait3A_418] : memref<10016x16xf32, #tpu.memory_space<vmem_shared>> -> memref<10016x16xf32, #tpu.memory_space<vmem_shared>>
        tpu.wait_indirect_dma semaphore(%arg30 : memref<!tpu.dma_semaphore, #tpu.memory_space<semaphore_mem>>) src(%arg11 : memref<125x16xf32, #tpu.memory_space<vmem>>) dst(%dma_wait3A_419 : memref<10016x16xf32, #tpu.memory_space<vmem_shared>>)
      } else {
      }
      %add3A_405 = arith.constant 4 : i32
      %add3A_406 = arith.addi %add3A_387, %add3A_405 : i32
      %lt3A_407 = arith.constant 80 : i32
      %lt3A_408 = arith.cmpi slt, %add3A_406, %lt3A_407 : i32
      %convert_element_type3A_409 = arith.extui %lt3A_408 : i1 to i32
      %cond3A_410 = arith.constant 0 : i32
      %cond3A_411 = arith.cmpi ne, %convert_element_type3A_409, %cond3A_410 : i32
      scf.if %cond3A_411 {
        %add3A_412 = arith.constant 4 : i32
        %add3A_413 = arith.addi %add3A_387, %add3A_412 : i32
        %dma_start3A_414 = arith.constant 0 : i32
        %dma_start3A_415 = tpu.memref_slice %arg6[%add3A_413, %dma_start3A_414] : memref<80x125xi32, #tpu.memory_space<vmem>> -> memref<1x125xi32, #tpu.memory_space<vmem>>
        %dma_start3A_416 = tpu.memref_squeeze %dma_start3A_415 : memref<1x125xi32, #tpu.memory_space<vmem>> -> memref<125xi32, #tpu.memory_space<vmem>>
        %dma_start3A_417 = arith.constant 0 : i32
        %dma_start3A_418 = arith.constant 0 : i32
        %dma_start3A_419 = tpu.memref_slice %arg18[%dma_start3A_417, %dma_start3A_418] : memref<10000x16xf32, #tpu.memory_space<vmem_shared>> -> memref<10000x16xf32, #tpu.memory_space<vmem_shared>>
        tpu.enqueue_indirect_dma source(%dma_start3A_419 : memref<10000x16xf32, #tpu.memory_space<vmem_shared>>) target(%arg11 : memref<125x16xf32, #tpu.memory_space<vmem>>) offsets(%dma_start3A_416 : memref<125xi32, #tpu.memory_space<vmem>>) semaphore(%arg22 : memref<!tpu.dma_semaphore, #tpu.memory_space<semaphore_mem>>)
      } else {
      }
    }
    %scan3A_161 = arith.constant 10 : i32
    %dma_wait3A_162 = arith.constant 76 : i32
    %dma_wait3A_163 = arith.constant 0 : i32
    %dma_wait3A_164 = tpu.memref_slice %arg7[%dma_wait3A_162, %dma_wait3A_163] : memref<80x125xi32, #tpu.memory_space<vmem>> -> memref<1x125xi32, #tpu.memory_space<vmem>>
    %dma_wait3A_165 = tpu.memref_squeeze %dma_wait3A_164 : memref<1x125xi32, #tpu.memory_space<vmem>> -> memref<125xi32, #tpu.memory_space<vmem>>
    %dma_wait3A_166 = arith.constant 0 : i32
    %dma_wait3A_167 = arith.constant 0 : i32
    %dma_wait3A_168 = tpu.memref_slice %arg17[%dma_wait3A_166, %dma_wait3A_167] : memref<10016x16xf32, #tpu.memory_space<vmem_shared>> -> memref<10016x16xf32, #tpu.memory_space<vmem_shared>>
    tpu.wait_indirect_dma semaphore(%arg31 : memref<!tpu.dma_semaphore, #tpu.memory_space<semaphore_mem>>) src(%arg12 : memref<125x16xf32, #tpu.memory_space<vmem>>) dst(%dma_wait3A_168 : memref<10016x16xf32, #tpu.memory_space<vmem_shared>>)
    %dma_wait3A_169 = arith.constant 77 : i32
    %dma_wait3A_170 = arith.constant 0 : i32
    %dma_wait3A_171 = tpu.memref_slice %arg7[%dma_wait3A_169, %dma_wait3A_170] : memref<80x125xi32, #tpu.memory_space<vmem>> -> memref<1x125xi32, #tpu.memory_space<vmem>>
    %dma_wait3A_172 = tpu.memref_squeeze %dma_wait3A_171 : memref<1x125xi32, #tpu.memory_space<vmem>> -> memref<125xi32, #tpu.memory_space<vmem>>
    %dma_wait3A_173 = arith.constant 0 : i32
    %dma_wait3A_174 = arith.constant 0 : i32
    %dma_wait3A_175 = tpu.memref_slice %arg17[%dma_wait3A_173, %dma_wait3A_174] : memref<10016x16xf32, #tpu.memory_space<vmem_shared>> -> memref<10016x16xf32, #tpu.memory_space<vmem_shared>>
    tpu.wait_indirect_dma semaphore(%arg32 : memref<!tpu.dma_semaphore, #tpu.memory_space<semaphore_mem>>) src(%arg13 : memref<125x16xf32, #tpu.memory_space<vmem>>) dst(%dma_wait3A_175 : memref<10016x16xf32, #tpu.memory_space<vmem_shared>>)
    %dma_wait3A_176 = arith.constant 78 : i32
    %dma_wait3A_177 = arith.constant 0 : i32
    %dma_wait3A_178 = tpu.memref_slice %arg7[%dma_wait3A_176, %dma_wait3A_177] : memref<80x125xi32, #tpu.memory_space<vmem>> -> memref<1x125xi32, #tpu.memory_space<vmem>>
    %dma_wait3A_179 = tpu.memref_squeeze %dma_wait3A_178 : memref<1x125xi32, #tpu.memory_space<vmem>> -> memref<125xi32, #tpu.memory_space<vmem>>
    %dma_wait3A_180 = arith.constant 0 : i32
    %dma_wait3A_181 = arith.constant 0 : i32
    %dma_wait3A_182 = tpu.memref_slice %arg17[%dma_wait3A_180, %dma_wait3A_181] : memref<10016x16xf32, #tpu.memory_space<vmem_shared>> -> memref<10016x16xf32, #tpu.memory_space<vmem_shared>>
    tpu.wait_indirect_dma semaphore(%arg33 : memref<!tpu.dma_semaphore, #tpu.memory_space<semaphore_mem>>) src(%arg14 : memref<125x16xf32, #tpu.memory_space<vmem>>) dst(%dma_wait3A_182 : memref<10016x16xf32, #tpu.memory_space<vmem_shared>>)
    %dma_wait3A_183 = arith.constant 79 : i32
    %dma_wait3A_184 = arith.constant 0 : i32
    %dma_wait3A_185 = tpu.memref_slice %arg7[%dma_wait3A_183, %dma_wait3A_184] : memref<80x125xi32, #tpu.memory_space<vmem>> -> memref<1x125xi32, #tpu.memory_space<vmem>>
    %dma_wait3A_186 = tpu.memref_squeeze %dma_wait3A_185 : memref<1x125xi32, #tpu.memory_space<vmem>> -> memref<125xi32, #tpu.memory_space<vmem>>
    %dma_wait3A_187 = arith.constant 0 : i32
    %dma_wait3A_188 = arith.constant 0 : i32
    %dma_wait3A_189 = tpu.memref_slice %arg17[%dma_wait3A_187, %dma_wait3A_188] : memref<10016x16xf32, #tpu.memory_space<vmem_shared>> -> memref<10016x16xf32, #tpu.memory_space<vmem_shared>>
    tpu.wait_indirect_dma semaphore(%arg34 : memref<!tpu.dma_semaphore, #tpu.memory_space<semaphore_mem>>) src(%arg15 : memref<125x16xf32, #tpu.memory_space<vmem>>) dst(%dma_wait3A_189 : memref<10016x16xf32, #tpu.memory_space<vmem_shared>>)
    %barrier3A_190 = arith.constant 0 : index
    tpu.barrier barrier_id(%barrier3A_190)
    "tpu.region"() ({
      %run_scoped3A = tpu.sem_alloc : memref<!tpu.dma_semaphore, #tpu.memory_space<semaphore_mem>>
      %dma_start3A_191 = arith.constant 0 : i32
      %dma_start3A_192 = tpu.memref_slice %arg5[%arg0, %multiple_of3A, %dma_start3A_191] : memref<2x10000x16xf32, #tpu.memory_space<hbm>> -> memref<1x632x16xf32, #tpu.memory_space<hbm>>
      %dma_start3A_193 = tpu.memref_squeeze %dma_start3A_192 : memref<1x632x16xf32, #tpu.memory_space<hbm>> -> memref<632x16xf32, #tpu.memory_space<hbm>>
      %dma_start3A_194 = arith.constant 0 : i32
      %dma_start3A_195 = tpu.memref_slice %arg17[%multiple_of3A, %dma_start3A_194] : memref<10016x16xf32, #tpu.memory_space<vmem_shared>> -> memref<632x16xf32, #tpu.memory_space<vmem_shared>>
      tpu.enqueue_dma source(%dma_start3A_195 : memref<632x16xf32, #tpu.memory_space<vmem_shared>>) target(%dma_start3A_193 : memref<632x16xf32, #tpu.memory_space<hbm>>) target_semaphore(%run_scoped3A : memref<!tpu.dma_semaphore, #tpu.memory_space<semaphore_mem>>)
      %dma_wait3A_196 = arith.constant 0 : i32
      %dma_wait3A_197 = tpu.memref_slice %arg5[%arg0, %multiple_of3A, %dma_wait3A_196] : memref<2x10000x16xf32, #tpu.memory_space<hbm>> -> memref<1x632x16xf32, #tpu.memory_space<hbm>>
      %dma_wait3A_198 = tpu.memref_squeeze %dma_wait3A_197 : memref<1x632x16xf32, #tpu.memory_space<hbm>> -> memref<632x16xf32, #tpu.memory_space<hbm>>
      %dma_wait3A_199 = arith.constant 0 : i32
      %dma_wait3A_200 = tpu.memref_slice %arg17[%multiple_of3A, %dma_wait3A_199] : memref<10016x16xf32, #tpu.memory_space<vmem_shared>> -> memref<632x16xf32, #tpu.memory_space<vmem_shared>>
      tpu.wait_dma2 semaphore(%run_scoped3A : memref<!tpu.dma_semaphore, #tpu.memory_space<semaphore_mem>>) src(%dma_wait3A_200 : memref<632x16xf32, #tpu.memory_space<vmem_shared>>) dst(%dma_wait3A_198 : memref<632x16xf32, #tpu.memory_space<hbm>>)
      tpu.yield
    }) : () -> ()
    return
  }
}

#map = affine_map<(d0, d1) -> (0, 0, 0)>
module attributes {stable_mosaic.version = 14 : i64} {
  func.func @_sc_degree(%arg0: i32, %arg1: i32, %arg2: memref<32x80x125xi32, #tpu.memory_space<hbm>>, %arg3: memref<2x10000x16xf32, #tpu.memory_space<hbm>>, %arg4: memref<80x125xi32, #tpu.memory_space<vmem>>, %arg5: memref<125x16xf32, #tpu.memory_space<vmem>>, %arg6: memref<80x16xf32, #tpu.memory_space<vmem>>, %arg7: memref<10016x16xf32, #tpu.memory_space<vmem_shared>>, %arg8: memref<!tpu.dma_semaphore, #tpu.memory_space<semaphore_mem>>, %arg9: memref<!tpu.dma_semaphore, #tpu.memory_space<semaphore_mem>>, %arg10: memref<!tpu.dma_semaphore, #tpu.memory_space<semaphore_mem>>, %arg11: memref<!tpu.dma_semaphore, #tpu.memory_space<semaphore_mem>>, %arg12: memref<!tpu.dma_semaphore, #tpu.memory_space<semaphore_mem>>, %arg13: memref<!tpu.dma_semaphore, #tpu.memory_space<semaphore_mem>>, %arg14: memref<!tpu.dma_semaphore, #tpu.memory_space<semaphore_mem>>, %arg15: memref<!tpu.dma_semaphore, #tpu.memory_space<semaphore_mem>>, %arg16: memref<!tpu.dma_semaphore, #tpu.memory_space<semaphore_mem>>) attributes {dimension_semantics = [#tpu.dimension_semantics<core_parallel>, #tpu.dimension_semantics<subcore_parallel>], iteration_bounds = array<i64: 2, 16>, scalar_prefetch = 0 : i64, scratch_operands = 13 : i64, tpu.core_type = #tpu.core_type<sc_vector_subcore>, window_params = [{transform_indices = #map}, {transform_indices = #map}]} {
    %mul3A = arith.constant 2 : i32
    %mul3A_0 = arith.muli %arg1, %mul3A : i32
    %add3A = arith.addi %mul3A_0, %arg0 : i32
    "tpu.region"() ({
      %run_scoped3A = tpu.sem_alloc : memref<!tpu.dma_semaphore, #tpu.memory_space<semaphore_mem>>
      %dma_start3A_189 = arith.constant 0 : i32
      %dma_start3A_190 = arith.constant 0 : i32
      %dma_start3A_191 = tpu.memref_slice %arg2[%add3A, %dma_start3A_189, %dma_start3A_190] : memref<32x80x125xi32, #tpu.memory_space<hbm>> -> memref<1x80x125xi32, #tpu.memory_space<hbm>>
      %dma_start3A_192 = tpu.memref_squeeze %dma_start3A_191 : memref<1x80x125xi32, #tpu.memory_space<hbm>> -> memref<80x125xi32, #tpu.memory_space<hbm>>
      %dma_start3A_193 = arith.constant 0 : i32
      %dma_start3A_194 = arith.constant 0 : i32
      %dma_start3A_195 = tpu.memref_slice %arg2[%add3A, %dma_start3A_193, %dma_start3A_194] : memref<32x80x125xi32, #tpu.memory_space<hbm>> -> memref<1x80x125xi32, #tpu.memory_space<hbm>>
      %dma_start3A_196 = tpu.memref_squeeze %dma_start3A_195 : memref<1x80x125xi32, #tpu.memory_space<hbm>> -> memref<80x125xi32, #tpu.memory_space<hbm>>
      tpu.enqueue_dma source(%dma_start3A_196 : memref<80x125xi32, #tpu.memory_space<hbm>>) target(%arg4 : memref<80x125xi32, #tpu.memory_space<vmem>>) target_semaphore(%run_scoped3A : memref<!tpu.dma_semaphore, #tpu.memory_space<semaphore_mem>>)
      %dma_wait3A_197 = arith.constant 0 : i32
      %dma_wait3A_198 = arith.constant 0 : i32
      %dma_wait3A_199 = tpu.memref_slice %arg2[%add3A, %dma_wait3A_197, %dma_wait3A_198] : memref<32x80x125xi32, #tpu.memory_space<hbm>> -> memref<1x80x125xi32, #tpu.memory_space<hbm>>
      %dma_wait3A_200 = tpu.memref_squeeze %dma_wait3A_199 : memref<1x80x125xi32, #tpu.memory_space<hbm>> -> memref<80x125xi32, #tpu.memory_space<hbm>>
      %dma_wait3A_201 = arith.constant 0 : i32
      %dma_wait3A_202 = arith.constant 0 : i32
      %dma_wait3A_203 = tpu.memref_slice %arg2[%add3A, %dma_wait3A_201, %dma_wait3A_202] : memref<32x80x125xi32, #tpu.memory_space<hbm>> -> memref<1x80x125xi32, #tpu.memory_space<hbm>>
      %dma_wait3A_204 = tpu.memref_squeeze %dma_wait3A_203 : memref<1x80x125xi32, #tpu.memory_space<hbm>> -> memref<80x125xi32, #tpu.memory_space<hbm>>
      tpu.wait_dma2 semaphore(%run_scoped3A : memref<!tpu.dma_semaphore, #tpu.memory_space<semaphore_mem>>) src(%dma_wait3A_204 : memref<80x125xi32, #tpu.memory_space<hbm>>) dst(%arg4 : memref<80x125xi32, #tpu.memory_space<vmem>>)
      tpu.yield
    }) : () -> ()
    %scan3A = arith.constant 0 : i32
    %scan3A_1 = arith.constant 0 : i32
    %scan3A_2 = arith.constant 125 : i32
    %scan3A_3 = arith.addi %scan3A_1, %scan3A_2 : i32
    %scan3A_4 = arith.constant 1 : i32
    scf.for %scan3A_189 = %scan3A_1 to %scan3A_3 step %scan3A_4  : i32 {
      %broadcast_in_dim3A = arith.constant 1.000000e+00 : f32
      %broadcast_in_dim3A_190 = vector.broadcast %broadcast_in_dim3A : f32 to vector<16xf32>
      %swap3A = arith.index_cast %scan3A_189 : i32 to index
      %swap3A_191 = arith.constant 0 : index
      %swap3A_192 = tpu.vector_load %arg5[%swap3A, %swap3A_191] {strides = array<i32>} : memref<125x16xf32, #tpu.memory_space<vmem>>, vector<1x16xf32>,
      %swap3A_193 = vector.shape_cast %swap3A_192 : vector<1x16xf32> to vector<16xf32>
      %swap3A_194 = vector.shape_cast %broadcast_in_dim3A_190 : vector<16xf32> to vector<1x16xf32>
      tpu.vector_store %arg5[%swap3A, %swap3A_191], %swap3A_194 {strides = array<i32>} : memref<125x16xf32, #tpu.memory_space<vmem>>, vector<1x16xf32>,
    }
    %scan3A_5 = arith.constant 125 : i32
    %mul3A_6 = arith.constant 625 : i32
    %mul3A_7 = arith.muli %arg1, %mul3A_6 : i32
    %jit3A = arith.constant 8 : i32
    %div3A = arith.divsi %mul3A_7, %jit3A : i32
    %sign3A = arith.constant 0 : i32
    %sign3A_8 = arith.cmpi sgt, %mul3A_7, %sign3A : i32
    %sign3A_9 = arith.extui %sign3A_8 : i1 to i32
    %sign3A_10 = arith.constant 0 : i32
    %sign3A_11 = arith.cmpi slt, %mul3A_7, %sign3A_10 : i32
    %sign3A_12 = arith.extui %sign3A_11 : i1 to i32
    %sign3A_13 = arith.subi %sign3A_9, %sign3A_12 : i32
    %sign3A_14 = arith.constant 0 : i32
    %sign3A_15 = arith.cmpi sgt, %jit3A, %sign3A_14 : i32
    %sign3A_16 = arith.extui %sign3A_15 : i1 to i32
    %sign3A_17 = arith.constant 0 : i32
    %sign3A_18 = arith.cmpi slt, %jit3A, %sign3A_17 : i32
    %sign3A_19 = arith.extui %sign3A_18 : i1 to i32
    %sign3A_20 = arith.subi %sign3A_16, %sign3A_19 : i32
    %ne3A = arith.cmpi ne, %sign3A_13, %sign3A_20 : i32
    %rem3A = arith.remsi %mul3A_7, %jit3A : i32
    %ne3A_21 = arith.constant 0 : i32
    %ne3A_22 = arith.cmpi ne, %rem3A, %ne3A_21 : i32
    %and3A = arith.andi %ne3A, %ne3A_22 : i1
    %sub3A = arith.constant 1 : i32
    %sub3A_23 = arith.subi %div3A, %sub3A : i32
    %select_n3A = arith.select %and3A, %sub3A_23, %div3A : i32
    %mul3A_24 = arith.constant 8 : i32
    %mul3A_25 = arith.muli %select_n3A, %mul3A_24 : i32
    %multiple_of3A = tpu.assume_multiple %mul3A_25, 8 : i32
    %scan3A_26 = arith.constant 0 : i32
    %scan3A_27 = arith.constant 0 : i32
    %scan3A_28 = arith.constant 80 : i32
    %scan3A_29 = arith.addi %scan3A_27, %scan3A_28 : i32
    %scan3A_30 = arith.constant 1 : i32
    scf.for %scan3A_189 = %scan3A_27 to %scan3A_29 step %scan3A_30  : i32 {
      %broadcast_in_dim3A = arith.constant 0.000000e+00 : f32
      %broadcast_in_dim3A_190 = vector.broadcast %broadcast_in_dim3A : f32 to vector<16xf32>
      %swap3A = arith.index_cast %scan3A_189 : i32 to index
      %swap3A_191 = arith.constant 0 : index
      %swap3A_192 = tpu.vector_load %arg6[%swap3A, %swap3A_191] {strides = array<i32>} : memref<80x16xf32, #tpu.memory_space<vmem>>, vector<1x16xf32>,
      %swap3A_193 = vector.shape_cast %swap3A_192 : vector<1x16xf32> to vector<16xf32>
      %swap3A_194 = vector.shape_cast %broadcast_in_dim3A_190 : vector<16xf32> to vector<1x16xf32>
      tpu.vector_store %arg6[%swap3A, %swap3A_191], %swap3A_194 {strides = array<i32>} : memref<80x16xf32, #tpu.memory_space<vmem>>, vector<1x16xf32>,
    }
    %scan3A_31 = arith.constant 80 : i32
    %add3A_32 = arith.constant 0 : i32
    %add3A_33 = arith.addi %multiple_of3A, %add3A_32 : i32
    %dma_start3A = arith.constant 0 : i32
    %dma_start3A_34 = tpu.memref_slice %arg7[%add3A_33, %dma_start3A] : memref<10016x16xf32, #tpu.memory_space<vmem_shared>> -> memref<80x16xf32, #tpu.memory_space<vmem_shared>>
    %dma_start3A_35 = arith.constant 0 : i32
    %dma_start3A_36 = tpu.memref_slice %arg7[%add3A_33, %dma_start3A_35] : memref<10016x16xf32, #tpu.memory_space<vmem_shared>> -> memref<80x16xf32, #tpu.memory_space<vmem_shared>>
    tpu.enqueue_dma source(%arg6 : memref<80x16xf32, #tpu.memory_space<vmem>>) target(%dma_start3A_36 : memref<80x16xf32, #tpu.memory_space<vmem_shared>>) target_semaphore(%arg16 : memref<!tpu.dma_semaphore, #tpu.memory_space<semaphore_mem>>)
    %add3A_37 = arith.constant 80 : i32
    %add3A_38 = arith.addi %multiple_of3A, %add3A_37 : i32
    %dma_start3A_39 = arith.constant 0 : i32
    %dma_start3A_40 = tpu.memref_slice %arg7[%add3A_38, %dma_start3A_39] : memref<10016x16xf32, #tpu.memory_space<vmem_shared>> -> memref<80x16xf32, #tpu.memory_space<vmem_shared>>
    %dma_start3A_41 = arith.constant 0 : i32
    %dma_start3A_42 = tpu.memref_slice %arg7[%add3A_38, %dma_start3A_41] : memref<10016x16xf32, #tpu.memory_space<vmem_shared>> -> memref<80x16xf32, #tpu.memory_space<vmem_shared>>
    tpu.enqueue_dma source(%arg6 : memref<80x16xf32, #tpu.memory_space<vmem>>) target(%dma_start3A_42 : memref<80x16xf32, #tpu.memory_space<vmem_shared>>) target_semaphore(%arg16 : memref<!tpu.dma_semaphore, #tpu.memory_space<semaphore_mem>>)
    %add3A_43 = arith.constant 160 : i32
    %add3A_44 = arith.addi %multiple_of3A, %add3A_43 : i32
    %dma_start3A_45 = arith.constant 0 : i32
    %dma_start3A_46 = tpu.memref_slice %arg7[%add3A_44, %dma_start3A_45] : memref<10016x16xf32, #tpu.memory_space<vmem_shared>> -> memref<80x16xf32, #tpu.memory_space<vmem_shared>>
    %dma_start3A_47 = arith.constant 0 : i32
    %dma_start3A_48 = tpu.memref_slice %arg7[%add3A_44, %dma_start3A_47] : memref<10016x16xf32, #tpu.memory_space<vmem_shared>> -> memref<80x16xf32, #tpu.memory_space<vmem_shared>>
    tpu.enqueue_dma source(%arg6 : memref<80x16xf32, #tpu.memory_space<vmem>>) target(%dma_start3A_48 : memref<80x16xf32, #tpu.memory_space<vmem_shared>>) target_semaphore(%arg16 : memref<!tpu.dma_semaphore, #tpu.memory_space<semaphore_mem>>)
    %add3A_49 = arith.constant 240 : i32
    %add3A_50 = arith.addi %multiple_of3A, %add3A_49 : i32
    %dma_start3A_51 = arith.constant 0 : i32
    %dma_start3A_52 = tpu.memref_slice %arg7[%add3A_50, %dma_start3A_51] : memref<10016x16xf32, #tpu.memory_space<vmem_shared>> -> memref<80x16xf32, #tpu.memory_space<vmem_shared>>
    %dma_start3A_53 = arith.constant 0 : i32
    %dma_start3A_54 = tpu.memref_slice %arg7[%add3A_50, %dma_start3A_53] : memref<10016x16xf32, #tpu.memory_space<vmem_shared>> -> memref<80x16xf32, #tpu.memory_space<vmem_shared>>
    tpu.enqueue_dma source(%arg6 : memref<80x16xf32, #tpu.memory_space<vmem>>) target(%dma_start3A_54 : memref<80x16xf32, #tpu.memory_space<vmem_shared>>) target_semaphore(%arg16 : memref<!tpu.dma_semaphore, #tpu.memory_space<semaphore_mem>>)
    %add3A_55 = arith.constant 320 : i32
    %add3A_56 = arith.addi %multiple_of3A, %add3A_55 : i32
    %dma_start3A_57 = arith.constant 0 : i32
    %dma_start3A_58 = tpu.memref_slice %arg7[%add3A_56, %dma_start3A_57] : memref<10016x16xf32, #tpu.memory_space<vmem_shared>> -> memref<80x16xf32, #tpu.memory_space<vmem_shared>>
    %dma_start3A_59 = arith.constant 0 : i32
    %dma_start3A_60 = tpu.memref_slice %arg7[%add3A_56, %dma_start3A_59] : memref<10016x16xf32, #tpu.memory_space<vmem_shared>> -> memref<80x16xf32, #tpu.memory_space<vmem_shared>>
    tpu.enqueue_dma source(%arg6 : memref<80x16xf32, #tpu.memory_space<vmem>>) target(%dma_start3A_60 : memref<80x16xf32, #tpu.memory_space<vmem_shared>>) target_semaphore(%arg16 : memref<!tpu.dma_semaphore, #tpu.memory_space<semaphore_mem>>)
    %add3A_61 = arith.constant 400 : i32
    %add3A_62 = arith.addi %multiple_of3A, %add3A_61 : i32
    %dma_start3A_63 = arith.constant 0 : i32
    %dma_start3A_64 = tpu.memref_slice %arg7[%add3A_62, %dma_start3A_63] : memref<10016x16xf32, #tpu.memory_space<vmem_shared>> -> memref<80x16xf32, #tpu.memory_space<vmem_shared>>
    %dma_start3A_65 = arith.constant 0 : i32
    %dma_start3A_66 = tpu.memref_slice %arg7[%add3A_62, %dma_start3A_65] : memref<10016x16xf32, #tpu.memory_space<vmem_shared>> -> memref<80x16xf32, #tpu.memory_space<vmem_shared>>
    tpu.enqueue_dma source(%arg6 : memref<80x16xf32, #tpu.memory_space<vmem>>) target(%dma_start3A_66 : memref<80x16xf32, #tpu.memory_space<vmem_shared>>) target_semaphore(%arg16 : memref<!tpu.dma_semaphore, #tpu.memory_space<semaphore_mem>>)
    %add3A_67 = arith.constant 480 : i32
    %add3A_68 = arith.addi %multiple_of3A, %add3A_67 : i32
    %dma_start3A_69 = arith.constant 0 : i32
    %dma_start3A_70 = tpu.memref_slice %arg7[%add3A_68, %dma_start3A_69] : memref<10016x16xf32, #tpu.memory_space<vmem_shared>> -> memref<80x16xf32, #tpu.memory_space<vmem_shared>>
    %dma_start3A_71 = arith.constant 0 : i32
    %dma_start3A_72 = tpu.memref_slice %arg7[%add3A_68, %dma_start3A_71] : memref<10016x16xf32, #tpu.memory_space<vmem_shared>> -> memref<80x16xf32, #tpu.memory_space<vmem_shared>>
    tpu.enqueue_dma source(%arg6 : memref<80x16xf32, #tpu.memory_space<vmem>>) target(%dma_start3A_72 : memref<80x16xf32, #tpu.memory_space<vmem_shared>>) target_semaphore(%arg16 : memref<!tpu.dma_semaphore, #tpu.memory_space<semaphore_mem>>)
    %add3A_73 = arith.constant 560 : i32
    %add3A_74 = arith.addi %multiple_of3A, %add3A_73 : i32
    %dma_start3A_75 = arith.constant 0 : i32
    %dma_start3A_76 = tpu.memref_slice %arg7[%add3A_74, %dma_start3A_75] : memref<10016x16xf32, #tpu.memory_space<vmem_shared>> -> memref<80x16xf32, #tpu.memory_space<vmem_shared>>
    %dma_start3A_77 = arith.constant 0 : i32
    %dma_start3A_78 = tpu.memref_slice %arg7[%add3A_74, %dma_start3A_77] : memref<10016x16xf32, #tpu.memory_space<vmem_shared>> -> memref<80x16xf32, #tpu.memory_space<vmem_shared>>
    tpu.enqueue_dma source(%arg6 : memref<80x16xf32, #tpu.memory_space<vmem>>) target(%dma_start3A_78 : memref<80x16xf32, #tpu.memory_space<vmem_shared>>) target_semaphore(%arg16 : memref<!tpu.dma_semaphore, #tpu.memory_space<semaphore_mem>>)
    %add3A_79 = arith.constant 0 : i32
    %add3A_80 = arith.addi %multiple_of3A, %add3A_79 : i32
    %dma_wait3A = arith.constant 0 : i32
    %dma_wait3A_81 = tpu.memref_slice %arg7[%add3A_80, %dma_wait3A] : memref<10016x16xf32, #tpu.memory_space<vmem_shared>> -> memref<80x16xf32, #tpu.memory_space<vmem_shared>>
    %dma_wait3A_82 = arith.constant 0 : i32
    %dma_wait3A_83 = tpu.memref_slice %arg7[%add3A_80, %dma_wait3A_82] : memref<10016x16xf32, #tpu.memory_space<vmem_shared>> -> memref<80x16xf32, #tpu.memory_space<vmem_shared>>
    tpu.wait_dma2 semaphore(%arg16 : memref<!tpu.dma_semaphore, #tpu.memory_space<semaphore_mem>>) src(%arg6 : memref<80x16xf32, #tpu.memory_space<vmem>>) dst(%dma_wait3A_83 : memref<80x16xf32, #tpu.memory_space<vmem_shared>>)
    %add3A_84 = arith.constant 80 : i32
    %add3A_85 = arith.addi %multiple_of3A, %add3A_84 : i32
    %dma_wait3A_86 = arith.constant 0 : i32
    %dma_wait3A_87 = tpu.memref_slice %arg7[%add3A_85, %dma_wait3A_86] : memref<10016x16xf32, #tpu.memory_space<vmem_shared>> -> memref<80x16xf32, #tpu.memory_space<vmem_shared>>
    %dma_wait3A_88 = arith.constant 0 : i32
    %dma_wait3A_89 = tpu.memref_slice %arg7[%add3A_85, %dma_wait3A_88] : memref<10016x16xf32, #tpu.memory_space<vmem_shared>> -> memref<80x16xf32, #tpu.memory_space<vmem_shared>>
    tpu.wait_dma2 semaphore(%arg16 : memref<!tpu.dma_semaphore, #tpu.memory_space<semaphore_mem>>) src(%arg6 : memref<80x16xf32, #tpu.memory_space<vmem>>) dst(%dma_wait3A_89 : memref<80x16xf32, #tpu.memory_space<vmem_shared>>)
    %add3A_90 = arith.constant 160 : i32
    %add3A_91 = arith.addi %multiple_of3A, %add3A_90 : i32
    %dma_wait3A_92 = arith.constant 0 : i32
    %dma_wait3A_93 = tpu.memref_slice %arg7[%add3A_91, %dma_wait3A_92] : memref<10016x16xf32, #tpu.memory_space<vmem_shared>> -> memref<80x16xf32, #tpu.memory_space<vmem_shared>>
    %dma_wait3A_94 = arith.constant 0 : i32
    %dma_wait3A_95 = tpu.memref_slice %arg7[%add3A_91, %dma_wait3A_94] : memref<10016x16xf32, #tpu.memory_space<vmem_shared>> -> memref<80x16xf32, #tpu.memory_space<vmem_shared>>
    tpu.wait_dma2 semaphore(%arg16 : memref<!tpu.dma_semaphore, #tpu.memory_space<semaphore_mem>>) src(%arg6 : memref<80x16xf32, #tpu.memory_space<vmem>>) dst(%dma_wait3A_95 : memref<80x16xf32, #tpu.memory_space<vmem_shared>>)
    %add3A_96 = arith.constant 240 : i32
    %add3A_97 = arith.addi %multiple_of3A, %add3A_96 : i32
    %dma_wait3A_98 = arith.constant 0 : i32
    %dma_wait3A_99 = tpu.memref_slice %arg7[%add3A_97, %dma_wait3A_98] : memref<10016x16xf32, #tpu.memory_space<vmem_shared>> -> memref<80x16xf32, #tpu.memory_space<vmem_shared>>
    %dma_wait3A_100 = arith.constant 0 : i32
    %dma_wait3A_101 = tpu.memref_slice %arg7[%add3A_97, %dma_wait3A_100] : memref<10016x16xf32, #tpu.memory_space<vmem_shared>> -> memref<80x16xf32, #tpu.memory_space<vmem_shared>>
    tpu.wait_dma2 semaphore(%arg16 : memref<!tpu.dma_semaphore, #tpu.memory_space<semaphore_mem>>) src(%arg6 : memref<80x16xf32, #tpu.memory_space<vmem>>) dst(%dma_wait3A_101 : memref<80x16xf32, #tpu.memory_space<vmem_shared>>)
    %add3A_102 = arith.constant 320 : i32
    %add3A_103 = arith.addi %multiple_of3A, %add3A_102 : i32
    %dma_wait3A_104 = arith.constant 0 : i32
    %dma_wait3A_105 = tpu.memref_slice %arg7[%add3A_103, %dma_wait3A_104] : memref<10016x16xf32, #tpu.memory_space<vmem_shared>> -> memref<80x16xf32, #tpu.memory_space<vmem_shared>>
    %dma_wait3A_106 = arith.constant 0 : i32
    %dma_wait3A_107 = tpu.memref_slice %arg7[%add3A_103, %dma_wait3A_106] : memref<10016x16xf32, #tpu.memory_space<vmem_shared>> -> memref<80x16xf32, #tpu.memory_space<vmem_shared>>
    tpu.wait_dma2 semaphore(%arg16 : memref<!tpu.dma_semaphore, #tpu.memory_space<semaphore_mem>>) src(%arg6 : memref<80x16xf32, #tpu.memory_space<vmem>>) dst(%dma_wait3A_107 : memref<80x16xf32, #tpu.memory_space<vmem_shared>>)
    %add3A_108 = arith.constant 400 : i32
    %add3A_109 = arith.addi %multiple_of3A, %add3A_108 : i32
    %dma_wait3A_110 = arith.constant 0 : i32
    %dma_wait3A_111 = tpu.memref_slice %arg7[%add3A_109, %dma_wait3A_110] : memref<10016x16xf32, #tpu.memory_space<vmem_shared>> -> memref<80x16xf32, #tpu.memory_space<vmem_shared>>
    %dma_wait3A_112 = arith.constant 0 : i32
    %dma_wait3A_113 = tpu.memref_slice %arg7[%add3A_109, %dma_wait3A_112] : memref<10016x16xf32, #tpu.memory_space<vmem_shared>> -> memref<80x16xf32, #tpu.memory_space<vmem_shared>>
    tpu.wait_dma2 semaphore(%arg16 : memref<!tpu.dma_semaphore, #tpu.memory_space<semaphore_mem>>) src(%arg6 : memref<80x16xf32, #tpu.memory_space<vmem>>) dst(%dma_wait3A_113 : memref<80x16xf32, #tpu.memory_space<vmem_shared>>)
    %add3A_114 = arith.constant 480 : i32
    %add3A_115 = arith.addi %multiple_of3A, %add3A_114 : i32
    %dma_wait3A_116 = arith.constant 0 : i32
    %dma_wait3A_117 = tpu.memref_slice %arg7[%add3A_115, %dma_wait3A_116] : memref<10016x16xf32, #tpu.memory_space<vmem_shared>> -> memref<80x16xf32, #tpu.memory_space<vmem_shared>>
    %dma_wait3A_118 = arith.constant 0 : i32
    %dma_wait3A_119 = tpu.memref_slice %arg7[%add3A_115, %dma_wait3A_118] : memref<10016x16xf32, #tpu.memory_space<vmem_shared>> -> memref<80x16xf32, #tpu.memory_space<vmem_shared>>
    tpu.wait_dma2 semaphore(%arg16 : memref<!tpu.dma_semaphore, #tpu.memory_space<semaphore_mem>>) src(%arg6 : memref<80x16xf32, #tpu.memory_space<vmem>>) dst(%dma_wait3A_119 : memref<80x16xf32, #tpu.memory_space<vmem_shared>>)
    %add3A_120 = arith.constant 560 : i32
    %add3A_121 = arith.addi %multiple_of3A, %add3A_120 : i32
    %dma_wait3A_122 = arith.constant 0 : i32
    %dma_wait3A_123 = tpu.memref_slice %arg7[%add3A_121, %dma_wait3A_122] : memref<10016x16xf32, #tpu.memory_space<vmem_shared>> -> memref<80x16xf32, #tpu.memory_space<vmem_shared>>
    %dma_wait3A_124 = arith.constant 0 : i32
    %dma_wait3A_125 = tpu.memref_slice %arg7[%add3A_121, %dma_wait3A_124] : memref<10016x16xf32, #tpu.memory_space<vmem_shared>> -> memref<80x16xf32, #tpu.memory_space<vmem_shared>>
    tpu.wait_dma2 semaphore(%arg16 : memref<!tpu.dma_semaphore, #tpu.memory_space<semaphore_mem>>) src(%arg6 : memref<80x16xf32, #tpu.memory_space<vmem>>) dst(%dma_wait3A_125 : memref<80x16xf32, #tpu.memory_space<vmem_shared>>)
    %barrier3A = arith.constant 0 : index
    tpu.barrier barrier_id(%barrier3A)
    %scan3A_126 = arith.constant 0 : i32
    %scan3A_127 = arith.constant 0 : i32
    %scan3A_128 = arith.constant 10 : i32
    %scan3A_129 = arith.addi %scan3A_127, %scan3A_128 : i32
    %scan3A_130 = arith.constant 1 : i32
    scf.for %scan3A_189 = %scan3A_127 to %scan3A_129 step %scan3A_130  : i32 {
      %mul3A_190 = arith.constant 8 : i32
      %mul3A_191 = arith.muli %mul3A_190, %scan3A_189 : i32
      %add3A_192 = arith.constant 0 : i32
      %add3A_193 = arith.addi %mul3A_191, %add3A_192 : i32
      %ge3A = arith.constant 8 : i32
      %ge3A_194 = arith.cmpi sge, %add3A_193, %ge3A : i32
      %convert_element_type3A = arith.extui %ge3A_194 : i1 to i32
      %cond3A = arith.constant 0 : i32
      %cond3A_195 = arith.cmpi ne, %convert_element_type3A, %cond3A : i32
      scf.if %cond3A_195 {
        %sub3A_307 = arith.constant 8 : i32
        %sub3A_308 = arith.subi %add3A_193, %sub3A_307 : i32
        %dma_wait3A_309 = arith.constant 0 : i32
        %dma_wait3A_310 = tpu.memref_slice %arg4[%sub3A_308, %dma_wait3A_309] : memref<80x125xi32, #tpu.memory_space<vmem>> -> memref<1x125xi32, #tpu.memory_space<vmem>>
        %dma_wait3A_311 = tpu.memref_squeeze %dma_wait3A_310 : memref<1x125xi32, #tpu.memory_space<vmem>> -> memref<125xi32, #tpu.memory_space<vmem>>
        %dma_wait3A_312 = arith.constant 0 : i32
        %dma_wait3A_313 = arith.constant 0 : i32
        %dma_wait3A_314 = tpu.memref_slice %arg7[%dma_wait3A_312, %dma_wait3A_313] : memref<10016x16xf32, #tpu.memory_space<vmem_shared>> -> memref<10016x16xf32, #tpu.memory_space<vmem_shared>>
        tpu.wait_indirect_dma semaphore(%arg8 : memref<!tpu.dma_semaphore, #tpu.memory_space<semaphore_mem>>) src(%arg5 : memref<125x16xf32, #tpu.memory_space<vmem>>) dst(%dma_wait3A_314 : memref<10016x16xf32, #tpu.memory_space<vmem_shared>>)
      } else {
      }
      %dma_start3A_196 = arith.constant 0 : i32
      %dma_start3A_197 = tpu.memref_slice %arg4[%add3A_193, %dma_start3A_196] : memref<80x125xi32, #tpu.memory_space<vmem>> -> memref<1x125xi32, #tpu.memory_space<vmem>>
      %dma_start3A_198 = tpu.memref_squeeze %dma_start3A_197 : memref<1x125xi32, #tpu.memory_space<vmem>> -> memref<125xi32, #tpu.memory_space<vmem>>
      %dma_start3A_199 = arith.constant 0 : i32
      %dma_start3A_200 = arith.constant 0 : i32
      %dma_start3A_201 = tpu.memref_slice %arg7[%dma_start3A_199, %dma_start3A_200] : memref<10016x16xf32, #tpu.memory_space<vmem_shared>> -> memref<10016x16xf32, #tpu.memory_space<vmem_shared>>
      tpu.enqueue_indirect_dma source(%arg5 : memref<125x16xf32, #tpu.memory_space<vmem>>) target(%dma_start3A_201 : memref<10016x16xf32, #tpu.memory_space<vmem_shared>>) offsets(%dma_start3A_198 : memref<125xi32, #tpu.memory_space<vmem>>) semaphore(%arg8 : memref<!tpu.dma_semaphore, #tpu.memory_space<semaphore_mem>>) {add = true}
      %mul3A_202 = arith.constant 8 : i32
      %mul3A_203 = arith.muli %mul3A_202, %scan3A_189 : i32
      %add3A_204 = arith.constant 1 : i32
      %add3A_205 = arith.addi %mul3A_203, %add3A_204 : i32
      %ge3A_206 = arith.constant 8 : i32
      %ge3A_207 = arith.cmpi sge, %add3A_205, %ge3A_206 : i32
      %convert_element_type3A_208 = arith.extui %ge3A_207 : i1 to i32
      %cond3A_209 = arith.constant 0 : i32
      %cond3A_210 = arith.cmpi ne, %convert_element_type3A_208, %cond3A_209 : i32
      scf.if %cond3A_210 {
        %sub3A_307 = arith.constant 8 : i32
        %sub3A_308 = arith.subi %add3A_205, %sub3A_307 : i32
        %dma_wait3A_309 = arith.constant 0 : i32
        %dma_wait3A_310 = tpu.memref_slice %arg4[%sub3A_308, %dma_wait3A_309] : memref<80x125xi32, #tpu.memory_space<vmem>> -> memref<1x125xi32, #tpu.memory_space<vmem>>
        %dma_wait3A_311 = tpu.memref_squeeze %dma_wait3A_310 : memref<1x125xi32, #tpu.memory_space<vmem>> -> memref<125xi32, #tpu.memory_space<vmem>>
        %dma_wait3A_312 = arith.constant 0 : i32
        %dma_wait3A_313 = arith.constant 0 : i32
        %dma_wait3A_314 = tpu.memref_slice %arg7[%dma_wait3A_312, %dma_wait3A_313] : memref<10016x16xf32, #tpu.memory_space<vmem_shared>> -> memref<10016x16xf32, #tpu.memory_space<vmem_shared>>
        tpu.wait_indirect_dma semaphore(%arg9 : memref<!tpu.dma_semaphore, #tpu.memory_space<semaphore_mem>>) src(%arg5 : memref<125x16xf32, #tpu.memory_space<vmem>>) dst(%dma_wait3A_314 : memref<10016x16xf32, #tpu.memory_space<vmem_shared>>)
      } else {
      }
      %dma_start3A_211 = arith.constant 0 : i32
      %dma_start3A_212 = tpu.memref_slice %arg4[%add3A_205, %dma_start3A_211] : memref<80x125xi32, #tpu.memory_space<vmem>> -> memref<1x125xi32, #tpu.memory_space<vmem>>
      %dma_start3A_213 = tpu.memref_squeeze %dma_start3A_212 : memref<1x125xi32, #tpu.memory_space<vmem>> -> memref<125xi32, #tpu.memory_space<vmem>>
      %dma_start3A_214 = arith.constant 0 : i32
      %dma_start3A_215 = arith.constant 0 : i32
      %dma_start3A_216 = tpu.memref_slice %arg7[%dma_start3A_214, %dma_start3A_215] : memref<10016x16xf32, #tpu.memory_space<vmem_shared>> -> memref<10016x16xf32, #tpu.memory_space<vmem_shared>>
      tpu.enqueue_indirect_dma source(%arg5 : memref<125x16xf32, #tpu.memory_space<vmem>>) target(%dma_start3A_216 : memref<10016x16xf32, #tpu.memory_space<vmem_shared>>) offsets(%dma_start3A_213 : memref<125xi32, #tpu.memory_space<vmem>>) semaphore(%arg9 : memref<!tpu.dma_semaphore, #tpu.memory_space<semaphore_mem>>) {add = true}
      %mul3A_217 = arith.constant 8 : i32
      %mul3A_218 = arith.muli %mul3A_217, %scan3A_189 : i32
      %add3A_219 = arith.constant 2 : i32
      %add3A_220 = arith.addi %mul3A_218, %add3A_219 : i32
      %ge3A_221 = arith.constant 8 : i32
      %ge3A_222 = arith.cmpi sge, %add3A_220, %ge3A_221 : i32
      %convert_element_type3A_223 = arith.extui %ge3A_222 : i1 to i32
      %cond3A_224 = arith.constant 0 : i32
      %cond3A_225 = arith.cmpi ne, %convert_element_type3A_223, %cond3A_224 : i32
      scf.if %cond3A_225 {
        %sub3A_307 = arith.constant 8 : i32
        %sub3A_308 = arith.subi %add3A_220, %sub3A_307 : i32
        %dma_wait3A_309 = arith.constant 0 : i32
        %dma_wait3A_310 = tpu.memref_slice %arg4[%sub3A_308, %dma_wait3A_309] : memref<80x125xi32, #tpu.memory_space<vmem>> -> memref<1x125xi32, #tpu.memory_space<vmem>>
        %dma_wait3A_311 = tpu.memref_squeeze %dma_wait3A_310 : memref<1x125xi32, #tpu.memory_space<vmem>> -> memref<125xi32, #tpu.memory_space<vmem>>
        %dma_wait3A_312 = arith.constant 0 : i32
        %dma_wait3A_313 = arith.constant 0 : i32
        %dma_wait3A_314 = tpu.memref_slice %arg7[%dma_wait3A_312, %dma_wait3A_313] : memref<10016x16xf32, #tpu.memory_space<vmem_shared>> -> memref<10016x16xf32, #tpu.memory_space<vmem_shared>>
        tpu.wait_indirect_dma semaphore(%arg10 : memref<!tpu.dma_semaphore, #tpu.memory_space<semaphore_mem>>) src(%arg5 : memref<125x16xf32, #tpu.memory_space<vmem>>) dst(%dma_wait3A_314 : memref<10016x16xf32, #tpu.memory_space<vmem_shared>>)
      } else {
      }
      %dma_start3A_226 = arith.constant 0 : i32
      %dma_start3A_227 = tpu.memref_slice %arg4[%add3A_220, %dma_start3A_226] : memref<80x125xi32, #tpu.memory_space<vmem>> -> memref<1x125xi32, #tpu.memory_space<vmem>>
      %dma_start3A_228 = tpu.memref_squeeze %dma_start3A_227 : memref<1x125xi32, #tpu.memory_space<vmem>> -> memref<125xi32, #tpu.memory_space<vmem>>
      %dma_start3A_229 = arith.constant 0 : i32
      %dma_start3A_230 = arith.constant 0 : i32
      %dma_start3A_231 = tpu.memref_slice %arg7[%dma_start3A_229, %dma_start3A_230] : memref<10016x16xf32, #tpu.memory_space<vmem_shared>> -> memref<10016x16xf32, #tpu.memory_space<vmem_shared>>
      tpu.enqueue_indirect_dma source(%arg5 : memref<125x16xf32, #tpu.memory_space<vmem>>) target(%dma_start3A_231 : memref<10016x16xf32, #tpu.memory_space<vmem_shared>>) offsets(%dma_start3A_228 : memref<125xi32, #tpu.memory_space<vmem>>) semaphore(%arg10 : memref<!tpu.dma_semaphore, #tpu.memory_space<semaphore_mem>>) {add = true}
      %mul3A_232 = arith.constant 8 : i32
      %mul3A_233 = arith.muli %mul3A_232, %scan3A_189 : i32
      %add3A_234 = arith.constant 3 : i32
      %add3A_235 = arith.addi %mul3A_233, %add3A_234 : i32
      %ge3A_236 = arith.constant 8 : i32
      %ge3A_237 = arith.cmpi sge, %add3A_235, %ge3A_236 : i32
      %convert_element_type3A_238 = arith.extui %ge3A_237 : i1 to i32
      %cond3A_239 = arith.constant 0 : i32
      %cond3A_240 = arith.cmpi ne, %convert_element_type3A_238, %cond3A_239 : i32
      scf.if %cond3A_240 {
        %sub3A_307 = arith.constant 8 : i32
        %sub3A_308 = arith.subi %add3A_235, %sub3A_307 : i32
        %dma_wait3A_309 = arith.constant 0 : i32
        %dma_wait3A_310 = tpu.memref_slice %arg4[%sub3A_308, %dma_wait3A_309] : memref<80x125xi32, #tpu.memory_space<vmem>> -> memref<1x125xi32, #tpu.memory_space<vmem>>
        %dma_wait3A_311 = tpu.memref_squeeze %dma_wait3A_310 : memref<1x125xi32, #tpu.memory_space<vmem>> -> memref<125xi32, #tpu.memory_space<vmem>>
        %dma_wait3A_312 = arith.constant 0 : i32
        %dma_wait3A_313 = arith.constant 0 : i32
        %dma_wait3A_314 = tpu.memref_slice %arg7[%dma_wait3A_312, %dma_wait3A_313] : memref<10016x16xf32, #tpu.memory_space<vmem_shared>> -> memref<10016x16xf32, #tpu.memory_space<vmem_shared>>
        tpu.wait_indirect_dma semaphore(%arg11 : memref<!tpu.dma_semaphore, #tpu.memory_space<semaphore_mem>>) src(%arg5 : memref<125x16xf32, #tpu.memory_space<vmem>>) dst(%dma_wait3A_314 : memref<10016x16xf32, #tpu.memory_space<vmem_shared>>)
      } else {
      }
      %dma_start3A_241 = arith.constant 0 : i32
      %dma_start3A_242 = tpu.memref_slice %arg4[%add3A_235, %dma_start3A_241] : memref<80x125xi32, #tpu.memory_space<vmem>> -> memref<1x125xi32, #tpu.memory_space<vmem>>
      %dma_start3A_243 = tpu.memref_squeeze %dma_start3A_242 : memref<1x125xi32, #tpu.memory_space<vmem>> -> memref<125xi32, #tpu.memory_space<vmem>>
      %dma_start3A_244 = arith.constant 0 : i32
      %dma_start3A_245 = arith.constant 0 : i32
      %dma_start3A_246 = tpu.memref_slice %arg7[%dma_start3A_244, %dma_start3A_245] : memref<10016x16xf32, #tpu.memory_space<vmem_shared>> -> memref<10016x16xf32, #tpu.memory_space<vmem_shared>>
      tpu.enqueue_indirect_dma source(%arg5 : memref<125x16xf32, #tpu.memory_space<vmem>>) target(%dma_start3A_246 : memref<10016x16xf32, #tpu.memory_space<vmem_shared>>) offsets(%dma_start3A_243 : memref<125xi32, #tpu.memory_space<vmem>>) semaphore(%arg11 : memref<!tpu.dma_semaphore, #tpu.memory_space<semaphore_mem>>) {add = true}
      %mul3A_247 = arith.constant 8 : i32
      %mul3A_248 = arith.muli %mul3A_247, %scan3A_189 : i32
      %add3A_249 = arith.constant 4 : i32
      %add3A_250 = arith.addi %mul3A_248, %add3A_249 : i32
      %ge3A_251 = arith.constant 8 : i32
      %ge3A_252 = arith.cmpi sge, %add3A_250, %ge3A_251 : i32
      %convert_element_type3A_253 = arith.extui %ge3A_252 : i1 to i32
      %cond3A_254 = arith.constant 0 : i32
      %cond3A_255 = arith.cmpi ne, %convert_element_type3A_253, %cond3A_254 : i32
      scf.if %cond3A_255 {
        %sub3A_307 = arith.constant 8 : i32
        %sub3A_308 = arith.subi %add3A_250, %sub3A_307 : i32
        %dma_wait3A_309 = arith.constant 0 : i32
        %dma_wait3A_310 = tpu.memref_slice %arg4[%sub3A_308, %dma_wait3A_309] : memref<80x125xi32, #tpu.memory_space<vmem>> -> memref<1x125xi32, #tpu.memory_space<vmem>>
        %dma_wait3A_311 = tpu.memref_squeeze %dma_wait3A_310 : memref<1x125xi32, #tpu.memory_space<vmem>> -> memref<125xi32, #tpu.memory_space<vmem>>
        %dma_wait3A_312 = arith.constant 0 : i32
        %dma_wait3A_313 = arith.constant 0 : i32
        %dma_wait3A_314 = tpu.memref_slice %arg7[%dma_wait3A_312, %dma_wait3A_313] : memref<10016x16xf32, #tpu.memory_space<vmem_shared>> -> memref<10016x16xf32, #tpu.memory_space<vmem_shared>>
        tpu.wait_indirect_dma semaphore(%arg12 : memref<!tpu.dma_semaphore, #tpu.memory_space<semaphore_mem>>) src(%arg5 : memref<125x16xf32, #tpu.memory_space<vmem>>) dst(%dma_wait3A_314 : memref<10016x16xf32, #tpu.memory_space<vmem_shared>>)
      } else {
      }
      %dma_start3A_256 = arith.constant 0 : i32
      %dma_start3A_257 = tpu.memref_slice %arg4[%add3A_250, %dma_start3A_256] : memref<80x125xi32, #tpu.memory_space<vmem>> -> memref<1x125xi32, #tpu.memory_space<vmem>>
      %dma_start3A_258 = tpu.memref_squeeze %dma_start3A_257 : memref<1x125xi32, #tpu.memory_space<vmem>> -> memref<125xi32, #tpu.memory_space<vmem>>
      %dma_start3A_259 = arith.constant 0 : i32
      %dma_start3A_260 = arith.constant 0 : i32
      %dma_start3A_261 = tpu.memref_slice %arg7[%dma_start3A_259, %dma_start3A_260] : memref<10016x16xf32, #tpu.memory_space<vmem_shared>> -> memref<10016x16xf32, #tpu.memory_space<vmem_shared>>
      tpu.enqueue_indirect_dma source(%arg5 : memref<125x16xf32, #tpu.memory_space<vmem>>) target(%dma_start3A_261 : memref<10016x16xf32, #tpu.memory_space<vmem_shared>>) offsets(%dma_start3A_258 : memref<125xi32, #tpu.memory_space<vmem>>) semaphore(%arg12 : memref<!tpu.dma_semaphore, #tpu.memory_space<semaphore_mem>>) {add = true}
      %mul3A_262 = arith.constant 8 : i32
      %mul3A_263 = arith.muli %mul3A_262, %scan3A_189 : i32
      %add3A_264 = arith.constant 5 : i32
      %add3A_265 = arith.addi %mul3A_263, %add3A_264 : i32
      %ge3A_266 = arith.constant 8 : i32
      %ge3A_267 = arith.cmpi sge, %add3A_265, %ge3A_266 : i32
      %convert_element_type3A_268 = arith.extui %ge3A_267 : i1 to i32
      %cond3A_269 = arith.constant 0 : i32
      %cond3A_270 = arith.cmpi ne, %convert_element_type3A_268, %cond3A_269 : i32
      scf.if %cond3A_270 {
        %sub3A_307 = arith.constant 8 : i32
        %sub3A_308 = arith.subi %add3A_265, %sub3A_307 : i32
        %dma_wait3A_309 = arith.constant 0 : i32
        %dma_wait3A_310 = tpu.memref_slice %arg4[%sub3A_308, %dma_wait3A_309] : memref<80x125xi32, #tpu.memory_space<vmem>> -> memref<1x125xi32, #tpu.memory_space<vmem>>
        %dma_wait3A_311 = tpu.memref_squeeze %dma_wait3A_310 : memref<1x125xi32, #tpu.memory_space<vmem>> -> memref<125xi32, #tpu.memory_space<vmem>>
        %dma_wait3A_312 = arith.constant 0 : i32
        %dma_wait3A_313 = arith.constant 0 : i32
        %dma_wait3A_314 = tpu.memref_slice %arg7[%dma_wait3A_312, %dma_wait3A_313] : memref<10016x16xf32, #tpu.memory_space<vmem_shared>> -> memref<10016x16xf32, #tpu.memory_space<vmem_shared>>
        tpu.wait_indirect_dma semaphore(%arg13 : memref<!tpu.dma_semaphore, #tpu.memory_space<semaphore_mem>>) src(%arg5 : memref<125x16xf32, #tpu.memory_space<vmem>>) dst(%dma_wait3A_314 : memref<10016x16xf32, #tpu.memory_space<vmem_shared>>)
      } else {
      }
      %dma_start3A_271 = arith.constant 0 : i32
      %dma_start3A_272 = tpu.memref_slice %arg4[%add3A_265, %dma_start3A_271] : memref<80x125xi32, #tpu.memory_space<vmem>> -> memref<1x125xi32, #tpu.memory_space<vmem>>
      %dma_start3A_273 = tpu.memref_squeeze %dma_start3A_272 : memref<1x125xi32, #tpu.memory_space<vmem>> -> memref<125xi32, #tpu.memory_space<vmem>>
      %dma_start3A_274 = arith.constant 0 : i32
      %dma_start3A_275 = arith.constant 0 : i32
      %dma_start3A_276 = tpu.memref_slice %arg7[%dma_start3A_274, %dma_start3A_275] : memref<10016x16xf32, #tpu.memory_space<vmem_shared>> -> memref<10016x16xf32, #tpu.memory_space<vmem_shared>>
      tpu.enqueue_indirect_dma source(%arg5 : memref<125x16xf32, #tpu.memory_space<vmem>>) target(%dma_start3A_276 : memref<10016x16xf32, #tpu.memory_space<vmem_shared>>) offsets(%dma_start3A_273 : memref<125xi32, #tpu.memory_space<vmem>>) semaphore(%arg13 : memref<!tpu.dma_semaphore, #tpu.memory_space<semaphore_mem>>) {add = true}
      %mul3A_277 = arith.constant 8 : i32
      %mul3A_278 = arith.muli %mul3A_277, %scan3A_189 : i32
      %add3A_279 = arith.constant 6 : i32
      %add3A_280 = arith.addi %mul3A_278, %add3A_279 : i32
      %ge3A_281 = arith.constant 8 : i32
      %ge3A_282 = arith.cmpi sge, %add3A_280, %ge3A_281 : i32
      %convert_element_type3A_283 = arith.extui %ge3A_282 : i1 to i32
      %cond3A_284 = arith.constant 0 : i32
      %cond3A_285 = arith.cmpi ne, %convert_element_type3A_283, %cond3A_284 : i32
      scf.if %cond3A_285 {
        %sub3A_307 = arith.constant 8 : i32
        %sub3A_308 = arith.subi %add3A_280, %sub3A_307 : i32
        %dma_wait3A_309 = arith.constant 0 : i32
        %dma_wait3A_310 = tpu.memref_slice %arg4[%sub3A_308, %dma_wait3A_309] : memref<80x125xi32, #tpu.memory_space<vmem>> -> memref<1x125xi32, #tpu.memory_space<vmem>>
        %dma_wait3A_311 = tpu.memref_squeeze %dma_wait3A_310 : memref<1x125xi32, #tpu.memory_space<vmem>> -> memref<125xi32, #tpu.memory_space<vmem>>
        %dma_wait3A_312 = arith.constant 0 : i32
        %dma_wait3A_313 = arith.constant 0 : i32
        %dma_wait3A_314 = tpu.memref_slice %arg7[%dma_wait3A_312, %dma_wait3A_313] : memref<10016x16xf32, #tpu.memory_space<vmem_shared>> -> memref<10016x16xf32, #tpu.memory_space<vmem_shared>>
        tpu.wait_indirect_dma semaphore(%arg14 : memref<!tpu.dma_semaphore, #tpu.memory_space<semaphore_mem>>) src(%arg5 : memref<125x16xf32, #tpu.memory_space<vmem>>) dst(%dma_wait3A_314 : memref<10016x16xf32, #tpu.memory_space<vmem_shared>>)
      } else {
      }
      %dma_start3A_286 = arith.constant 0 : i32
      %dma_start3A_287 = tpu.memref_slice %arg4[%add3A_280, %dma_start3A_286] : memref<80x125xi32, #tpu.memory_space<vmem>> -> memref<1x125xi32, #tpu.memory_space<vmem>>
      %dma_start3A_288 = tpu.memref_squeeze %dma_start3A_287 : memref<1x125xi32, #tpu.memory_space<vmem>> -> memref<125xi32, #tpu.memory_space<vmem>>
      %dma_start3A_289 = arith.constant 0 : i32
      %dma_start3A_290 = arith.constant 0 : i32
      %dma_start3A_291 = tpu.memref_slice %arg7[%dma_start3A_289, %dma_start3A_290] : memref<10016x16xf32, #tpu.memory_space<vmem_shared>> -> memref<10016x16xf32, #tpu.memory_space<vmem_shared>>
      tpu.enqueue_indirect_dma source(%arg5 : memref<125x16xf32, #tpu.memory_space<vmem>>) target(%dma_start3A_291 : memref<10016x16xf32, #tpu.memory_space<vmem_shared>>) offsets(%dma_start3A_288 : memref<125xi32, #tpu.memory_space<vmem>>) semaphore(%arg14 : memref<!tpu.dma_semaphore, #tpu.memory_space<semaphore_mem>>) {add = true}
      %mul3A_292 = arith.constant 8 : i32
      %mul3A_293 = arith.muli %mul3A_292, %scan3A_189 : i32
      %add3A_294 = arith.constant 7 : i32
      %add3A_295 = arith.addi %mul3A_293, %add3A_294 : i32
      %ge3A_296 = arith.constant 8 : i32
      %ge3A_297 = arith.cmpi sge, %add3A_295, %ge3A_296 : i32
      %convert_element_type3A_298 = arith.extui %ge3A_297 : i1 to i32
      %cond3A_299 = arith.constant 0 : i32
      %cond3A_300 = arith.cmpi ne, %convert_element_type3A_298, %cond3A_299 : i32
      scf.if %cond3A_300 {
        %sub3A_307 = arith.constant 8 : i32
        %sub3A_308 = arith.subi %add3A_295, %sub3A_307 : i32
        %dma_wait3A_309 = arith.constant 0 : i32
        %dma_wait3A_310 = tpu.memref_slice %arg4[%sub3A_308, %dma_wait3A_309] : memref<80x125xi32, #tpu.memory_space<vmem>> -> memref<1x125xi32, #tpu.memory_space<vmem>>
        %dma_wait3A_311 = tpu.memref_squeeze %dma_wait3A_310 : memref<1x125xi32, #tpu.memory_space<vmem>> -> memref<125xi32, #tpu.memory_space<vmem>>
        %dma_wait3A_312 = arith.constant 0 : i32
        %dma_wait3A_313 = arith.constant 0 : i32
        %dma_wait3A_314 = tpu.memref_slice %arg7[%dma_wait3A_312, %dma_wait3A_313] : memref<10016x16xf32, #tpu.memory_space<vmem_shared>> -> memref<10016x16xf32, #tpu.memory_space<vmem_shared>>
        tpu.wait_indirect_dma semaphore(%arg15 : memref<!tpu.dma_semaphore, #tpu.memory_space<semaphore_mem>>) src(%arg5 : memref<125x16xf32, #tpu.memory_space<vmem>>) dst(%dma_wait3A_314 : memref<10016x16xf32, #tpu.memory_space<vmem_shared>>)
      } else {
      }
      %dma_start3A_301 = arith.constant 0 : i32
      %dma_start3A_302 = tpu.memref_slice %arg4[%add3A_295, %dma_start3A_301] : memref<80x125xi32, #tpu.memory_space<vmem>> -> memref<1x125xi32, #tpu.memory_space<vmem>>
      %dma_start3A_303 = tpu.memref_squeeze %dma_start3A_302 : memref<1x125xi32, #tpu.memory_space<vmem>> -> memref<125xi32, #tpu.memory_space<vmem>>
      %dma_start3A_304 = arith.constant 0 : i32
      %dma_start3A_305 = arith.constant 0 : i32
      %dma_start3A_306 = tpu.memref_slice %arg7[%dma_start3A_304, %dma_start3A_305] : memref<10016x16xf32, #tpu.memory_space<vmem_shared>> -> memref<10016x16xf32, #tpu.memory_space<vmem_shared>>
      tpu.enqueue_indirect_dma source(%arg5 : memref<125x16xf32, #tpu.memory_space<vmem>>) target(%dma_start3A_306 : memref<10016x16xf32, #tpu.memory_space<vmem_shared>>) offsets(%dma_start3A_303 : memref<125xi32, #tpu.memory_space<vmem>>) semaphore(%arg15 : memref<!tpu.dma_semaphore, #tpu.memory_space<semaphore_mem>>) {add = true}
    }
    %scan3A_131 = arith.constant 10 : i32
    %dma_wait3A_132 = arith.constant 72 : i32
    %dma_wait3A_133 = arith.constant 0 : i32
    %dma_wait3A_134 = tpu.memref_slice %arg4[%dma_wait3A_132, %dma_wait3A_133] : memref<80x125xi32, #tpu.memory_space<vmem>> -> memref<1x125xi32, #tpu.memory_space<vmem>>
    %dma_wait3A_135 = tpu.memref_squeeze %dma_wait3A_134 : memref<1x125xi32, #tpu.memory_space<vmem>> -> memref<125xi32, #tpu.memory_space<vmem>>
    %dma_wait3A_136 = arith.constant 0 : i32
    %dma_wait3A_137 = arith.constant 0 : i32
    %dma_wait3A_138 = tpu.memref_slice %arg7[%dma_wait3A_136, %dma_wait3A_137] : memref<10016x16xf32, #tpu.memory_space<vmem_shared>> -> memref<10016x16xf32, #tpu.memory_space<vmem_shared>>
    tpu.wait_indirect_dma semaphore(%arg8 : memref<!tpu.dma_semaphore, #tpu.memory_space<semaphore_mem>>) src(%arg5 : memref<125x16xf32, #tpu.memory_space<vmem>>) dst(%dma_wait3A_138 : memref<10016x16xf32, #tpu.memory_space<vmem_shared>>)
    %dma_wait3A_139 = arith.constant 73 : i32
    %dma_wait3A_140 = arith.constant 0 : i32
    %dma_wait3A_141 = tpu.memref_slice %arg4[%dma_wait3A_139, %dma_wait3A_140] : memref<80x125xi32, #tpu.memory_space<vmem>> -> memref<1x125xi32, #tpu.memory_space<vmem>>
    %dma_wait3A_142 = tpu.memref_squeeze %dma_wait3A_141 : memref<1x125xi32, #tpu.memory_space<vmem>> -> memref<125xi32, #tpu.memory_space<vmem>>
    %dma_wait3A_143 = arith.constant 0 : i32
    %dma_wait3A_144 = arith.constant 0 : i32
    %dma_wait3A_145 = tpu.memref_slice %arg7[%dma_wait3A_143, %dma_wait3A_144] : memref<10016x16xf32, #tpu.memory_space<vmem_shared>> -> memref<10016x16xf32, #tpu.memory_space<vmem_shared>>
    tpu.wait_indirect_dma semaphore(%arg9 : memref<!tpu.dma_semaphore, #tpu.memory_space<semaphore_mem>>) src(%arg5 : memref<125x16xf32, #tpu.memory_space<vmem>>) dst(%dma_wait3A_145 : memref<10016x16xf32, #tpu.memory_space<vmem_shared>>)
    %dma_wait3A_146 = arith.constant 74 : i32
    %dma_wait3A_147 = arith.constant 0 : i32
    %dma_wait3A_148 = tpu.memref_slice %arg4[%dma_wait3A_146, %dma_wait3A_147] : memref<80x125xi32, #tpu.memory_space<vmem>> -> memref<1x125xi32, #tpu.memory_space<vmem>>
    %dma_wait3A_149 = tpu.memref_squeeze %dma_wait3A_148 : memref<1x125xi32, #tpu.memory_space<vmem>> -> memref<125xi32, #tpu.memory_space<vmem>>
    %dma_wait3A_150 = arith.constant 0 : i32
    %dma_wait3A_151 = arith.constant 0 : i32
    %dma_wait3A_152 = tpu.memref_slice %arg7[%dma_wait3A_150, %dma_wait3A_151] : memref<10016x16xf32, #tpu.memory_space<vmem_shared>> -> memref<10016x16xf32, #tpu.memory_space<vmem_shared>>
    tpu.wait_indirect_dma semaphore(%arg10 : memref<!tpu.dma_semaphore, #tpu.memory_space<semaphore_mem>>) src(%arg5 : memref<125x16xf32, #tpu.memory_space<vmem>>) dst(%dma_wait3A_152 : memref<10016x16xf32, #tpu.memory_space<vmem_shared>>)
    %dma_wait3A_153 = arith.constant 75 : i32
    %dma_wait3A_154 = arith.constant 0 : i32
    %dma_wait3A_155 = tpu.memref_slice %arg4[%dma_wait3A_153, %dma_wait3A_154] : memref<80x125xi32, #tpu.memory_space<vmem>> -> memref<1x125xi32, #tpu.memory_space<vmem>>
    %dma_wait3A_156 = tpu.memref_squeeze %dma_wait3A_155 : memref<1x125xi32, #tpu.memory_space<vmem>> -> memref<125xi32, #tpu.memory_space<vmem>>
    %dma_wait3A_157 = arith.constant 0 : i32
    %dma_wait3A_158 = arith.constant 0 : i32
    %dma_wait3A_159 = tpu.memref_slice %arg7[%dma_wait3A_157, %dma_wait3A_158] : memref<10016x16xf32, #tpu.memory_space<vmem_shared>> -> memref<10016x16xf32, #tpu.memory_space<vmem_shared>>
    tpu.wait_indirect_dma semaphore(%arg11 : memref<!tpu.dma_semaphore, #tpu.memory_space<semaphore_mem>>) src(%arg5 : memref<125x16xf32, #tpu.memory_space<vmem>>) dst(%dma_wait3A_159 : memref<10016x16xf32, #tpu.memory_space<vmem_shared>>)
    %dma_wait3A_160 = arith.constant 76 : i32
    %dma_wait3A_161 = arith.constant 0 : i32
    %dma_wait3A_162 = tpu.memref_slice %arg4[%dma_wait3A_160, %dma_wait3A_161] : memref<80x125xi32, #tpu.memory_space<vmem>> -> memref<1x125xi32, #tpu.memory_space<vmem>>
    %dma_wait3A_163 = tpu.memref_squeeze %dma_wait3A_162 : memref<1x125xi32, #tpu.memory_space<vmem>> -> memref<125xi32, #tpu.memory_space<vmem>>
    %dma_wait3A_164 = arith.constant 0 : i32
    %dma_wait3A_165 = arith.constant 0 : i32
    %dma_wait3A_166 = tpu.memref_slice %arg7[%dma_wait3A_164, %dma_wait3A_165] : memref<10016x16xf32, #tpu.memory_space<vmem_shared>> -> memref<10016x16xf32, #tpu.memory_space<vmem_shared>>
    tpu.wait_indirect_dma semaphore(%arg12 : memref<!tpu.dma_semaphore, #tpu.memory_space<semaphore_mem>>) src(%arg5 : memref<125x16xf32, #tpu.memory_space<vmem>>) dst(%dma_wait3A_166 : memref<10016x16xf32, #tpu.memory_space<vmem_shared>>)
    %dma_wait3A_167 = arith.constant 77 : i32
    %dma_wait3A_168 = arith.constant 0 : i32
    %dma_wait3A_169 = tpu.memref_slice %arg4[%dma_wait3A_167, %dma_wait3A_168] : memref<80x125xi32, #tpu.memory_space<vmem>> -> memref<1x125xi32, #tpu.memory_space<vmem>>
    %dma_wait3A_170 = tpu.memref_squeeze %dma_wait3A_169 : memref<1x125xi32, #tpu.memory_space<vmem>> -> memref<125xi32, #tpu.memory_space<vmem>>
    %dma_wait3A_171 = arith.constant 0 : i32
    %dma_wait3A_172 = arith.constant 0 : i32
    %dma_wait3A_173 = tpu.memref_slice %arg7[%dma_wait3A_171, %dma_wait3A_172] : memref<10016x16xf32, #tpu.memory_space<vmem_shared>> -> memref<10016x16xf32, #tpu.memory_space<vmem_shared>>
    tpu.wait_indirect_dma semaphore(%arg13 : memref<!tpu.dma_semaphore, #tpu.memory_space<semaphore_mem>>) src(%arg5 : memref<125x16xf32, #tpu.memory_space<vmem>>) dst(%dma_wait3A_173 : memref<10016x16xf32, #tpu.memory_space<vmem_shared>>)
    %dma_wait3A_174 = arith.constant 78 : i32
    %dma_wait3A_175 = arith.constant 0 : i32
    %dma_wait3A_176 = tpu.memref_slice %arg4[%dma_wait3A_174, %dma_wait3A_175] : memref<80x125xi32, #tpu.memory_space<vmem>> -> memref<1x125xi32, #tpu.memory_space<vmem>>
    %dma_wait3A_177 = tpu.memref_squeeze %dma_wait3A_176 : memref<1x125xi32, #tpu.memory_space<vmem>> -> memref<125xi32, #tpu.memory_space<vmem>>
    %dma_wait3A_178 = arith.constant 0 : i32
    %dma_wait3A_179 = arith.constant 0 : i32
    %dma_wait3A_180 = tpu.memref_slice %arg7[%dma_wait3A_178, %dma_wait3A_179] : memref<10016x16xf32, #tpu.memory_space<vmem_shared>> -> memref<10016x16xf32, #tpu.memory_space<vmem_shared>>
    tpu.wait_indirect_dma semaphore(%arg14 : memref<!tpu.dma_semaphore, #tpu.memory_space<semaphore_mem>>) src(%arg5 : memref<125x16xf32, #tpu.memory_space<vmem>>) dst(%dma_wait3A_180 : memref<10016x16xf32, #tpu.memory_space<vmem_shared>>)
    %dma_wait3A_181 = arith.constant 79 : i32
    %dma_wait3A_182 = arith.constant 0 : i32
    %dma_wait3A_183 = tpu.memref_slice %arg4[%dma_wait3A_181, %dma_wait3A_182] : memref<80x125xi32, #tpu.memory_space<vmem>> -> memref<1x125xi32, #tpu.memory_space<vmem>>
    %dma_wait3A_184 = tpu.memref_squeeze %dma_wait3A_183 : memref<1x125xi32, #tpu.memory_space<vmem>> -> memref<125xi32, #tpu.memory_space<vmem>>
    %dma_wait3A_185 = arith.constant 0 : i32
    %dma_wait3A_186 = arith.constant 0 : i32
    %dma_wait3A_187 = tpu.memref_slice %arg7[%dma_wait3A_185, %dma_wait3A_186] : memref<10016x16xf32, #tpu.memory_space<vmem_shared>> -> memref<10016x16xf32, #tpu.memory_space<vmem_shared>>
    tpu.wait_indirect_dma semaphore(%arg15 : memref<!tpu.dma_semaphore, #tpu.memory_space<semaphore_mem>>) src(%arg5 : memref<125x16xf32, #tpu.memory_space<vmem>>) dst(%dma_wait3A_187 : memref<10016x16xf32, #tpu.memory_space<vmem_shared>>)
    %barrier3A_188 = arith.constant 0 : index
    tpu.barrier barrier_id(%barrier3A_188)
    "tpu.region"() ({
      %run_scoped3A = tpu.sem_alloc : memref<!tpu.dma_semaphore, #tpu.memory_space<semaphore_mem>>
      %dma_start3A_189 = arith.constant 0 : i32
      %dma_start3A_190 = tpu.memref_slice %arg3[%arg0, %multiple_of3A, %dma_start3A_189] : memref<2x10000x16xf32, #tpu.memory_space<hbm>> -> memref<1x632x16xf32, #tpu.memory_space<hbm>>
      %dma_start3A_191 = tpu.memref_squeeze %dma_start3A_190 : memref<1x632x16xf32, #tpu.memory_space<hbm>> -> memref<632x16xf32, #tpu.memory_space<hbm>>
      %dma_start3A_192 = arith.constant 0 : i32
      %dma_start3A_193 = tpu.memref_slice %arg7[%multiple_of3A, %dma_start3A_192] : memref<10016x16xf32, #tpu.memory_space<vmem_shared>> -> memref<632x16xf32, #tpu.memory_space<vmem_shared>>
      tpu.enqueue_dma source(%dma_start3A_193 : memref<632x16xf32, #tpu.memory_space<vmem_shared>>) target(%dma_start3A_191 : memref<632x16xf32, #tpu.memory_space<hbm>>) target_semaphore(%run_scoped3A : memref<!tpu.dma_semaphore, #tpu.memory_space<semaphore_mem>>)
      %dma_wait3A_194 = arith.constant 0 : i32
      %dma_wait3A_195 = tpu.memref_slice %arg3[%arg0, %multiple_of3A, %dma_wait3A_194] : memref<2x10000x16xf32, #tpu.memory_space<hbm>> -> memref<1x632x16xf32, #tpu.memory_space<hbm>>
      %dma_wait3A_196 = tpu.memref_squeeze %dma_wait3A_195 : memref<1x632x16xf32, #tpu.memory_space<hbm>> -> memref<632x16xf32, #tpu.memory_space<hbm>>
      %dma_wait3A_197 = arith.constant 0 : i32
      %dma_wait3A_198 = tpu.memref_slice %arg7[%multiple_of3A, %dma_wait3A_197] : memref<10016x16xf32, #tpu.memory_space<vmem_shared>> -> memref<632x16xf32, #tpu.memory_space<vmem_shared>>
      tpu.wait_dma2 semaphore(%run_scoped3A : memref<!tpu.dma_semaphore, #tpu.memory_space<semaphore_mem>>) src(%dma_wait3A_198 : memref<632x16xf32, #tpu.memory_space<vmem_shared>>) dst(%dma_wait3A_196 : memref<632x16xf32, #tpu.memory_space<hbm>>)
      tpu.yield
    }) : () -> ()
    return
  }
}

#map = affine_map<(d0, d1) -> (0, 0)>
#map1 = affine_map<(d0, d1) -> (0, 0, 0)>
module attributes {stable_mosaic.version = 14 : i64} {
  func.func @_sc_gather_scatter(%arg0: i32, %arg1: i32, %arg2: memref<10000x16xf32, #tpu.memory_space<hbm>>, %arg3: memref<32x80x125xi32, #tpu.memory_space<hbm>>, %arg4: memref<32x80x125xi32, #tpu.memory_space<hbm>>, %arg5: memref<2x10000x16xf32, #tpu.memory_space<hbm>>, %arg6: memref<80x125xi32, #tpu.memory_space<vmem>>, %arg7: memref<80x125xi32, #tpu.memory_space<vmem>>, %arg8: memref<125x16xf32, #tpu.memory_space<vmem>>, %arg9: memref<125x16xf32, #tpu.memory_space<vmem>>, %arg10: memref<125x16xf32, #tpu.memory_space<vmem>>, %arg11: memref<125x16xf32, #tpu.memory_space<vmem>>, %arg12: memref<125x16xf32, #tpu.memory_space<vmem>>, %arg13: memref<125x16xf32, #tpu.memory_space<vmem>>, %arg14: memref<125x16xf32, #tpu.memory_space<vmem>>, %arg15: memref<125x16xf32, #tpu.memory_space<vmem>>, %arg16: memref<80x16xf32, #tpu.memory_space<vmem>>, %arg17: memref<10016x16xf32, #tpu.memory_space<vmem_shared>>, %arg18: memref<10000x16xf32, #tpu.memory_space<vmem_shared>>, %arg19: memref<!tpu.dma_semaphore, #tpu.memory_space<semaphore_mem>>, %arg20: memref<!tpu.dma_semaphore, #tpu.memory_space<semaphore_mem>>, %arg21: memref<!tpu.dma_semaphore, #tpu.memory_space<semaphore_mem>>, %arg22: memref<!tpu.dma_semaphore, #tpu.memory_space<semaphore_mem>>, %arg23: memref<!tpu.dma_semaphore, #tpu.memory_space<semaphore_mem>>, %arg24: memref<!tpu.dma_semaphore, #tpu.memory_space<semaphore_mem>>, %arg25: memref<!tpu.dma_semaphore, #tpu.memory_space<semaphore_mem>>, %arg26: memref<!tpu.dma_semaphore, #tpu.memory_space<semaphore_mem>>, %arg27: memref<!tpu.dma_semaphore, #tpu.memory_space<semaphore_mem>>, %arg28: memref<!tpu.dma_semaphore, #tpu.memory_space<semaphore_mem>>, %arg29: memref<!tpu.dma_semaphore, #tpu.memory_space<semaphore_mem>>, %arg30: memref<!tpu.dma_semaphore, #tpu.memory_space<semaphore_mem>>, %arg31: memref<!tpu.dma_semaphore, #tpu.memory_space<semaphore_mem>>, %arg32: memref<!tpu.dma_semaphore, #tpu.memory_space<semaphore_mem>>, %arg33: memref<!tpu.dma_semaphore, #tpu.memory_space<semaphore_mem>>, %arg34: memref<!tpu.dma_semaphore, #tpu.memory_space<semaphore_mem>>, %arg35: memref<!tpu.dma_semaphore, #tpu.memory_space<semaphore_mem>>, %arg36: memref<!tpu.dma_semaphore, #tpu.memory_space<semaphore_mem>>) attributes {dimension_semantics = [#tpu.dimension_semantics<core_parallel>, #tpu.dimension_semantics<subcore_parallel>], iteration_bounds = array<i64: 2, 16>, scalar_prefetch = 0 : i64, scratch_operands = 31 : i64, tpu.core_type = #tpu.core_type<sc_vector_subcore>, window_params = [{transform_indices = #map}, {transform_indices = #map1}, {transform_indices = #map1}, {transform_indices = #map1}]} {
    %mul3A = arith.constant 2 : i32
    %mul3A_0 = arith.muli %arg1, %mul3A : i32
    %add3A = arith.addi %mul3A_0, %arg0 : i32
    "tpu.region"() ({
      %run_scoped3A = tpu.sem_alloc : memref<!tpu.dma_semaphore, #tpu.memory_space<semaphore_mem>>
      %dma_start3A_191 = arith.constant 0 : i32
      %dma_start3A_192 = arith.constant 0 : i32
      %dma_start3A_193 = tpu.memref_slice %arg3[%add3A, %dma_start3A_191, %dma_start3A_192] : memref<32x80x125xi32, #tpu.memory_space<hbm>> -> memref<1x80x125xi32, #tpu.memory_space<hbm>>
      %dma_start3A_194 = tpu.memref_squeeze %dma_start3A_193 : memref<1x80x125xi32, #tpu.memory_space<hbm>> -> memref<80x125xi32, #tpu.memory_space<hbm>>
      %dma_start3A_195 = arith.constant 0 : i32
      %dma_start3A_196 = arith.constant 0 : i32
      %dma_start3A_197 = tpu.memref_slice %arg3[%add3A, %dma_start3A_195, %dma_start3A_196] : memref<32x80x125xi32, #tpu.memory_space<hbm>> -> memref<1x80x125xi32, #tpu.memory_space<hbm>>
      %dma_start3A_198 = tpu.memref_squeeze %dma_start3A_197 : memref<1x80x125xi32, #tpu.memory_space<hbm>> -> memref<80x125xi32, #tpu.memory_space<hbm>>
      tpu.enqueue_dma source(%dma_start3A_198 : memref<80x125xi32, #tpu.memory_space<hbm>>) target(%arg6 : memref<80x125xi32, #tpu.memory_space<vmem>>) target_semaphore(%run_scoped3A : memref<!tpu.dma_semaphore, #tpu.memory_space<semaphore_mem>>)
      %dma_wait3A_199 = arith.constant 0 : i32
      %dma_wait3A_200 = arith.constant 0 : i32
      %dma_wait3A_201 = tpu.memref_slice %arg3[%add3A, %dma_wait3A_199, %dma_wait3A_200] : memref<32x80x125xi32, #tpu.memory_space<hbm>> -> memref<1x80x125xi32, #tpu.memory_space<hbm>>
      %dma_wait3A_202 = tpu.memref_squeeze %dma_wait3A_201 : memref<1x80x125xi32, #tpu.memory_space<hbm>> -> memref<80x125xi32, #tpu.memory_space<hbm>>
      %dma_wait3A_203 = arith.constant 0 : i32
      %dma_wait3A_204 = arith.constant 0 : i32
      %dma_wait3A_205 = tpu.memref_slice %arg3[%add3A, %dma_wait3A_203, %dma_wait3A_204] : memref<32x80x125xi32, #tpu.memory_space<hbm>> -> memref<1x80x125xi32, #tpu.memory_space<hbm>>
      %dma_wait3A_206 = tpu.memref_squeeze %dma_wait3A_205 : memref<1x80x125xi32, #tpu.memory_space<hbm>> -> memref<80x125xi32, #tpu.memory_space<hbm>>
      tpu.wait_dma2 semaphore(%run_scoped3A : memref<!tpu.dma_semaphore, #tpu.memory_space<semaphore_mem>>) src(%dma_wait3A_206 : memref<80x125xi32, #tpu.memory_space<hbm>>) dst(%arg6 : memref<80x125xi32, #tpu.memory_space<vmem>>)
      tpu.yield
    }) : () -> ()
    "tpu.region"() ({
      %run_scoped3A = tpu.sem_alloc : memref<!tpu.dma_semaphore, #tpu.memory_space<semaphore_mem>>
      %dma_start3A_191 = arith.constant 0 : i32
      %dma_start3A_192 = arith.constant 0 : i32
      %dma_start3A_193 = tpu.memref_slice %arg4[%add3A, %dma_start3A_191, %dma_start3A_192] : memref<32x80x125xi32, #tpu.memory_space<hbm>> -> memref<1x80x125xi32, #tpu.memory_space<hbm>>
      %dma_start3A_194 = tpu.memref_squeeze %dma_start3A_193 : memref<1x80x125xi32, #tpu.memory_space<hbm>> -> memref<80x125xi32, #tpu.memory_space<hbm>>
      %dma_start3A_195 = arith.constant 0 : i32
      %dma_start3A_196 = arith.constant 0 : i32
      %dma_start3A_197 = tpu.memref_slice %arg4[%add3A, %dma_start3A_195, %dma_start3A_196] : memref<32x80x125xi32, #tpu.memory_space<hbm>> -> memref<1x80x125xi32, #tpu.memory_space<hbm>>
      %dma_start3A_198 = tpu.memref_squeeze %dma_start3A_197 : memref<1x80x125xi32, #tpu.memory_space<hbm>> -> memref<80x125xi32, #tpu.memory_space<hbm>>
      tpu.enqueue_dma source(%dma_start3A_198 : memref<80x125xi32, #tpu.memory_space<hbm>>) target(%arg7 : memref<80x125xi32, #tpu.memory_space<vmem>>) target_semaphore(%run_scoped3A : memref<!tpu.dma_semaphore, #tpu.memory_space<semaphore_mem>>)
      %dma_wait3A_199 = arith.constant 0 : i32
      %dma_wait3A_200 = arith.constant 0 : i32
      %dma_wait3A_201 = tpu.memref_slice %arg4[%add3A, %dma_wait3A_199, %dma_wait3A_200] : memref<32x80x125xi32, #tpu.memory_space<hbm>> -> memref<1x80x125xi32, #tpu.memory_space<hbm>>
      %dma_wait3A_202 = tpu.memref_squeeze %dma_wait3A_201 : memref<1x80x125xi32, #tpu.memory_space<hbm>> -> memref<80x125xi32, #tpu.memory_space<hbm>>
      %dma_wait3A_203 = arith.constant 0 : i32
      %dma_wait3A_204 = arith.constant 0 : i32
      %dma_wait3A_205 = tpu.memref_slice %arg4[%add3A, %dma_wait3A_203, %dma_wait3A_204] : memref<32x80x125xi32, #tpu.memory_space<hbm>> -> memref<1x80x125xi32, #tpu.memory_space<hbm>>
      %dma_wait3A_206 = tpu.memref_squeeze %dma_wait3A_205 : memref<1x80x125xi32, #tpu.memory_space<hbm>> -> memref<80x125xi32, #tpu.memory_space<hbm>>
      tpu.wait_dma2 semaphore(%run_scoped3A : memref<!tpu.dma_semaphore, #tpu.memory_space<semaphore_mem>>) src(%dma_wait3A_206 : memref<80x125xi32, #tpu.memory_space<hbm>>) dst(%arg7 : memref<80x125xi32, #tpu.memory_space<vmem>>)
      tpu.yield
    }) : () -> ()
    %mul3A_1 = arith.constant 625 : i32
    %mul3A_2 = arith.muli %arg1, %mul3A_1 : i32
    %jit3A = arith.constant 8 : i32
    %div3A = arith.divsi %mul3A_2, %jit3A : i32
    %sign3A = arith.constant 0 : i32
    %sign3A_3 = arith.cmpi sgt, %mul3A_2, %sign3A : i32
    %sign3A_4 = arith.extui %sign3A_3 : i1 to i32
    %sign3A_5 = arith.constant 0 : i32
    %sign3A_6 = arith.cmpi slt, %mul3A_2, %sign3A_5 : i32
    %sign3A_7 = arith.extui %sign3A_6 : i1 to i32
    %sign3A_8 = arith.subi %sign3A_4, %sign3A_7 : i32
    %sign3A_9 = arith.constant 0 : i32
    %sign3A_10 = arith.cmpi sgt, %jit3A, %sign3A_9 : i32
    %sign3A_11 = arith.extui %sign3A_10 : i1 to i32
    %sign3A_12 = arith.constant 0 : i32
    %sign3A_13 = arith.cmpi slt, %jit3A, %sign3A_12 : i32
    %sign3A_14 = arith.extui %sign3A_13 : i1 to i32
    %sign3A_15 = arith.subi %sign3A_11, %sign3A_14 : i32
    %ne3A = arith.cmpi ne, %sign3A_8, %sign3A_15 : i32
    %rem3A = arith.remsi %mul3A_2, %jit3A : i32
    %ne3A_16 = arith.constant 0 : i32
    %ne3A_17 = arith.cmpi ne, %rem3A, %ne3A_16 : i32
    %and3A = arith.andi %ne3A, %ne3A_17 : i1
    %sub3A = arith.constant 1 : i32
    %sub3A_18 = arith.subi %div3A, %sub3A : i32
    %select_n3A = arith.select %and3A, %sub3A_18, %div3A : i32
    %mul3A_19 = arith.constant 8 : i32
    %mul3A_20 = arith.muli %select_n3A, %mul3A_19 : i32
    %multiple_of3A = tpu.assume_multiple %mul3A_20, 8 : i32
    %dma_start3A = arith.constant 0 : i32
    %dma_start3A_21 = tpu.memref_slice %arg18[%multiple_of3A, %dma_start3A] : memref<10000x16xf32, #tpu.memory_space<vmem_shared>> -> memref<632x16xf32, #tpu.memory_space<vmem_shared>>
    %dma_start3A_22 = arith.constant 0 : i32
    %dma_start3A_23 = tpu.memref_slice %arg2[%multiple_of3A, %dma_start3A_22] : memref<10000x16xf32, #tpu.memory_space<hbm>> -> memref<632x16xf32, #tpu.memory_space<hbm>>
    tpu.enqueue_dma source(%dma_start3A_23 : memref<632x16xf32, #tpu.memory_space<hbm>>) target(%dma_start3A_21 : memref<632x16xf32, #tpu.memory_space<vmem_shared>>) target_semaphore(%arg36 : memref<!tpu.dma_semaphore, #tpu.memory_space<semaphore_mem>>)
    %scan3A = arith.constant 0 : i32
    %scan3A_24 = arith.constant 0 : i32
    %scan3A_25 = arith.constant 80 : i32
    %scan3A_26 = arith.addi %scan3A_24, %scan3A_25 : i32
    %scan3A_27 = arith.constant 1 : i32
    scf.for %scan3A_191 = %scan3A_24 to %scan3A_26 step %scan3A_27  : i32 {
      %broadcast_in_dim3A = arith.constant 0.000000e+00 : f32
      %broadcast_in_dim3A_192 = vector.broadcast %broadcast_in_dim3A : f32 to vector<16xf32>
      %swap3A = arith.index_cast %scan3A_191 : i32 to index
      %swap3A_193 = arith.constant 0 : index
      %swap3A_194 = tpu.vector_load %arg16[%swap3A, %swap3A_193] {strides = array<i32>} : memref<80x16xf32, #tpu.memory_space<vmem>>, vector<1x16xf32>,
      %swap3A_195 = vector.shape_cast %swap3A_194 : vector<1x16xf32> to vector<16xf32>
      %swap3A_196 = vector.shape_cast %broadcast_in_dim3A_192 : vector<16xf32> to vector<1x16xf32>
      tpu.vector_store %arg16[%swap3A, %swap3A_193], %swap3A_196 {strides = array<i32>} : memref<80x16xf32, #tpu.memory_space<vmem>>, vector<1x16xf32>,
    }
    %scan3A_28 = arith.constant 80 : i32
    %add3A_29 = arith.constant 0 : i32
    %add3A_30 = arith.addi %multiple_of3A, %add3A_29 : i32
    %dma_start3A_31 = arith.constant 0 : i32
    %dma_start3A_32 = tpu.memref_slice %arg17[%add3A_30, %dma_start3A_31] : memref<10016x16xf32, #tpu.memory_space<vmem_shared>> -> memref<80x16xf32, #tpu.memory_space<vmem_shared>>
    %dma_start3A_33 = arith.constant 0 : i32
    %dma_start3A_34 = tpu.memref_slice %arg17[%add3A_30, %dma_start3A_33] : memref<10016x16xf32, #tpu.memory_space<vmem_shared>> -> memref<80x16xf32, #tpu.memory_space<vmem_shared>>
    tpu.enqueue_dma source(%arg16 : memref<80x16xf32, #tpu.memory_space<vmem>>) target(%dma_start3A_34 : memref<80x16xf32, #tpu.memory_space<vmem_shared>>) target_semaphore(%arg35 : memref<!tpu.dma_semaphore, #tpu.memory_space<semaphore_mem>>)
    %add3A_35 = arith.constant 80 : i32
    %add3A_36 = arith.addi %multiple_of3A, %add3A_35 : i32
    %dma_start3A_37 = arith.constant 0 : i32
    %dma_start3A_38 = tpu.memref_slice %arg17[%add3A_36, %dma_start3A_37] : memref<10016x16xf32, #tpu.memory_space<vmem_shared>> -> memref<80x16xf32, #tpu.memory_space<vmem_shared>>
    %dma_start3A_39 = arith.constant 0 : i32
    %dma_start3A_40 = tpu.memref_slice %arg17[%add3A_36, %dma_start3A_39] : memref<10016x16xf32, #tpu.memory_space<vmem_shared>> -> memref<80x16xf32, #tpu.memory_space<vmem_shared>>
    tpu.enqueue_dma source(%arg16 : memref<80x16xf32, #tpu.memory_space<vmem>>) target(%dma_start3A_40 : memref<80x16xf32, #tpu.memory_space<vmem_shared>>) target_semaphore(%arg35 : memref<!tpu.dma_semaphore, #tpu.memory_space<semaphore_mem>>)
    %add3A_41 = arith.constant 160 : i32
    %add3A_42 = arith.addi %multiple_of3A, %add3A_41 : i32
    %dma_start3A_43 = arith.constant 0 : i32
    %dma_start3A_44 = tpu.memref_slice %arg17[%add3A_42, %dma_start3A_43] : memref<10016x16xf32, #tpu.memory_space<vmem_shared>> -> memref<80x16xf32, #tpu.memory_space<vmem_shared>>
    %dma_start3A_45 = arith.constant 0 : i32
    %dma_start3A_46 = tpu.memref_slice %arg17[%add3A_42, %dma_start3A_45] : memref<10016x16xf32, #tpu.memory_space<vmem_shared>> -> memref<80x16xf32, #tpu.memory_space<vmem_shared>>
    tpu.enqueue_dma source(%arg16 : memref<80x16xf32, #tpu.memory_space<vmem>>) target(%dma_start3A_46 : memref<80x16xf32, #tpu.memory_space<vmem_shared>>) target_semaphore(%arg35 : memref<!tpu.dma_semaphore, #tpu.memory_space<semaphore_mem>>)
    %add3A_47 = arith.constant 240 : i32
    %add3A_48 = arith.addi %multiple_of3A, %add3A_47 : i32
    %dma_start3A_49 = arith.constant 0 : i32
    %dma_start3A_50 = tpu.memref_slice %arg17[%add3A_48, %dma_start3A_49] : memref<10016x16xf32, #tpu.memory_space<vmem_shared>> -> memref<80x16xf32, #tpu.memory_space<vmem_shared>>
    %dma_start3A_51 = arith.constant 0 : i32
    %dma_start3A_52 = tpu.memref_slice %arg17[%add3A_48, %dma_start3A_51] : memref<10016x16xf32, #tpu.memory_space<vmem_shared>> -> memref<80x16xf32, #tpu.memory_space<vmem_shared>>
    tpu.enqueue_dma source(%arg16 : memref<80x16xf32, #tpu.memory_space<vmem>>) target(%dma_start3A_52 : memref<80x16xf32, #tpu.memory_space<vmem_shared>>) target_semaphore(%arg35 : memref<!tpu.dma_semaphore, #tpu.memory_space<semaphore_mem>>)
    %add3A_53 = arith.constant 320 : i32
    %add3A_54 = arith.addi %multiple_of3A, %add3A_53 : i32
    %dma_start3A_55 = arith.constant 0 : i32
    %dma_start3A_56 = tpu.memref_slice %arg17[%add3A_54, %dma_start3A_55] : memref<10016x16xf32, #tpu.memory_space<vmem_shared>> -> memref<80x16xf32, #tpu.memory_space<vmem_shared>>
    %dma_start3A_57 = arith.constant 0 : i32
    %dma_start3A_58 = tpu.memref_slice %arg17[%add3A_54, %dma_start3A_57] : memref<10016x16xf32, #tpu.memory_space<vmem_shared>> -> memref<80x16xf32, #tpu.memory_space<vmem_shared>>
    tpu.enqueue_dma source(%arg16 : memref<80x16xf32, #tpu.memory_space<vmem>>) target(%dma_start3A_58 : memref<80x16xf32, #tpu.memory_space<vmem_shared>>) target_semaphore(%arg35 : memref<!tpu.dma_semaphore, #tpu.memory_space<semaphore_mem>>)
    %add3A_59 = arith.constant 400 : i32
    %add3A_60 = arith.addi %multiple_of3A, %add3A_59 : i32
    %dma_start3A_61 = arith.constant 0 : i32
    %dma_start3A_62 = tpu.memref_slice %arg17[%add3A_60, %dma_start3A_61] : memref<10016x16xf32, #tpu.memory_space<vmem_shared>> -> memref<80x16xf32, #tpu.memory_space<vmem_shared>>
    %dma_start3A_63 = arith.constant 0 : i32
    %dma_start3A_64 = tpu.memref_slice %arg17[%add3A_60, %dma_start3A_63] : memref<10016x16xf32, #tpu.memory_space<vmem_shared>> -> memref<80x16xf32, #tpu.memory_space<vmem_shared>>
    tpu.enqueue_dma source(%arg16 : memref<80x16xf32, #tpu.memory_space<vmem>>) target(%dma_start3A_64 : memref<80x16xf32, #tpu.memory_space<vmem_shared>>) target_semaphore(%arg35 : memref<!tpu.dma_semaphore, #tpu.memory_space<semaphore_mem>>)
    %add3A_65 = arith.constant 480 : i32
    %add3A_66 = arith.addi %multiple_of3A, %add3A_65 : i32
    %dma_start3A_67 = arith.constant 0 : i32
    %dma_start3A_68 = tpu.memref_slice %arg17[%add3A_66, %dma_start3A_67] : memref<10016x16xf32, #tpu.memory_space<vmem_shared>> -> memref<80x16xf32, #tpu.memory_space<vmem_shared>>
    %dma_start3A_69 = arith.constant 0 : i32
    %dma_start3A_70 = tpu.memref_slice %arg17[%add3A_66, %dma_start3A_69] : memref<10016x16xf32, #tpu.memory_space<vmem_shared>> -> memref<80x16xf32, #tpu.memory_space<vmem_shared>>
    tpu.enqueue_dma source(%arg16 : memref<80x16xf32, #tpu.memory_space<vmem>>) target(%dma_start3A_70 : memref<80x16xf32, #tpu.memory_space<vmem_shared>>) target_semaphore(%arg35 : memref<!tpu.dma_semaphore, #tpu.memory_space<semaphore_mem>>)
    %add3A_71 = arith.constant 560 : i32
    %add3A_72 = arith.addi %multiple_of3A, %add3A_71 : i32
    %dma_start3A_73 = arith.constant 0 : i32
    %dma_start3A_74 = tpu.memref_slice %arg17[%add3A_72, %dma_start3A_73] : memref<10016x16xf32, #tpu.memory_space<vmem_shared>> -> memref<80x16xf32, #tpu.memory_space<vmem_shared>>
    %dma_start3A_75 = arith.constant 0 : i32
    %dma_start3A_76 = tpu.memref_slice %arg17[%add3A_72, %dma_start3A_75] : memref<10016x16xf32, #tpu.memory_space<vmem_shared>> -> memref<80x16xf32, #tpu.memory_space<vmem_shared>>
    tpu.enqueue_dma source(%arg16 : memref<80x16xf32, #tpu.memory_space<vmem>>) target(%dma_start3A_76 : memref<80x16xf32, #tpu.memory_space<vmem_shared>>) target_semaphore(%arg35 : memref<!tpu.dma_semaphore, #tpu.memory_space<semaphore_mem>>)
    %add3A_77 = arith.constant 0 : i32
    %add3A_78 = arith.addi %multiple_of3A, %add3A_77 : i32
    %dma_wait3A = arith.constant 0 : i32
    %dma_wait3A_79 = tpu.memref_slice %arg17[%add3A_78, %dma_wait3A] : memref<10016x16xf32, #tpu.memory_space<vmem_shared>> -> memref<80x16xf32, #tpu.memory_space<vmem_shared>>
    %dma_wait3A_80 = arith.constant 0 : i32
    %dma_wait3A_81 = tpu.memref_slice %arg17[%add3A_78, %dma_wait3A_80] : memref<10016x16xf32, #tpu.memory_space<vmem_shared>> -> memref<80x16xf32, #tpu.memory_space<vmem_shared>>
    tpu.wait_dma2 semaphore(%arg35 : memref<!tpu.dma_semaphore, #tpu.memory_space<semaphore_mem>>) src(%arg16 : memref<80x16xf32, #tpu.memory_space<vmem>>) dst(%dma_wait3A_81 : memref<80x16xf32, #tpu.memory_space<vmem_shared>>)
    %add3A_82 = arith.constant 80 : i32
    %add3A_83 = arith.addi %multiple_of3A, %add3A_82 : i32
    %dma_wait3A_84 = arith.constant 0 : i32
    %dma_wait3A_85 = tpu.memref_slice %arg17[%add3A_83, %dma_wait3A_84] : memref<10016x16xf32, #tpu.memory_space<vmem_shared>> -> memref<80x16xf32, #tpu.memory_space<vmem_shared>>
    %dma_wait3A_86 = arith.constant 0 : i32
    %dma_wait3A_87 = tpu.memref_slice %arg17[%add3A_83, %dma_wait3A_86] : memref<10016x16xf32, #tpu.memory_space<vmem_shared>> -> memref<80x16xf32, #tpu.memory_space<vmem_shared>>
    tpu.wait_dma2 semaphore(%arg35 : memref<!tpu.dma_semaphore, #tpu.memory_space<semaphore_mem>>) src(%arg16 : memref<80x16xf32, #tpu.memory_space<vmem>>) dst(%dma_wait3A_87 : memref<80x16xf32, #tpu.memory_space<vmem_shared>>)
    %add3A_88 = arith.constant 160 : i32
    %add3A_89 = arith.addi %multiple_of3A, %add3A_88 : i32
    %dma_wait3A_90 = arith.constant 0 : i32
    %dma_wait3A_91 = tpu.memref_slice %arg17[%add3A_89, %dma_wait3A_90] : memref<10016x16xf32, #tpu.memory_space<vmem_shared>> -> memref<80x16xf32, #tpu.memory_space<vmem_shared>>
    %dma_wait3A_92 = arith.constant 0 : i32
    %dma_wait3A_93 = tpu.memref_slice %arg17[%add3A_89, %dma_wait3A_92] : memref<10016x16xf32, #tpu.memory_space<vmem_shared>> -> memref<80x16xf32, #tpu.memory_space<vmem_shared>>
    tpu.wait_dma2 semaphore(%arg35 : memref<!tpu.dma_semaphore, #tpu.memory_space<semaphore_mem>>) src(%arg16 : memref<80x16xf32, #tpu.memory_space<vmem>>) dst(%dma_wait3A_93 : memref<80x16xf32, #tpu.memory_space<vmem_shared>>)
    %add3A_94 = arith.constant 240 : i32
    %add3A_95 = arith.addi %multiple_of3A, %add3A_94 : i32
    %dma_wait3A_96 = arith.constant 0 : i32
    %dma_wait3A_97 = tpu.memref_slice %arg17[%add3A_95, %dma_wait3A_96] : memref<10016x16xf32, #tpu.memory_space<vmem_shared>> -> memref<80x16xf32, #tpu.memory_space<vmem_shared>>
    %dma_wait3A_98 = arith.constant 0 : i32
    %dma_wait3A_99 = tpu.memref_slice %arg17[%add3A_95, %dma_wait3A_98] : memref<10016x16xf32, #tpu.memory_space<vmem_shared>> -> memref<80x16xf32, #tpu.memory_space<vmem_shared>>
    tpu.wait_dma2 semaphore(%arg35 : memref<!tpu.dma_semaphore, #tpu.memory_space<semaphore_mem>>) src(%arg16 : memref<80x16xf32, #tpu.memory_space<vmem>>) dst(%dma_wait3A_99 : memref<80x16xf32, #tpu.memory_space<vmem_shared>>)
    %add3A_100 = arith.constant 320 : i32
    %add3A_101 = arith.addi %multiple_of3A, %add3A_100 : i32
    %dma_wait3A_102 = arith.constant 0 : i32
    %dma_wait3A_103 = tpu.memref_slice %arg17[%add3A_101, %dma_wait3A_102] : memref<10016x16xf32, #tpu.memory_space<vmem_shared>> -> memref<80x16xf32, #tpu.memory_space<vmem_shared>>
    %dma_wait3A_104 = arith.constant 0 : i32
    %dma_wait3A_105 = tpu.memref_slice %arg17[%add3A_101, %dma_wait3A_104] : memref<10016x16xf32, #tpu.memory_space<vmem_shared>> -> memref<80x16xf32, #tpu.memory_space<vmem_shared>>
    tpu.wait_dma2 semaphore(%arg35 : memref<!tpu.dma_semaphore, #tpu.memory_space<semaphore_mem>>) src(%arg16 : memref<80x16xf32, #tpu.memory_space<vmem>>) dst(%dma_wait3A_105 : memref<80x16xf32, #tpu.memory_space<vmem_shared>>)
    %add3A_106 = arith.constant 400 : i32
    %add3A_107 = arith.addi %multiple_of3A, %add3A_106 : i32
    %dma_wait3A_108 = arith.constant 0 : i32
    %dma_wait3A_109 = tpu.memref_slice %arg17[%add3A_107, %dma_wait3A_108] : memref<10016x16xf32, #tpu.memory_space<vmem_shared>> -> memref<80x16xf32, #tpu.memory_space<vmem_shared>>
    %dma_wait3A_110 = arith.constant 0 : i32
    %dma_wait3A_111 = tpu.memref_slice %arg17[%add3A_107, %dma_wait3A_110] : memref<10016x16xf32, #tpu.memory_space<vmem_shared>> -> memref<80x16xf32, #tpu.memory_space<vmem_shared>>
    tpu.wait_dma2 semaphore(%arg35 : memref<!tpu.dma_semaphore, #tpu.memory_space<semaphore_mem>>) src(%arg16 : memref<80x16xf32, #tpu.memory_space<vmem>>) dst(%dma_wait3A_111 : memref<80x16xf32, #tpu.memory_space<vmem_shared>>)
    %add3A_112 = arith.constant 480 : i32
    %add3A_113 = arith.addi %multiple_of3A, %add3A_112 : i32
    %dma_wait3A_114 = arith.constant 0 : i32
    %dma_wait3A_115 = tpu.memref_slice %arg17[%add3A_113, %dma_wait3A_114] : memref<10016x16xf32, #tpu.memory_space<vmem_shared>> -> memref<80x16xf32, #tpu.memory_space<vmem_shared>>
    %dma_wait3A_116 = arith.constant 0 : i32
    %dma_wait3A_117 = tpu.memref_slice %arg17[%add3A_113, %dma_wait3A_116] : memref<10016x16xf32, #tpu.memory_space<vmem_shared>> -> memref<80x16xf32, #tpu.memory_space<vmem_shared>>
    tpu.wait_dma2 semaphore(%arg35 : memref<!tpu.dma_semaphore, #tpu.memory_space<semaphore_mem>>) src(%arg16 : memref<80x16xf32, #tpu.memory_space<vmem>>) dst(%dma_wait3A_117 : memref<80x16xf32, #tpu.memory_space<vmem_shared>>)
    %add3A_118 = arith.constant 560 : i32
    %add3A_119 = arith.addi %multiple_of3A, %add3A_118 : i32
    %dma_wait3A_120 = arith.constant 0 : i32
    %dma_wait3A_121 = tpu.memref_slice %arg17[%add3A_119, %dma_wait3A_120] : memref<10016x16xf32, #tpu.memory_space<vmem_shared>> -> memref<80x16xf32, #tpu.memory_space<vmem_shared>>
    %dma_wait3A_122 = arith.constant 0 : i32
    %dma_wait3A_123 = tpu.memref_slice %arg17[%add3A_119, %dma_wait3A_122] : memref<10016x16xf32, #tpu.memory_space<vmem_shared>> -> memref<80x16xf32, #tpu.memory_space<vmem_shared>>
    tpu.wait_dma2 semaphore(%arg35 : memref<!tpu.dma_semaphore, #tpu.memory_space<semaphore_mem>>) src(%arg16 : memref<80x16xf32, #tpu.memory_space<vmem>>) dst(%dma_wait3A_123 : memref<80x16xf32, #tpu.memory_space<vmem_shared>>)
    %dma_wait3A_124 = arith.constant 0 : i32
    %dma_wait3A_125 = tpu.memref_slice %arg18[%multiple_of3A, %dma_wait3A_124] : memref<10000x16xf32, #tpu.memory_space<vmem_shared>> -> memref<632x16xf32, #tpu.memory_space<vmem_shared>>
    %dma_wait3A_126 = arith.constant 0 : i32
    %dma_wait3A_127 = tpu.memref_slice %arg2[%multiple_of3A, %dma_wait3A_126] : memref<10000x16xf32, #tpu.memory_space<hbm>> -> memref<632x16xf32, #tpu.memory_space<hbm>>
    tpu.wait_dma2 semaphore(%arg36 : memref<!tpu.dma_semaphore, #tpu.memory_space<semaphore_mem>>) src(%dma_wait3A_127 : memref<632x16xf32, #tpu.memory_space<hbm>>) dst(%dma_wait3A_125 : memref<632x16xf32, #tpu.memory_space<vmem_shared>>)
    %barrier3A = arith.constant 0 : index
    tpu.barrier barrier_id(%barrier3A)
    %dma_start3A_128 = arith.constant 0 : i32
    %dma_start3A_129 = arith.constant 0 : i32
    %dma_start3A_130 = tpu.memref_slice %arg6[%dma_start3A_128, %dma_start3A_129] : memref<80x125xi32, #tpu.memory_space<vmem>> -> memref<1x125xi32, #tpu.memory_space<vmem>>
    %dma_start3A_131 = tpu.memref_squeeze %dma_start3A_130 : memref<1x125xi32, #tpu.memory_space<vmem>> -> memref<125xi32, #tpu.memory_space<vmem>>
    %dma_start3A_132 = arith.constant 0 : i32
    %dma_start3A_133 = arith.constant 0 : i32
    %dma_start3A_134 = tpu.memref_slice %arg18[%dma_start3A_132, %dma_start3A_133] : memref<10000x16xf32, #tpu.memory_space<vmem_shared>> -> memref<10000x16xf32, #tpu.memory_space<vmem_shared>>
    tpu.enqueue_indirect_dma source(%dma_start3A_134 : memref<10000x16xf32, #tpu.memory_space<vmem_shared>>) target(%arg8 : memref<125x16xf32, #tpu.memory_space<vmem>>) offsets(%dma_start3A_131 : memref<125xi32, #tpu.memory_space<vmem>>) semaphore(%arg19 : memref<!tpu.dma_semaphore, #tpu.memory_space<semaphore_mem>>)
    %dma_start3A_135 = arith.constant 1 : i32
    %dma_start3A_136 = arith.constant 0 : i32
    %dma_start3A_137 = tpu.memref_slice %arg6[%dma_start3A_135, %dma_start3A_136] : memref<80x125xi32, #tpu.memory_space<vmem>> -> memref<1x125xi32, #tpu.memory_space<vmem>>
    %dma_start3A_138 = tpu.memref_squeeze %dma_start3A_137 : memref<1x125xi32, #tpu.memory_space<vmem>> -> memref<125xi32, #tpu.memory_space<vmem>>
    %dma_start3A_139 = arith.constant 0 : i32
    %dma_start3A_140 = arith.constant 0 : i32
    %dma_start3A_141 = tpu.memref_slice %arg18[%dma_start3A_139, %dma_start3A_140] : memref<10000x16xf32, #tpu.memory_space<vmem_shared>> -> memref<10000x16xf32, #tpu.memory_space<vmem_shared>>
    tpu.enqueue_indirect_dma source(%dma_start3A_141 : memref<10000x16xf32, #tpu.memory_space<vmem_shared>>) target(%arg9 : memref<125x16xf32, #tpu.memory_space<vmem>>) offsets(%dma_start3A_138 : memref<125xi32, #tpu.memory_space<vmem>>) semaphore(%arg20 : memref<!tpu.dma_semaphore, #tpu.memory_space<semaphore_mem>>)
    %dma_start3A_142 = arith.constant 2 : i32
    %dma_start3A_143 = arith.constant 0 : i32
    %dma_start3A_144 = tpu.memref_slice %arg6[%dma_start3A_142, %dma_start3A_143] : memref<80x125xi32, #tpu.memory_space<vmem>> -> memref<1x125xi32, #tpu.memory_space<vmem>>
    %dma_start3A_145 = tpu.memref_squeeze %dma_start3A_144 : memref<1x125xi32, #tpu.memory_space<vmem>> -> memref<125xi32, #tpu.memory_space<vmem>>
    %dma_start3A_146 = arith.constant 0 : i32
    %dma_start3A_147 = arith.constant 0 : i32
    %dma_start3A_148 = tpu.memref_slice %arg18[%dma_start3A_146, %dma_start3A_147] : memref<10000x16xf32, #tpu.memory_space<vmem_shared>> -> memref<10000x16xf32, #tpu.memory_space<vmem_shared>>
    tpu.enqueue_indirect_dma source(%dma_start3A_148 : memref<10000x16xf32, #tpu.memory_space<vmem_shared>>) target(%arg10 : memref<125x16xf32, #tpu.memory_space<vmem>>) offsets(%dma_start3A_145 : memref<125xi32, #tpu.memory_space<vmem>>) semaphore(%arg21 : memref<!tpu.dma_semaphore, #tpu.memory_space<semaphore_mem>>)
    %dma_start3A_149 = arith.constant 3 : i32
    %dma_start3A_150 = arith.constant 0 : i32
    %dma_start3A_151 = tpu.memref_slice %arg6[%dma_start3A_149, %dma_start3A_150] : memref<80x125xi32, #tpu.memory_space<vmem>> -> memref<1x125xi32, #tpu.memory_space<vmem>>
    %dma_start3A_152 = tpu.memref_squeeze %dma_start3A_151 : memref<1x125xi32, #tpu.memory_space<vmem>> -> memref<125xi32, #tpu.memory_space<vmem>>
    %dma_start3A_153 = arith.constant 0 : i32
    %dma_start3A_154 = arith.constant 0 : i32
    %dma_start3A_155 = tpu.memref_slice %arg18[%dma_start3A_153, %dma_start3A_154] : memref<10000x16xf32, #tpu.memory_space<vmem_shared>> -> memref<10000x16xf32, #tpu.memory_space<vmem_shared>>
    tpu.enqueue_indirect_dma source(%dma_start3A_155 : memref<10000x16xf32, #tpu.memory_space<vmem_shared>>) target(%arg11 : memref<125x16xf32, #tpu.memory_space<vmem>>) offsets(%dma_start3A_152 : memref<125xi32, #tpu.memory_space<vmem>>) semaphore(%arg22 : memref<!tpu.dma_semaphore, #tpu.memory_space<semaphore_mem>>)
    %scan3A_156 = arith.constant 0 : i32
    %scan3A_157 = arith.constant 0 : i32
    %scan3A_158 = arith.constant 10 : i32
    %scan3A_159 = arith.addi %scan3A_157, %scan3A_158 : i32
    %scan3A_160 = arith.constant 1 : i32
    scf.for %scan3A_191 = %scan3A_157 to %scan3A_159 step %scan3A_160  : i32 {
      %mul3A_192 = arith.constant 8 : i32
      %mul3A_193 = arith.muli %mul3A_192, %scan3A_191 : i32
      %add3A_194 = arith.constant 0 : i32
      %add3A_195 = arith.addi %mul3A_193, %add3A_194 : i32
      %dma_wait3A_196 = arith.constant 0 : i32
      %dma_wait3A_197 = tpu.memref_slice %arg6[%add3A_195, %dma_wait3A_196] : memref<80x125xi32, #tpu.memory_space<vmem>> -> memref<1x125xi32, #tpu.memory_space<vmem>>
      %dma_wait3A_198 = tpu.memref_squeeze %dma_wait3A_197 : memref<1x125xi32, #tpu.memory_space<vmem>> -> memref<125xi32, #tpu.memory_space<vmem>>
      %dma_wait3A_199 = arith.constant 0 : i32
      %dma_wait3A_200 = arith.constant 0 : i32
      %dma_wait3A_201 = tpu.memref_slice %arg18[%dma_wait3A_199, %dma_wait3A_200] : memref<10000x16xf32, #tpu.memory_space<vmem_shared>> -> memref<10000x16xf32, #tpu.memory_space<vmem_shared>>
      tpu.wait_indirect_dma semaphore(%arg19 : memref<!tpu.dma_semaphore, #tpu.memory_space<semaphore_mem>>) src(%dma_wait3A_201 : memref<10000x16xf32, #tpu.memory_space<vmem_shared>>) dst(%arg8 : memref<125x16xf32, #tpu.memory_space<vmem>>)
      %dma_start3A_202 = arith.constant 0 : i32
      %dma_start3A_203 = tpu.memref_slice %arg7[%add3A_195, %dma_start3A_202] : memref<80x125xi32, #tpu.memory_space<vmem>> -> memref<1x125xi32, #tpu.memory_space<vmem>>
      %dma_start3A_204 = tpu.memref_squeeze %dma_start3A_203 : memref<1x125xi32, #tpu.memory_space<vmem>> -> memref<125xi32, #tpu.memory_space<vmem>>
      %dma_start3A_205 = arith.constant 0 : i32
      %dma_start3A_206 = arith.constant 0 : i32
      %dma_start3A_207 = tpu.memref_slice %arg17[%dma_start3A_205, %dma_start3A_206] : memref<10016x16xf32, #tpu.memory_space<vmem_shared>> -> memref<10016x16xf32, #tpu.memory_space<vmem_shared>>
      tpu.enqueue_indirect_dma source(%arg8 : memref<125x16xf32, #tpu.memory_space<vmem>>) target(%dma_start3A_207 : memref<10016x16xf32, #tpu.memory_space<vmem_shared>>) offsets(%dma_start3A_204 : memref<125xi32, #tpu.memory_space<vmem>>) semaphore(%arg27 : memref<!tpu.dma_semaphore, #tpu.memory_space<semaphore_mem>>) {add = true}
      %ge3A = arith.constant 4 : i32
      %ge3A_208 = arith.cmpi sge, %add3A_195, %ge3A : i32
      %convert_element_type3A = arith.extui %ge3A_208 : i1 to i32
      %cond3A = arith.constant 0 : i32
      %cond3A_209 = arith.cmpi ne, %convert_element_type3A, %cond3A : i32
      scf.if %cond3A_209 {
        %sub3A_412 = arith.constant 4 : i32
        %sub3A_413 = arith.subi %add3A_195, %sub3A_412 : i32
        %dma_wait3A_414 = arith.constant 0 : i32
        %dma_wait3A_415 = tpu.memref_slice %arg7[%sub3A_413, %dma_wait3A_414] : memref<80x125xi32, #tpu.memory_space<vmem>> -> memref<1x125xi32, #tpu.memory_space<vmem>>
        %dma_wait3A_416 = tpu.memref_squeeze %dma_wait3A_415 : memref<1x125xi32, #tpu.memory_space<vmem>> -> memref<125xi32, #tpu.memory_space<vmem>>
        %dma_wait3A_417 = arith.constant 0 : i32
        %dma_wait3A_418 = arith.constant 0 : i32
        %dma_wait3A_419 = tpu.memref_slice %arg17[%dma_wait3A_417, %dma_wait3A_418] : memref<10016x16xf32, #tpu.memory_space<vmem_shared>> -> memref<10016x16xf32, #tpu.memory_space<vmem_shared>>
        tpu.wait_indirect_dma semaphore(%arg31 : memref<!tpu.dma_semaphore, #tpu.memory_space<semaphore_mem>>) src(%arg12 : memref<125x16xf32, #tpu.memory_space<vmem>>) dst(%dma_wait3A_419 : memref<10016x16xf32, #tpu.memory_space<vmem_shared>>)
      } else {
      }
      %add3A_210 = arith.constant 4 : i32
      %add3A_211 = arith.addi %add3A_195, %add3A_210 : i32
      %lt3A = arith.constant 80 : i32
      %lt3A_212 = arith.cmpi slt, %add3A_211, %lt3A : i32
      %convert_element_type3A_213 = arith.extui %lt3A_212 : i1 to i32
      %cond3A_214 = arith.constant 0 : i32
      %cond3A_215 = arith.cmpi ne, %convert_element_type3A_213, %cond3A_214 : i32
      scf.if %cond3A_215 {
        %add3A_412 = arith.constant 4 : i32
        %add3A_413 = arith.addi %add3A_195, %add3A_412 : i32
        %dma_start3A_414 = arith.constant 0 : i32
        %dma_start3A_415 = tpu.memref_slice %arg6[%add3A_413, %dma_start3A_414] : memref<80x125xi32, #tpu.memory_space<vmem>> -> memref<1x125xi32, #tpu.memory_space<vmem>>
        %dma_start3A_416 = tpu.memref_squeeze %dma_start3A_415 : memref<1x125xi32, #tpu.memory_space<vmem>> -> memref<125xi32, #tpu.memory_space<vmem>>
        %dma_start3A_417 = arith.constant 0 : i32
        %dma_start3A_418 = arith.constant 0 : i32
        %dma_start3A_419 = tpu.memref_slice %arg18[%dma_start3A_417, %dma_start3A_418] : memref<10000x16xf32, #tpu.memory_space<vmem_shared>> -> memref<10000x16xf32, #tpu.memory_space<vmem_shared>>
        tpu.enqueue_indirect_dma source(%dma_start3A_419 : memref<10000x16xf32, #tpu.memory_space<vmem_shared>>) target(%arg12 : memref<125x16xf32, #tpu.memory_space<vmem>>) offsets(%dma_start3A_416 : memref<125xi32, #tpu.memory_space<vmem>>) semaphore(%arg23 : memref<!tpu.dma_semaphore, #tpu.memory_space<semaphore_mem>>)
      } else {
      }
      %mul3A_216 = arith.constant 8 : i32
      %mul3A_217 = arith.muli %mul3A_216, %scan3A_191 : i32
      %add3A_218 = arith.constant 1 : i32
      %add3A_219 = arith.addi %mul3A_217, %add3A_218 : i32
      %dma_wait3A_220 = arith.constant 0 : i32
      %dma_wait3A_221 = tpu.memref_slice %arg6[%add3A_219, %dma_wait3A_220] : memref<80x125xi32, #tpu.memory_space<vmem>> -> memref<1x125xi32, #tpu.memory_space<vmem>>
      %dma_wait3A_222 = tpu.memref_squeeze %dma_wait3A_221 : memref<1x125xi32, #tpu.memory_space<vmem>> -> memref<125xi32, #tpu.memory_space<vmem>>
      %dma_wait3A_223 = arith.constant 0 : i32
      %dma_wait3A_224 = arith.constant 0 : i32
      %dma_wait3A_225 = tpu.memref_slice %arg18[%dma_wait3A_223, %dma_wait3A_224] : memref<10000x16xf32, #tpu.memory_space<vmem_shared>> -> memref<10000x16xf32, #tpu.memory_space<vmem_shared>>
      tpu.wait_indirect_dma semaphore(%arg20 : memref<!tpu.dma_semaphore, #tpu.memory_space<semaphore_mem>>) src(%dma_wait3A_225 : memref<10000x16xf32, #tpu.memory_space<vmem_shared>>) dst(%arg9 : memref<125x16xf32, #tpu.memory_space<vmem>>)
      %dma_start3A_226 = arith.constant 0 : i32
      %dma_start3A_227 = tpu.memref_slice %arg7[%add3A_219, %dma_start3A_226] : memref<80x125xi32, #tpu.memory_space<vmem>> -> memref<1x125xi32, #tpu.memory_space<vmem>>
      %dma_start3A_228 = tpu.memref_squeeze %dma_start3A_227 : memref<1x125xi32, #tpu.memory_space<vmem>> -> memref<125xi32, #tpu.memory_space<vmem>>
      %dma_start3A_229 = arith.constant 0 : i32
      %dma_start3A_230 = arith.constant 0 : i32
      %dma_start3A_231 = tpu.memref_slice %arg17[%dma_start3A_229, %dma_start3A_230] : memref<10016x16xf32, #tpu.memory_space<vmem_shared>> -> memref<10016x16xf32, #tpu.memory_space<vmem_shared>>
      tpu.enqueue_indirect_dma source(%arg9 : memref<125x16xf32, #tpu.memory_space<vmem>>) target(%dma_start3A_231 : memref<10016x16xf32, #tpu.memory_space<vmem_shared>>) offsets(%dma_start3A_228 : memref<125xi32, #tpu.memory_space<vmem>>) semaphore(%arg28 : memref<!tpu.dma_semaphore, #tpu.memory_space<semaphore_mem>>) {add = true}
      %ge3A_232 = arith.constant 4 : i32
      %ge3A_233 = arith.cmpi sge, %add3A_219, %ge3A_232 : i32
      %convert_element_type3A_234 = arith.extui %ge3A_233 : i1 to i32
      %cond3A_235 = arith.constant 0 : i32
      %cond3A_236 = arith.cmpi ne, %convert_element_type3A_234, %cond3A_235 : i32
      scf.if %cond3A_236 {
        %sub3A_412 = arith.constant 4 : i32
        %sub3A_413 = arith.subi %add3A_219, %sub3A_412 : i32
        %dma_wait3A_414 = arith.constant 0 : i32
        %dma_wait3A_415 = tpu.memref_slice %arg7[%sub3A_413, %dma_wait3A_414] : memref<80x125xi32, #tpu.memory_space<vmem>> -> memref<1x125xi32, #tpu.memory_space<vmem>>
        %dma_wait3A_416 = tpu.memref_squeeze %dma_wait3A_415 : memref<1x125xi32, #tpu.memory_space<vmem>> -> memref<125xi32, #tpu.memory_space<vmem>>
        %dma_wait3A_417 = arith.constant 0 : i32
        %dma_wait3A_418 = arith.constant 0 : i32
        %dma_wait3A_419 = tpu.memref_slice %arg17[%dma_wait3A_417, %dma_wait3A_418] : memref<10016x16xf32, #tpu.memory_space<vmem_shared>> -> memref<10016x16xf32, #tpu.memory_space<vmem_shared>>
        tpu.wait_indirect_dma semaphore(%arg32 : memref<!tpu.dma_semaphore, #tpu.memory_space<semaphore_mem>>) src(%arg13 : memref<125x16xf32, #tpu.memory_space<vmem>>) dst(%dma_wait3A_419 : memref<10016x16xf32, #tpu.memory_space<vmem_shared>>)
      } else {
      }
      %add3A_237 = arith.constant 4 : i32
      %add3A_238 = arith.addi %add3A_219, %add3A_237 : i32
      %lt3A_239 = arith.constant 80 : i32
      %lt3A_240 = arith.cmpi slt, %add3A_238, %lt3A_239 : i32
      %convert_element_type3A_241 = arith.extui %lt3A_240 : i1 to i32
      %cond3A_242 = arith.constant 0 : i32
      %cond3A_243 = arith.cmpi ne, %convert_element_type3A_241, %cond3A_242 : i32
      scf.if %cond3A_243 {
        %add3A_412 = arith.constant 4 : i32
        %add3A_413 = arith.addi %add3A_219, %add3A_412 : i32
        %dma_start3A_414 = arith.constant 0 : i32
        %dma_start3A_415 = tpu.memref_slice %arg6[%add3A_413, %dma_start3A_414] : memref<80x125xi32, #tpu.memory_space<vmem>> -> memref<1x125xi32, #tpu.memory_space<vmem>>
        %dma_start3A_416 = tpu.memref_squeeze %dma_start3A_415 : memref<1x125xi32, #tpu.memory_space<vmem>> -> memref<125xi32, #tpu.memory_space<vmem>>
        %dma_start3A_417 = arith.constant 0 : i32
        %dma_start3A_418 = arith.constant 0 : i32
        %dma_start3A_419 = tpu.memref_slice %arg18[%dma_start3A_417, %dma_start3A_418] : memref<10000x16xf32, #tpu.memory_space<vmem_shared>> -> memref<10000x16xf32, #tpu.memory_space<vmem_shared>>
        tpu.enqueue_indirect_dma source(%dma_start3A_419 : memref<10000x16xf32, #tpu.memory_space<vmem_shared>>) target(%arg13 : memref<125x16xf32, #tpu.memory_space<vmem>>) offsets(%dma_start3A_416 : memref<125xi32, #tpu.memory_space<vmem>>) semaphore(%arg24 : memref<!tpu.dma_semaphore, #tpu.memory_space<semaphore_mem>>)
      } else {
      }
      %mul3A_244 = arith.constant 8 : i32
      %mul3A_245 = arith.muli %mul3A_244, %scan3A_191 : i32
      %add3A_246 = arith.constant 2 : i32
      %add3A_247 = arith.addi %mul3A_245, %add3A_246 : i32
      %dma_wait3A_248 = arith.constant 0 : i32
      %dma_wait3A_249 = tpu.memref_slice %arg6[%add3A_247, %dma_wait3A_248] : memref<80x125xi32, #tpu.memory_space<vmem>> -> memref<1x125xi32, #tpu.memory_space<vmem>>
      %dma_wait3A_250 = tpu.memref_squeeze %dma_wait3A_249 : memref<1x125xi32, #tpu.memory_space<vmem>> -> memref<125xi32, #tpu.memory_space<vmem>>
      %dma_wait3A_251 = arith.constant 0 : i32
      %dma_wait3A_252 = arith.constant 0 : i32
      %dma_wait3A_253 = tpu.memref_slice %arg18[%dma_wait3A_251, %dma_wait3A_252] : memref<10000x16xf32, #tpu.memory_space<vmem_shared>> -> memref<10000x16xf32, #tpu.memory_space<vmem_shared>>
      tpu.wait_indirect_dma semaphore(%arg21 : memref<!tpu.dma_semaphore, #tpu.memory_space<semaphore_mem>>) src(%dma_wait3A_253 : memref<10000x16xf32, #tpu.memory_space<vmem_shared>>) dst(%arg10 : memref<125x16xf32, #tpu.memory_space<vmem>>)
      %dma_start3A_254 = arith.constant 0 : i32
      %dma_start3A_255 = tpu.memref_slice %arg7[%add3A_247, %dma_start3A_254] : memref<80x125xi32, #tpu.memory_space<vmem>> -> memref<1x125xi32, #tpu.memory_space<vmem>>
      %dma_start3A_256 = tpu.memref_squeeze %dma_start3A_255 : memref<1x125xi32, #tpu.memory_space<vmem>> -> memref<125xi32, #tpu.memory_space<vmem>>
      %dma_start3A_257 = arith.constant 0 : i32
      %dma_start3A_258 = arith.constant 0 : i32
      %dma_start3A_259 = tpu.memref_slice %arg17[%dma_start3A_257, %dma_start3A_258] : memref<10016x16xf32, #tpu.memory_space<vmem_shared>> -> memref<10016x16xf32, #tpu.memory_space<vmem_shared>>
      tpu.enqueue_indirect_dma source(%arg10 : memref<125x16xf32, #tpu.memory_space<vmem>>) target(%dma_start3A_259 : memref<10016x16xf32, #tpu.memory_space<vmem_shared>>) offsets(%dma_start3A_256 : memref<125xi32, #tpu.memory_space<vmem>>) semaphore(%arg29 : memref<!tpu.dma_semaphore, #tpu.memory_space<semaphore_mem>>) {add = true}
      %ge3A_260 = arith.constant 4 : i32
      %ge3A_261 = arith.cmpi sge, %add3A_247, %ge3A_260 : i32
      %convert_element_type3A_262 = arith.extui %ge3A_261 : i1 to i32
      %cond3A_263 = arith.constant 0 : i32
      %cond3A_264 = arith.cmpi ne, %convert_element_type3A_262, %cond3A_263 : i32
      scf.if %cond3A_264 {
        %sub3A_412 = arith.constant 4 : i32
        %sub3A_413 = arith.subi %add3A_247, %sub3A_412 : i32
        %dma_wait3A_414 = arith.constant 0 : i32
        %dma_wait3A_415 = tpu.memref_slice %arg7[%sub3A_413, %dma_wait3A_414] : memref<80x125xi32, #tpu.memory_space<vmem>> -> memref<1x125xi32, #tpu.memory_space<vmem>>
        %dma_wait3A_416 = tpu.memref_squeeze %dma_wait3A_415 : memref<1x125xi32, #tpu.memory_space<vmem>> -> memref<125xi32, #tpu.memory_space<vmem>>
        %dma_wait3A_417 = arith.constant 0 : i32
        %dma_wait3A_418 = arith.constant 0 : i32
        %dma_wait3A_419 = tpu.memref_slice %arg17[%dma_wait3A_417, %dma_wait3A_418] : memref<10016x16xf32, #tpu.memory_space<vmem_shared>> -> memref<10016x16xf32, #tpu.memory_space<vmem_shared>>
        tpu.wait_indirect_dma semaphore(%arg33 : memref<!tpu.dma_semaphore, #tpu.memory_space<semaphore_mem>>) src(%arg14 : memref<125x16xf32, #tpu.memory_space<vmem>>) dst(%dma_wait3A_419 : memref<10016x16xf32, #tpu.memory_space<vmem_shared>>)
      } else {
      }
      %add3A_265 = arith.constant 4 : i32
      %add3A_266 = arith.addi %add3A_247, %add3A_265 : i32
      %lt3A_267 = arith.constant 80 : i32
      %lt3A_268 = arith.cmpi slt, %add3A_266, %lt3A_267 : i32
      %convert_element_type3A_269 = arith.extui %lt3A_268 : i1 to i32
      %cond3A_270 = arith.constant 0 : i32
      %cond3A_271 = arith.cmpi ne, %convert_element_type3A_269, %cond3A_270 : i32
      scf.if %cond3A_271 {
        %add3A_412 = arith.constant 4 : i32
        %add3A_413 = arith.addi %add3A_247, %add3A_412 : i32
        %dma_start3A_414 = arith.constant 0 : i32
        %dma_start3A_415 = tpu.memref_slice %arg6[%add3A_413, %dma_start3A_414] : memref<80x125xi32, #tpu.memory_space<vmem>> -> memref<1x125xi32, #tpu.memory_space<vmem>>
        %dma_start3A_416 = tpu.memref_squeeze %dma_start3A_415 : memref<1x125xi32, #tpu.memory_space<vmem>> -> memref<125xi32, #tpu.memory_space<vmem>>
        %dma_start3A_417 = arith.constant 0 : i32
        %dma_start3A_418 = arith.constant 0 : i32
        %dma_start3A_419 = tpu.memref_slice %arg18[%dma_start3A_417, %dma_start3A_418] : memref<10000x16xf32, #tpu.memory_space<vmem_shared>> -> memref<10000x16xf32, #tpu.memory_space<vmem_shared>>
        tpu.enqueue_indirect_dma source(%dma_start3A_419 : memref<10000x16xf32, #tpu.memory_space<vmem_shared>>) target(%arg14 : memref<125x16xf32, #tpu.memory_space<vmem>>) offsets(%dma_start3A_416 : memref<125xi32, #tpu.memory_space<vmem>>) semaphore(%arg25 : memref<!tpu.dma_semaphore, #tpu.memory_space<semaphore_mem>>)
      } else {
      }
      %mul3A_272 = arith.constant 8 : i32
      %mul3A_273 = arith.muli %mul3A_272, %scan3A_191 : i32
      %add3A_274 = arith.constant 3 : i32
      %add3A_275 = arith.addi %mul3A_273, %add3A_274 : i32
      %dma_wait3A_276 = arith.constant 0 : i32
      %dma_wait3A_277 = tpu.memref_slice %arg6[%add3A_275, %dma_wait3A_276] : memref<80x125xi32, #tpu.memory_space<vmem>> -> memref<1x125xi32, #tpu.memory_space<vmem>>
      %dma_wait3A_278 = tpu.memref_squeeze %dma_wait3A_277 : memref<1x125xi32, #tpu.memory_space<vmem>> -> memref<125xi32, #tpu.memory_space<vmem>>
      %dma_wait3A_279 = arith.constant 0 : i32
      %dma_wait3A_280 = arith.constant 0 : i32
      %dma_wait3A_281 = tpu.memref_slice %arg18[%dma_wait3A_279, %dma_wait3A_280] : memref<10000x16xf32, #tpu.memory_space<vmem_shared>> -> memref<10000x16xf32, #tpu.memory_space<vmem_shared>>
      tpu.wait_indirect_dma semaphore(%arg22 : memref<!tpu.dma_semaphore, #tpu.memory_space<semaphore_mem>>) src(%dma_wait3A_281 : memref<10000x16xf32, #tpu.memory_space<vmem_shared>>) dst(%arg11 : memref<125x16xf32, #tpu.memory_space<vmem>>)
      %dma_start3A_282 = arith.constant 0 : i32
      %dma_start3A_283 = tpu.memref_slice %arg7[%add3A_275, %dma_start3A_282] : memref<80x125xi32, #tpu.memory_space<vmem>> -> memref<1x125xi32, #tpu.memory_space<vmem>>
      %dma_start3A_284 = tpu.memref_squeeze %dma_start3A_283 : memref<1x125xi32, #tpu.memory_space<vmem>> -> memref<125xi32, #tpu.memory_space<vmem>>
      %dma_start3A_285 = arith.constant 0 : i32
      %dma_start3A_286 = arith.constant 0 : i32
      %dma_start3A_287 = tpu.memref_slice %arg17[%dma_start3A_285, %dma_start3A_286] : memref<10016x16xf32, #tpu.memory_space<vmem_shared>> -> memref<10016x16xf32, #tpu.memory_space<vmem_shared>>
      tpu.enqueue_indirect_dma source(%arg11 : memref<125x16xf32, #tpu.memory_space<vmem>>) target(%dma_start3A_287 : memref<10016x16xf32, #tpu.memory_space<vmem_shared>>) offsets(%dma_start3A_284 : memref<125xi32, #tpu.memory_space<vmem>>) semaphore(%arg30 : memref<!tpu.dma_semaphore, #tpu.memory_space<semaphore_mem>>) {add = true}
      %ge3A_288 = arith.constant 4 : i32
      %ge3A_289 = arith.cmpi sge, %add3A_275, %ge3A_288 : i32
      %convert_element_type3A_290 = arith.extui %ge3A_289 : i1 to i32
      %cond3A_291 = arith.constant 0 : i32
      %cond3A_292 = arith.cmpi ne, %convert_element_type3A_290, %cond3A_291 : i32
      scf.if %cond3A_292 {
        %sub3A_412 = arith.constant 4 : i32
        %sub3A_413 = arith.subi %add3A_275, %sub3A_412 : i32
        %dma_wait3A_414 = arith.constant 0 : i32
        %dma_wait3A_415 = tpu.memref_slice %arg7[%sub3A_413, %dma_wait3A_414] : memref<80x125xi32, #tpu.memory_space<vmem>> -> memref<1x125xi32, #tpu.memory_space<vmem>>
        %dma_wait3A_416 = tpu.memref_squeeze %dma_wait3A_415 : memref<1x125xi32, #tpu.memory_space<vmem>> -> memref<125xi32, #tpu.memory_space<vmem>>
        %dma_wait3A_417 = arith.constant 0 : i32
        %dma_wait3A_418 = arith.constant 0 : i32
        %dma_wait3A_419 = tpu.memref_slice %arg17[%dma_wait3A_417, %dma_wait3A_418] : memref<10016x16xf32, #tpu.memory_space<vmem_shared>> -> memref<10016x16xf32, #tpu.memory_space<vmem_shared>>
        tpu.wait_indirect_dma semaphore(%arg34 : memref<!tpu.dma_semaphore, #tpu.memory_space<semaphore_mem>>) src(%arg15 : memref<125x16xf32, #tpu.memory_space<vmem>>) dst(%dma_wait3A_419 : memref<10016x16xf32, #tpu.memory_space<vmem_shared>>)
      } else {
      }
      %add3A_293 = arith.constant 4 : i32
      %add3A_294 = arith.addi %add3A_275, %add3A_293 : i32
      %lt3A_295 = arith.constant 80 : i32
      %lt3A_296 = arith.cmpi slt, %add3A_294, %lt3A_295 : i32
      %convert_element_type3A_297 = arith.extui %lt3A_296 : i1 to i32
      %cond3A_298 = arith.constant 0 : i32
      %cond3A_299 = arith.cmpi ne, %convert_element_type3A_297, %cond3A_298 : i32
      scf.if %cond3A_299 {
        %add3A_412 = arith.constant 4 : i32
        %add3A_413 = arith.addi %add3A_275, %add3A_412 : i32
        %dma_start3A_414 = arith.constant 0 : i32
        %dma_start3A_415 = tpu.memref_slice %arg6[%add3A_413, %dma_start3A_414] : memref<80x125xi32, #tpu.memory_space<vmem>> -> memref<1x125xi32, #tpu.memory_space<vmem>>
        %dma_start3A_416 = tpu.memref_squeeze %dma_start3A_415 : memref<1x125xi32, #tpu.memory_space<vmem>> -> memref<125xi32, #tpu.memory_space<vmem>>
        %dma_start3A_417 = arith.constant 0 : i32
        %dma_start3A_418 = arith.constant 0 : i32
        %dma_start3A_419 = tpu.memref_slice %arg18[%dma_start3A_417, %dma_start3A_418] : memref<10000x16xf32, #tpu.memory_space<vmem_shared>> -> memref<10000x16xf32, #tpu.memory_space<vmem_shared>>
        tpu.enqueue_indirect_dma source(%dma_start3A_419 : memref<10000x16xf32, #tpu.memory_space<vmem_shared>>) target(%arg15 : memref<125x16xf32, #tpu.memory_space<vmem>>) offsets(%dma_start3A_416 : memref<125xi32, #tpu.memory_space<vmem>>) semaphore(%arg26 : memref<!tpu.dma_semaphore, #tpu.memory_space<semaphore_mem>>)
      } else {
      }
      %mul3A_300 = arith.constant 8 : i32
      %mul3A_301 = arith.muli %mul3A_300, %scan3A_191 : i32
      %add3A_302 = arith.constant 4 : i32
      %add3A_303 = arith.addi %mul3A_301, %add3A_302 : i32
      %dma_wait3A_304 = arith.constant 0 : i32
      %dma_wait3A_305 = tpu.memref_slice %arg6[%add3A_303, %dma_wait3A_304] : memref<80x125xi32, #tpu.memory_space<vmem>> -> memref<1x125xi32, #tpu.memory_space<vmem>>
      %dma_wait3A_306 = tpu.memref_squeeze %dma_wait3A_305 : memref<1x125xi32, #tpu.memory_space<vmem>> -> memref<125xi32, #tpu.memory_space<vmem>>
      %dma_wait3A_307 = arith.constant 0 : i32
      %dma_wait3A_308 = arith.constant 0 : i32
      %dma_wait3A_309 = tpu.memref_slice %arg18[%dma_wait3A_307, %dma_wait3A_308] : memref<10000x16xf32, #tpu.memory_space<vmem_shared>> -> memref<10000x16xf32, #tpu.memory_space<vmem_shared>>
      tpu.wait_indirect_dma semaphore(%arg23 : memref<!tpu.dma_semaphore, #tpu.memory_space<semaphore_mem>>) src(%dma_wait3A_309 : memref<10000x16xf32, #tpu.memory_space<vmem_shared>>) dst(%arg12 : memref<125x16xf32, #tpu.memory_space<vmem>>)
      %dma_start3A_310 = arith.constant 0 : i32
      %dma_start3A_311 = tpu.memref_slice %arg7[%add3A_303, %dma_start3A_310] : memref<80x125xi32, #tpu.memory_space<vmem>> -> memref<1x125xi32, #tpu.memory_space<vmem>>
      %dma_start3A_312 = tpu.memref_squeeze %dma_start3A_311 : memref<1x125xi32, #tpu.memory_space<vmem>> -> memref<125xi32, #tpu.memory_space<vmem>>
      %dma_start3A_313 = arith.constant 0 : i32
      %dma_start3A_314 = arith.constant 0 : i32
      %dma_start3A_315 = tpu.memref_slice %arg17[%dma_start3A_313, %dma_start3A_314] : memref<10016x16xf32, #tpu.memory_space<vmem_shared>> -> memref<10016x16xf32, #tpu.memory_space<vmem_shared>>
      tpu.enqueue_indirect_dma source(%arg12 : memref<125x16xf32, #tpu.memory_space<vmem>>) target(%dma_start3A_315 : memref<10016x16xf32, #tpu.memory_space<vmem_shared>>) offsets(%dma_start3A_312 : memref<125xi32, #tpu.memory_space<vmem>>) semaphore(%arg31 : memref<!tpu.dma_semaphore, #tpu.memory_space<semaphore_mem>>) {add = true}
      %ge3A_316 = arith.constant 4 : i32
      %ge3A_317 = arith.cmpi sge, %add3A_303, %ge3A_316 : i32
      %convert_element_type3A_318 = arith.extui %ge3A_317 : i1 to i32
      %cond3A_319 = arith.constant 0 : i32
      %cond3A_320 = arith.cmpi ne, %convert_element_type3A_318, %cond3A_319 : i32
      scf.if %cond3A_320 {
        %sub3A_412 = arith.constant 4 : i32
        %sub3A_413 = arith.subi %add3A_303, %sub3A_412 : i32
        %dma_wait3A_414 = arith.constant 0 : i32
        %dma_wait3A_415 = tpu.memref_slice %arg7[%sub3A_413, %dma_wait3A_414] : memref<80x125xi32, #tpu.memory_space<vmem>> -> memref<1x125xi32, #tpu.memory_space<vmem>>
        %dma_wait3A_416 = tpu.memref_squeeze %dma_wait3A_415 : memref<1x125xi32, #tpu.memory_space<vmem>> -> memref<125xi32, #tpu.memory_space<vmem>>
        %dma_wait3A_417 = arith.constant 0 : i32
        %dma_wait3A_418 = arith.constant 0 : i32
        %dma_wait3A_419 = tpu.memref_slice %arg17[%dma_wait3A_417, %dma_wait3A_418] : memref<10016x16xf32, #tpu.memory_space<vmem_shared>> -> memref<10016x16xf32, #tpu.memory_space<vmem_shared>>
        tpu.wait_indirect_dma semaphore(%arg27 : memref<!tpu.dma_semaphore, #tpu.memory_space<semaphore_mem>>) src(%arg8 : memref<125x16xf32, #tpu.memory_space<vmem>>) dst(%dma_wait3A_419 : memref<10016x16xf32, #tpu.memory_space<vmem_shared>>)
      } else {
      }
      %add3A_321 = arith.constant 4 : i32
      %add3A_322 = arith.addi %add3A_303, %add3A_321 : i32
      %lt3A_323 = arith.constant 80 : i32
      %lt3A_324 = arith.cmpi slt, %add3A_322, %lt3A_323 : i32
      %convert_element_type3A_325 = arith.extui %lt3A_324 : i1 to i32
      %cond3A_326 = arith.constant 0 : i32
      %cond3A_327 = arith.cmpi ne, %convert_element_type3A_325, %cond3A_326 : i32
      scf.if %cond3A_327 {
        %add3A_412 = arith.constant 4 : i32
        %add3A_413 = arith.addi %add3A_303, %add3A_412 : i32
        %dma_start3A_414 = arith.constant 0 : i32
        %dma_start3A_415 = tpu.memref_slice %arg6[%add3A_413, %dma_start3A_414] : memref<80x125xi32, #tpu.memory_space<vmem>> -> memref<1x125xi32, #tpu.memory_space<vmem>>
        %dma_start3A_416 = tpu.memref_squeeze %dma_start3A_415 : memref<1x125xi32, #tpu.memory_space<vmem>> -> memref<125xi32, #tpu.memory_space<vmem>>
        %dma_start3A_417 = arith.constant 0 : i32
        %dma_start3A_418 = arith.constant 0 : i32
        %dma_start3A_419 = tpu.memref_slice %arg18[%dma_start3A_417, %dma_start3A_418] : memref<10000x16xf32, #tpu.memory_space<vmem_shared>> -> memref<10000x16xf32, #tpu.memory_space<vmem_shared>>
        tpu.enqueue_indirect_dma source(%dma_start3A_419 : memref<10000x16xf32, #tpu.memory_space<vmem_shared>>) target(%arg8 : memref<125x16xf32, #tpu.memory_space<vmem>>) offsets(%dma_start3A_416 : memref<125xi32, #tpu.memory_space<vmem>>) semaphore(%arg19 : memref<!tpu.dma_semaphore, #tpu.memory_space<semaphore_mem>>)
      } else {
      }
      %mul3A_328 = arith.constant 8 : i32
      %mul3A_329 = arith.muli %mul3A_328, %scan3A_191 : i32
      %add3A_330 = arith.constant 5 : i32
      %add3A_331 = arith.addi %mul3A_329, %add3A_330 : i32
      %dma_wait3A_332 = arith.constant 0 : i32
      %dma_wait3A_333 = tpu.memref_slice %arg6[%add3A_331, %dma_wait3A_332] : memref<80x125xi32, #tpu.memory_space<vmem>> -> memref<1x125xi32, #tpu.memory_space<vmem>>
      %dma_wait3A_334 = tpu.memref_squeeze %dma_wait3A_333 : memref<1x125xi32, #tpu.memory_space<vmem>> -> memref<125xi32, #tpu.memory_space<vmem>>
      %dma_wait3A_335 = arith.constant 0 : i32
      %dma_wait3A_336 = arith.constant 0 : i32
      %dma_wait3A_337 = tpu.memref_slice %arg18[%dma_wait3A_335, %dma_wait3A_336] : memref<10000x16xf32, #tpu.memory_space<vmem_shared>> -> memref<10000x16xf32, #tpu.memory_space<vmem_shared>>
      tpu.wait_indirect_dma semaphore(%arg24 : memref<!tpu.dma_semaphore, #tpu.memory_space<semaphore_mem>>) src(%dma_wait3A_337 : memref<10000x16xf32, #tpu.memory_space<vmem_shared>>) dst(%arg13 : memref<125x16xf32, #tpu.memory_space<vmem>>)
      %dma_start3A_338 = arith.constant 0 : i32
      %dma_start3A_339 = tpu.memref_slice %arg7[%add3A_331, %dma_start3A_338] : memref<80x125xi32, #tpu.memory_space<vmem>> -> memref<1x125xi32, #tpu.memory_space<vmem>>
      %dma_start3A_340 = tpu.memref_squeeze %dma_start3A_339 : memref<1x125xi32, #tpu.memory_space<vmem>> -> memref<125xi32, #tpu.memory_space<vmem>>
      %dma_start3A_341 = arith.constant 0 : i32
      %dma_start3A_342 = arith.constant 0 : i32
      %dma_start3A_343 = tpu.memref_slice %arg17[%dma_start3A_341, %dma_start3A_342] : memref<10016x16xf32, #tpu.memory_space<vmem_shared>> -> memref<10016x16xf32, #tpu.memory_space<vmem_shared>>
      tpu.enqueue_indirect_dma source(%arg13 : memref<125x16xf32, #tpu.memory_space<vmem>>) target(%dma_start3A_343 : memref<10016x16xf32, #tpu.memory_space<vmem_shared>>) offsets(%dma_start3A_340 : memref<125xi32, #tpu.memory_space<vmem>>) semaphore(%arg32 : memref<!tpu.dma_semaphore, #tpu.memory_space<semaphore_mem>>) {add = true}
      %ge3A_344 = arith.constant 4 : i32
      %ge3A_345 = arith.cmpi sge, %add3A_331, %ge3A_344 : i32
      %convert_element_type3A_346 = arith.extui %ge3A_345 : i1 to i32
      %cond3A_347 = arith.constant 0 : i32
      %cond3A_348 = arith.cmpi ne, %convert_element_type3A_346, %cond3A_347 : i32
      scf.if %cond3A_348 {
        %sub3A_412 = arith.constant 4 : i32
        %sub3A_413 = arith.subi %add3A_331, %sub3A_412 : i32
        %dma_wait3A_414 = arith.constant 0 : i32
        %dma_wait3A_415 = tpu.memref_slice %arg7[%sub3A_413, %dma_wait3A_414] : memref<80x125xi32, #tpu.memory_space<vmem>> -> memref<1x125xi32, #tpu.memory_space<vmem>>
        %dma_wait3A_416 = tpu.memref_squeeze %dma_wait3A_415 : memref<1x125xi32, #tpu.memory_space<vmem>> -> memref<125xi32, #tpu.memory_space<vmem>>
        %dma_wait3A_417 = arith.constant 0 : i32
        %dma_wait3A_418 = arith.constant 0 : i32
        %dma_wait3A_419 = tpu.memref_slice %arg17[%dma_wait3A_417, %dma_wait3A_418] : memref<10016x16xf32, #tpu.memory_space<vmem_shared>> -> memref<10016x16xf32, #tpu.memory_space<vmem_shared>>
        tpu.wait_indirect_dma semaphore(%arg28 : memref<!tpu.dma_semaphore, #tpu.memory_space<semaphore_mem>>) src(%arg9 : memref<125x16xf32, #tpu.memory_space<vmem>>) dst(%dma_wait3A_419 : memref<10016x16xf32, #tpu.memory_space<vmem_shared>>)
      } else {
      }
      %add3A_349 = arith.constant 4 : i32
      %add3A_350 = arith.addi %add3A_331, %add3A_349 : i32
      %lt3A_351 = arith.constant 80 : i32
      %lt3A_352 = arith.cmpi slt, %add3A_350, %lt3A_351 : i32
      %convert_element_type3A_353 = arith.extui %lt3A_352 : i1 to i32
      %cond3A_354 = arith.constant 0 : i32
      %cond3A_355 = arith.cmpi ne, %convert_element_type3A_353, %cond3A_354 : i32
      scf.if %cond3A_355 {
        %add3A_412 = arith.constant 4 : i32
        %add3A_413 = arith.addi %add3A_331, %add3A_412 : i32
        %dma_start3A_414 = arith.constant 0 : i32
        %dma_start3A_415 = tpu.memref_slice %arg6[%add3A_413, %dma_start3A_414] : memref<80x125xi32, #tpu.memory_space<vmem>> -> memref<1x125xi32, #tpu.memory_space<vmem>>
        %dma_start3A_416 = tpu.memref_squeeze %dma_start3A_415 : memref<1x125xi32, #tpu.memory_space<vmem>> -> memref<125xi32, #tpu.memory_space<vmem>>
        %dma_start3A_417 = arith.constant 0 : i32
        %dma_start3A_418 = arith.constant 0 : i32
        %dma_start3A_419 = tpu.memref_slice %arg18[%dma_start3A_417, %dma_start3A_418] : memref<10000x16xf32, #tpu.memory_space<vmem_shared>> -> memref<10000x16xf32, #tpu.memory_space<vmem_shared>>
        tpu.enqueue_indirect_dma source(%dma_start3A_419 : memref<10000x16xf32, #tpu.memory_space<vmem_shared>>) target(%arg9 : memref<125x16xf32, #tpu.memory_space<vmem>>) offsets(%dma_start3A_416 : memref<125xi32, #tpu.memory_space<vmem>>) semaphore(%arg20 : memref<!tpu.dma_semaphore, #tpu.memory_space<semaphore_mem>>)
      } else {
      }
      %mul3A_356 = arith.constant 8 : i32
      %mul3A_357 = arith.muli %mul3A_356, %scan3A_191 : i32
      %add3A_358 = arith.constant 6 : i32
      %add3A_359 = arith.addi %mul3A_357, %add3A_358 : i32
      %dma_wait3A_360 = arith.constant 0 : i32
      %dma_wait3A_361 = tpu.memref_slice %arg6[%add3A_359, %dma_wait3A_360] : memref<80x125xi32, #tpu.memory_space<vmem>> -> memref<1x125xi32, #tpu.memory_space<vmem>>
      %dma_wait3A_362 = tpu.memref_squeeze %dma_wait3A_361 : memref<1x125xi32, #tpu.memory_space<vmem>> -> memref<125xi32, #tpu.memory_space<vmem>>
      %dma_wait3A_363 = arith.constant 0 : i32
      %dma_wait3A_364 = arith.constant 0 : i32
      %dma_wait3A_365 = tpu.memref_slice %arg18[%dma_wait3A_363, %dma_wait3A_364] : memref<10000x16xf32, #tpu.memory_space<vmem_shared>> -> memref<10000x16xf32, #tpu.memory_space<vmem_shared>>
      tpu.wait_indirect_dma semaphore(%arg25 : memref<!tpu.dma_semaphore, #tpu.memory_space<semaphore_mem>>) src(%dma_wait3A_365 : memref<10000x16xf32, #tpu.memory_space<vmem_shared>>) dst(%arg14 : memref<125x16xf32, #tpu.memory_space<vmem>>)
      %dma_start3A_366 = arith.constant 0 : i32
      %dma_start3A_367 = tpu.memref_slice %arg7[%add3A_359, %dma_start3A_366] : memref<80x125xi32, #tpu.memory_space<vmem>> -> memref<1x125xi32, #tpu.memory_space<vmem>>
      %dma_start3A_368 = tpu.memref_squeeze %dma_start3A_367 : memref<1x125xi32, #tpu.memory_space<vmem>> -> memref<125xi32, #tpu.memory_space<vmem>>
      %dma_start3A_369 = arith.constant 0 : i32
      %dma_start3A_370 = arith.constant 0 : i32
      %dma_start3A_371 = tpu.memref_slice %arg17[%dma_start3A_369, %dma_start3A_370] : memref<10016x16xf32, #tpu.memory_space<vmem_shared>> -> memref<10016x16xf32, #tpu.memory_space<vmem_shared>>
      tpu.enqueue_indirect_dma source(%arg14 : memref<125x16xf32, #tpu.memory_space<vmem>>) target(%dma_start3A_371 : memref<10016x16xf32, #tpu.memory_space<vmem_shared>>) offsets(%dma_start3A_368 : memref<125xi32, #tpu.memory_space<vmem>>) semaphore(%arg33 : memref<!tpu.dma_semaphore, #tpu.memory_space<semaphore_mem>>) {add = true}
      %ge3A_372 = arith.constant 4 : i32
      %ge3A_373 = arith.cmpi sge, %add3A_359, %ge3A_372 : i32
      %convert_element_type3A_374 = arith.extui %ge3A_373 : i1 to i32
      %cond3A_375 = arith.constant 0 : i32
      %cond3A_376 = arith.cmpi ne, %convert_element_type3A_374, %cond3A_375 : i32
      scf.if %cond3A_376 {
        %sub3A_412 = arith.constant 4 : i32
        %sub3A_413 = arith.subi %add3A_359, %sub3A_412 : i32
        %dma_wait3A_414 = arith.constant 0 : i32
        %dma_wait3A_415 = tpu.memref_slice %arg7[%sub3A_413, %dma_wait3A_414] : memref<80x125xi32, #tpu.memory_space<vmem>> -> memref<1x125xi32, #tpu.memory_space<vmem>>
        %dma_wait3A_416 = tpu.memref_squeeze %dma_wait3A_415 : memref<1x125xi32, #tpu.memory_space<vmem>> -> memref<125xi32, #tpu.memory_space<vmem>>
        %dma_wait3A_417 = arith.constant 0 : i32
        %dma_wait3A_418 = arith.constant 0 : i32
        %dma_wait3A_419 = tpu.memref_slice %arg17[%dma_wait3A_417, %dma_wait3A_418] : memref<10016x16xf32, #tpu.memory_space<vmem_shared>> -> memref<10016x16xf32, #tpu.memory_space<vmem_shared>>
        tpu.wait_indirect_dma semaphore(%arg29 : memref<!tpu.dma_semaphore, #tpu.memory_space<semaphore_mem>>) src(%arg10 : memref<125x16xf32, #tpu.memory_space<vmem>>) dst(%dma_wait3A_419 : memref<10016x16xf32, #tpu.memory_space<vmem_shared>>)
      } else {
      }
      %add3A_377 = arith.constant 4 : i32
      %add3A_378 = arith.addi %add3A_359, %add3A_377 : i32
      %lt3A_379 = arith.constant 80 : i32
      %lt3A_380 = arith.cmpi slt, %add3A_378, %lt3A_379 : i32
      %convert_element_type3A_381 = arith.extui %lt3A_380 : i1 to i32
      %cond3A_382 = arith.constant 0 : i32
      %cond3A_383 = arith.cmpi ne, %convert_element_type3A_381, %cond3A_382 : i32
      scf.if %cond3A_383 {
        %add3A_412 = arith.constant 4 : i32
        %add3A_413 = arith.addi %add3A_359, %add3A_412 : i32
        %dma_start3A_414 = arith.constant 0 : i32
        %dma_start3A_415 = tpu.memref_slice %arg6[%add3A_413, %dma_start3A_414] : memref<80x125xi32, #tpu.memory_space<vmem>> -> memref<1x125xi32, #tpu.memory_space<vmem>>
        %dma_start3A_416 = tpu.memref_squeeze %dma_start3A_415 : memref<1x125xi32, #tpu.memory_space<vmem>> -> memref<125xi32, #tpu.memory_space<vmem>>
        %dma_start3A_417 = arith.constant 0 : i32
        %dma_start3A_418 = arith.constant 0 : i32
        %dma_start3A_419 = tpu.memref_slice %arg18[%dma_start3A_417, %dma_start3A_418] : memref<10000x16xf32, #tpu.memory_space<vmem_shared>> -> memref<10000x16xf32, #tpu.memory_space<vmem_shared>>
        tpu.enqueue_indirect_dma source(%dma_start3A_419 : memref<10000x16xf32, #tpu.memory_space<vmem_shared>>) target(%arg10 : memref<125x16xf32, #tpu.memory_space<vmem>>) offsets(%dma_start3A_416 : memref<125xi32, #tpu.memory_space<vmem>>) semaphore(%arg21 : memref<!tpu.dma_semaphore, #tpu.memory_space<semaphore_mem>>)
      } else {
      }
      %mul3A_384 = arith.constant 8 : i32
      %mul3A_385 = arith.muli %mul3A_384, %scan3A_191 : i32
      %add3A_386 = arith.constant 7 : i32
      %add3A_387 = arith.addi %mul3A_385, %add3A_386 : i32
      %dma_wait3A_388 = arith.constant 0 : i32
      %dma_wait3A_389 = tpu.memref_slice %arg6[%add3A_387, %dma_wait3A_388] : memref<80x125xi32, #tpu.memory_space<vmem>> -> memref<1x125xi32, #tpu.memory_space<vmem>>
      %dma_wait3A_390 = tpu.memref_squeeze %dma_wait3A_389 : memref<1x125xi32, #tpu.memory_space<vmem>> -> memref<125xi32, #tpu.memory_space<vmem>>
      %dma_wait3A_391 = arith.constant 0 : i32
      %dma_wait3A_392 = arith.constant 0 : i32
      %dma_wait3A_393 = tpu.memref_slice %arg18[%dma_wait3A_391, %dma_wait3A_392] : memref<10000x16xf32, #tpu.memory_space<vmem_shared>> -> memref<10000x16xf32, #tpu.memory_space<vmem_shared>>
      tpu.wait_indirect_dma semaphore(%arg26 : memref<!tpu.dma_semaphore, #tpu.memory_space<semaphore_mem>>) src(%dma_wait3A_393 : memref<10000x16xf32, #tpu.memory_space<vmem_shared>>) dst(%arg15 : memref<125x16xf32, #tpu.memory_space<vmem>>)
      %dma_start3A_394 = arith.constant 0 : i32
      %dma_start3A_395 = tpu.memref_slice %arg7[%add3A_387, %dma_start3A_394] : memref<80x125xi32, #tpu.memory_space<vmem>> -> memref<1x125xi32, #tpu.memory_space<vmem>>
      %dma_start3A_396 = tpu.memref_squeeze %dma_start3A_395 : memref<1x125xi32, #tpu.memory_space<vmem>> -> memref<125xi32, #tpu.memory_space<vmem>>
      %dma_start3A_397 = arith.constant 0 : i32
      %dma_start3A_398 = arith.constant 0 : i32
      %dma_start3A_399 = tpu.memref_slice %arg17[%dma_start3A_397, %dma_start3A_398] : memref<10016x16xf32, #tpu.memory_space<vmem_shared>> -> memref<10016x16xf32, #tpu.memory_space<vmem_shared>>
      tpu.enqueue_indirect_dma source(%arg15 : memref<125x16xf32, #tpu.memory_space<vmem>>) target(%dma_start3A_399 : memref<10016x16xf32, #tpu.memory_space<vmem_shared>>) offsets(%dma_start3A_396 : memref<125xi32, #tpu.memory_space<vmem>>) semaphore(%arg34 : memref<!tpu.dma_semaphore, #tpu.memory_space<semaphore_mem>>) {add = true}
      %ge3A_400 = arith.constant 4 : i32
      %ge3A_401 = arith.cmpi sge, %add3A_387, %ge3A_400 : i32
      %convert_element_type3A_402 = arith.extui %ge3A_401 : i1 to i32
      %cond3A_403 = arith.constant 0 : i32
      %cond3A_404 = arith.cmpi ne, %convert_element_type3A_402, %cond3A_403 : i32
      scf.if %cond3A_404 {
        %sub3A_412 = arith.constant 4 : i32
        %sub3A_413 = arith.subi %add3A_387, %sub3A_412 : i32
        %dma_wait3A_414 = arith.constant 0 : i32
        %dma_wait3A_415 = tpu.memref_slice %arg7[%sub3A_413, %dma_wait3A_414] : memref<80x125xi32, #tpu.memory_space<vmem>> -> memref<1x125xi32, #tpu.memory_space<vmem>>
        %dma_wait3A_416 = tpu.memref_squeeze %dma_wait3A_415 : memref<1x125xi32, #tpu.memory_space<vmem>> -> memref<125xi32, #tpu.memory_space<vmem>>
        %dma_wait3A_417 = arith.constant 0 : i32
        %dma_wait3A_418 = arith.constant 0 : i32
        %dma_wait3A_419 = tpu.memref_slice %arg17[%dma_wait3A_417, %dma_wait3A_418] : memref<10016x16xf32, #tpu.memory_space<vmem_shared>> -> memref<10016x16xf32, #tpu.memory_space<vmem_shared>>
        tpu.wait_indirect_dma semaphore(%arg30 : memref<!tpu.dma_semaphore, #tpu.memory_space<semaphore_mem>>) src(%arg11 : memref<125x16xf32, #tpu.memory_space<vmem>>) dst(%dma_wait3A_419 : memref<10016x16xf32, #tpu.memory_space<vmem_shared>>)
      } else {
      }
      %add3A_405 = arith.constant 4 : i32
      %add3A_406 = arith.addi %add3A_387, %add3A_405 : i32
      %lt3A_407 = arith.constant 80 : i32
      %lt3A_408 = arith.cmpi slt, %add3A_406, %lt3A_407 : i32
      %convert_element_type3A_409 = arith.extui %lt3A_408 : i1 to i32
      %cond3A_410 = arith.constant 0 : i32
      %cond3A_411 = arith.cmpi ne, %convert_element_type3A_409, %cond3A_410 : i32
      scf.if %cond3A_411 {
        %add3A_412 = arith.constant 4 : i32
        %add3A_413 = arith.addi %add3A_387, %add3A_412 : i32
        %dma_start3A_414 = arith.constant 0 : i32
        %dma_start3A_415 = tpu.memref_slice %arg6[%add3A_413, %dma_start3A_414] : memref<80x125xi32, #tpu.memory_space<vmem>> -> memref<1x125xi32, #tpu.memory_space<vmem>>
        %dma_start3A_416 = tpu.memref_squeeze %dma_start3A_415 : memref<1x125xi32, #tpu.memory_space<vmem>> -> memref<125xi32, #tpu.memory_space<vmem>>
        %dma_start3A_417 = arith.constant 0 : i32
        %dma_start3A_418 = arith.constant 0 : i32
        %dma_start3A_419 = tpu.memref_slice %arg18[%dma_start3A_417, %dma_start3A_418] : memref<10000x16xf32, #tpu.memory_space<vmem_shared>> -> memref<10000x16xf32, #tpu.memory_space<vmem_shared>>
        tpu.enqueue_indirect_dma source(%dma_start3A_419 : memref<10000x16xf32, #tpu.memory_space<vmem_shared>>) target(%arg11 : memref<125x16xf32, #tpu.memory_space<vmem>>) offsets(%dma_start3A_416 : memref<125xi32, #tpu.memory_space<vmem>>) semaphore(%arg22 : memref<!tpu.dma_semaphore, #tpu.memory_space<semaphore_mem>>)
      } else {
      }
    }
    %scan3A_161 = arith.constant 10 : i32
    %dma_wait3A_162 = arith.constant 76 : i32
    %dma_wait3A_163 = arith.constant 0 : i32
    %dma_wait3A_164 = tpu.memref_slice %arg7[%dma_wait3A_162, %dma_wait3A_163] : memref<80x125xi32, #tpu.memory_space<vmem>> -> memref<1x125xi32, #tpu.memory_space<vmem>>
    %dma_wait3A_165 = tpu.memref_squeeze %dma_wait3A_164 : memref<1x125xi32, #tpu.memory_space<vmem>> -> memref<125xi32, #tpu.memory_space<vmem>>
    %dma_wait3A_166 = arith.constant 0 : i32
    %dma_wait3A_167 = arith.constant 0 : i32
    %dma_wait3A_168 = tpu.memref_slice %arg17[%dma_wait3A_166, %dma_wait3A_167] : memref<10016x16xf32, #tpu.memory_space<vmem_shared>> -> memref<10016x16xf32, #tpu.memory_space<vmem_shared>>
    tpu.wait_indirect_dma semaphore(%arg31 : memref<!tpu.dma_semaphore, #tpu.memory_space<semaphore_mem>>) src(%arg12 : memref<125x16xf32, #tpu.memory_space<vmem>>) dst(%dma_wait3A_168 : memref<10016x16xf32, #tpu.memory_space<vmem_shared>>)
    %dma_wait3A_169 = arith.constant 77 : i32
    %dma_wait3A_170 = arith.constant 0 : i32
    %dma_wait3A_171 = tpu.memref_slice %arg7[%dma_wait3A_169, %dma_wait3A_170] : memref<80x125xi32, #tpu.memory_space<vmem>> -> memref<1x125xi32, #tpu.memory_space<vmem>>
    %dma_wait3A_172 = tpu.memref_squeeze %dma_wait3A_171 : memref<1x125xi32, #tpu.memory_space<vmem>> -> memref<125xi32, #tpu.memory_space<vmem>>
    %dma_wait3A_173 = arith.constant 0 : i32
    %dma_wait3A_174 = arith.constant 0 : i32
    %dma_wait3A_175 = tpu.memref_slice %arg17[%dma_wait3A_173, %dma_wait3A_174] : memref<10016x16xf32, #tpu.memory_space<vmem_shared>> -> memref<10016x16xf32, #tpu.memory_space<vmem_shared>>
    tpu.wait_indirect_dma semaphore(%arg32 : memref<!tpu.dma_semaphore, #tpu.memory_space<semaphore_mem>>) src(%arg13 : memref<125x16xf32, #tpu.memory_space<vmem>>) dst(%dma_wait3A_175 : memref<10016x16xf32, #tpu.memory_space<vmem_shared>>)
    %dma_wait3A_176 = arith.constant 78 : i32
    %dma_wait3A_177 = arith.constant 0 : i32
    %dma_wait3A_178 = tpu.memref_slice %arg7[%dma_wait3A_176, %dma_wait3A_177] : memref<80x125xi32, #tpu.memory_space<vmem>> -> memref<1x125xi32, #tpu.memory_space<vmem>>
    %dma_wait3A_179 = tpu.memref_squeeze %dma_wait3A_178 : memref<1x125xi32, #tpu.memory_space<vmem>> -> memref<125xi32, #tpu.memory_space<vmem>>
    %dma_wait3A_180 = arith.constant 0 : i32
    %dma_wait3A_181 = arith.constant 0 : i32
    %dma_wait3A_182 = tpu.memref_slice %arg17[%dma_wait3A_180, %dma_wait3A_181] : memref<10016x16xf32, #tpu.memory_space<vmem_shared>> -> memref<10016x16xf32, #tpu.memory_space<vmem_shared>>
    tpu.wait_indirect_dma semaphore(%arg33 : memref<!tpu.dma_semaphore, #tpu.memory_space<semaphore_mem>>) src(%arg14 : memref<125x16xf32, #tpu.memory_space<vmem>>) dst(%dma_wait3A_182 : memref<10016x16xf32, #tpu.memory_space<vmem_shared>>)
    %dma_wait3A_183 = arith.constant 79 : i32
    %dma_wait3A_184 = arith.constant 0 : i32
    %dma_wait3A_185 = tpu.memref_slice %arg7[%dma_wait3A_183, %dma_wait3A_184] : memref<80x125xi32, #tpu.memory_space<vmem>> -> memref<1x125xi32, #tpu.memory_space<vmem>>
    %dma_wait3A_186 = tpu.memref_squeeze %dma_wait3A_185 : memref<1x125xi32, #tpu.memory_space<vmem>> -> memref<125xi32, #tpu.memory_space<vmem>>
    %dma_wait3A_187 = arith.constant 0 : i32
    %dma_wait3A_188 = arith.constant 0 : i32
    %dma_wait3A_189 = tpu.memref_slice %arg17[%dma_wait3A_187, %dma_wait3A_188] : memref<10016x16xf32, #tpu.memory_space<vmem_shared>> -> memref<10016x16xf32, #tpu.memory_space<vmem_shared>>
    tpu.wait_indirect_dma semaphore(%arg34 : memref<!tpu.dma_semaphore, #tpu.memory_space<semaphore_mem>>) src(%arg15 : memref<125x16xf32, #tpu.memory_space<vmem>>) dst(%dma_wait3A_189 : memref<10016x16xf32, #tpu.memory_space<vmem_shared>>)
    %barrier3A_190 = arith.constant 0 : index
    tpu.barrier barrier_id(%barrier3A_190)
    "tpu.region"() ({
      %run_scoped3A = tpu.sem_alloc : memref<!tpu.dma_semaphore, #tpu.memory_space<semaphore_mem>>
      %dma_start3A_191 = arith.constant 0 : i32
      %dma_start3A_192 = tpu.memref_slice %arg5[%arg0, %multiple_of3A, %dma_start3A_191] : memref<2x10000x16xf32, #tpu.memory_space<hbm>> -> memref<1x632x16xf32, #tpu.memory_space<hbm>>
      %dma_start3A_193 = tpu.memref_squeeze %dma_start3A_192 : memref<1x632x16xf32, #tpu.memory_space<hbm>> -> memref<632x16xf32, #tpu.memory_space<hbm>>
      %dma_start3A_194 = arith.constant 0 : i32
      %dma_start3A_195 = tpu.memref_slice %arg17[%multiple_of3A, %dma_start3A_194] : memref<10016x16xf32, #tpu.memory_space<vmem_shared>> -> memref<632x16xf32, #tpu.memory_space<vmem_shared>>
      tpu.enqueue_dma source(%dma_start3A_195 : memref<632x16xf32, #tpu.memory_space<vmem_shared>>) target(%dma_start3A_193 : memref<632x16xf32, #tpu.memory_space<hbm>>) target_semaphore(%run_scoped3A : memref<!tpu.dma_semaphore, #tpu.memory_space<semaphore_mem>>)
      %dma_wait3A_196 = arith.constant 0 : i32
      %dma_wait3A_197 = tpu.memref_slice %arg5[%arg0, %multiple_of3A, %dma_wait3A_196] : memref<2x10000x16xf32, #tpu.memory_space<hbm>> -> memref<1x632x16xf32, #tpu.memory_space<hbm>>
      %dma_wait3A_198 = tpu.memref_squeeze %dma_wait3A_197 : memref<1x632x16xf32, #tpu.memory_space<hbm>> -> memref<632x16xf32, #tpu.memory_space<hbm>>
      %dma_wait3A_199 = arith.constant 0 : i32
      %dma_wait3A_200 = tpu.memref_slice %arg17[%multiple_of3A, %dma_wait3A_199] : memref<10016x16xf32, #tpu.memory_space<vmem_shared>> -> memref<632x16xf32, #tpu.memory_space<vmem_shared>>
      tpu.wait_dma2 semaphore(%run_scoped3A : memref<!tpu.dma_semaphore, #tpu.memory_space<semaphore_mem>>) src(%dma_wait3A_200 : memref<632x16xf32, #tpu.memory_space<vmem_shared>>) dst(%dma_wait3A_198 : memref<632x16xf32, #tpu.memory_space<hbm>>)
      tpu.yield
    }) : () -> ()
    return
  }
}

module attributes {stable_mosaic.version = 14 : i64} {
  func.func @body(%arg0: i32, %arg1: memref<1250x1024xf32, #tpu.memory_space<vmem>>, %arg2: memref<1024x128xf32, #tpu.memory_space<vmem>>, %arg3: memref<1250x128xf32, #tpu.memory_space<vmem>>) attributes {dimension_semantics = [#tpu.dimension_semantics<arbitrary>], iteration_bounds = array<i64: 1>, scalar_prefetch = 0 : i64, scratch_operands = 0 : i64, tpu.core_type = #tpu.core_type<tc>, window_params = [{transform_indices = @transform_0, window_bounds = array<i64: 1250, 1024>}, {pipeline_mode = #tpu.pipeline_mode<synchronous>, transform_indices = @transform_1, window_bounds = array<i64: 1024, 128>}, {transform_indices = @transform_2, window_bounds = array<i64: 1250, 128>}]} {
    %get3A = arith.constant 0 : index
    %get3A_0 = arith.constant 0 : index
    %get3A_1 = vector.load %arg1[%get3A, %get3A_0] : memref<1250x1024xf32, #tpu.memory_space<vmem>>, vector<1250x1024xf32>
    %get3A_2 = arith.constant 0 : index
    %get3A_3 = arith.constant 0 : index
    %get3A_4 = vector.load %arg2[%get3A_2, %get3A_3] : memref<1024x128xf32, #tpu.memory_space<vmem>>, vector<1024x128xf32>
    %dot_general3A = arith.constant dense<0.000000e+00> : vector<1250x128xf32>
    %dot_general3A_5 = tpu.matmul %get3A_1, %get3A_4, %dot_general3A {dimension_numbers = #tpu.dot_dimension_numbers<[1], [0], [0], [1], [0, 0, 1, 1], [], []>, transpose_lhs_hint = false} : vector<1250x1024xf32>, vector<1024x128xf32>, vector<1250x128xf32> -> vector<1250x128xf32>
    %swap3A = arith.constant 0 : index
    %swap3A_6 = arith.constant 0 : index
    %swap3A_7 = vector.load %arg3[%swap3A, %swap3A_6] : memref<1250x128xf32, #tpu.memory_space<vmem>>, vector<1250x128xf32>
    tpu.vector_store %arg3[%swap3A, %swap3A_6], %dot_general3A_5 {strides = array<i32>} : memref<1250x128xf32, #tpu.memory_space<vmem>>, vector<1250x128xf32>,
    return
  }
  func.func @transform_0(%arg0: i32) -> (i32, i32) {
    %c0_i32 = arith.constant 0 : i32
    %c0_i32_0 = arith.constant 0 : i32
    return %arg0, %c0_i32 : i32, i32
  }
  func.func @transform_1(%arg0: i32) -> (i32, i32) {
    %c0_i32 = arith.constant 0 : i32
    %c0_i32_0 = arith.constant 0 : i32
    %c0_i32_1 = arith.constant 0 : i32
    return %c0_i32, %c0_i32_0 : i32, i32
  }
  func.func @transform_2(%arg0: i32) -> (i32, i32) {
    %c0_i32 = arith.constant 0 : i32
    %c0_i32_0 = arith.constant 0 : i32
    return %arg0, %c0_i32 : i32, i32
  }
}

module attributes {stable_mosaic.version = 14 : i64} {
  func.func @body(%arg0: i32, %arg1: memref<1250x128xf32, #tpu.memory_space<vmem>>, %arg2: memref<1x1250x128xf32, #tpu.memory_space<vmem>>, %arg3: memref<1x1250x128xf32, #tpu.memory_space<vmem>>, %arg4: memref<1250x128xf32, #tpu.memory_space<vmem>>, %arg5: memref<1250x128xf32, #tpu.memory_space<vmem>>) attributes {dimension_semantics = [#tpu.dimension_semantics<arbitrary>], iteration_bounds = array<i64: 1>, scalar_prefetch = 0 : i64, scratch_operands = 0 : i64, tpu.core_type = #tpu.core_type<tc>, window_params = [{transform_indices = @transform_0, window_bounds = array<i64: 1250, 128>}, {transform_indices = @transform_1, window_bounds = array<i64: 1, 1250, 128>}, {transform_indices = @transform_2, window_bounds = array<i64: 1, 1250, 128>}, {transform_indices = @transform_3, window_bounds = array<i64: 1250, 128>}, {transform_indices = @transform_4, window_bounds = array<i64: 1250, 128>}]} {
    %get3A = arith.constant 0 : index
    %get3A_0 = arith.constant 0 : index
    %get3A_1 = arith.constant 0 : index
    %get3A_2 = vector.load %arg2[%get3A, %get3A_0, %get3A_1] : memref<1x1250x128xf32, #tpu.memory_space<vmem>>, vector<1x1250x128xf32>
    %get3A_3 = vector.shape_cast %get3A_2 : vector<1x1250x128xf32> to vector<1250x128xf32>
    %get3A_4 = arith.constant 0 : index
    %get3A_5 = arith.constant 0 : index
    %get3A_6 = arith.constant 0 : index
    %get3A_7 = vector.load %arg3[%get3A_4, %get3A_5, %get3A_6] : memref<1x1250x128xf32, #tpu.memory_space<vmem>>, vector<1x1250x128xf32>
    %get3A_8 = vector.shape_cast %get3A_7 : vector<1x1250x128xf32> to vector<1250x128xf32>
    %add3A = arith.addf %get3A_3, %get3A_8 : vector<1250x128xf32>
    %gt3A = arith.constant 0.000000e+00 : f32
    %gt3A_9 = vector.broadcast %gt3A : f32 to vector<1250x128xf32>
    %gt3A_10 = arith.cmpf ogt, %add3A, %gt3A_9 : vector<1250x128xf32>
    %max3A = arith.constant 9.99999996E-13 : f32
    %max3A_11 = vector.broadcast %max3A : f32 to vector<1250x128xf32>
    %max3A_12 = arith.maximumf %add3A, %max3A_11 : vector<1250x128xf32>
    %rsqrt3A = math.rsqrt %max3A_12 : vector<1250x128xf32>
    %jit3A = arith.constant 0.000000e+00 : f32
    %broadcast_in_dim3A = vector.broadcast %jit3A : f32 to vector<1250x128xf32>
    %select_n3A = arith.select %gt3A_10, %rsqrt3A, %broadcast_in_dim3A : vector<1250x128xi1>, vector<1250x128xf32>
    %get3A_13 = arith.constant 0 : index
    %get3A_14 = arith.constant 0 : index
    %get3A_15 = vector.load %arg1[%get3A_13, %get3A_14] : memref<1250x128xf32, #tpu.memory_space<vmem>>, vector<1250x128xf32>
    %mul3A = arith.mulf %select_n3A, %get3A_15 : vector<1250x128xf32>
    %swap3A = arith.constant 0 : index
    %swap3A_16 = arith.constant 0 : index
    %swap3A_17 = vector.load %arg4[%swap3A, %swap3A_16] : memref<1250x128xf32, #tpu.memory_space<vmem>>, vector<1250x128xf32>
    tpu.vector_store %arg4[%swap3A, %swap3A_16], %mul3A {strides = array<i32>} : memref<1250x128xf32, #tpu.memory_space<vmem>>, vector<1250x128xf32>,
    %swap3A_18 = arith.constant 0 : index
    %swap3A_19 = arith.constant 0 : index
    %swap3A_20 = vector.load %arg5[%swap3A_18, %swap3A_19] : memref<1250x128xf32, #tpu.memory_space<vmem>>, vector<1250x128xf32>
    tpu.vector_store %arg5[%swap3A_18, %swap3A_19], %select_n3A {strides = array<i32>} : memref<1250x128xf32, #tpu.memory_space<vmem>>, vector<1250x128xf32>,
    return
  }
  func.func @transform_0(%arg0: i32) -> (i32, i32) {
    %c0_i32 = arith.constant 0 : i32
    %c0_i32_0 = arith.constant 0 : i32
    return %arg0, %c0_i32 : i32, i32
  }
  func.func @transform_1(%arg0: i32) -> (i32, i32, i32) {
    %c0_i32 = arith.constant 0 : i32
    %c0_i32_0 = arith.constant 0 : i32
    %c0_i32_1 = arith.constant 0 : i32
    return %c0_i32, %arg0, %c0_i32_0 : i32, i32, i32
  }
  func.func @transform_2(%arg0: i32) -> (i32, i32, i32) {
    %c1_i32 = arith.constant 1 : i32
    %c0_i32 = arith.constant 0 : i32
    %c0_i32_0 = arith.constant 0 : i32
    return %c1_i32, %arg0, %c0_i32 : i32, i32, i32
  }
  func.func @transform_3(%arg0: i32) -> (i32, i32) {
    %c0_i32 = arith.constant 0 : i32
    %c0_i32_0 = arith.constant 0 : i32
    return %arg0, %c0_i32 : i32, i32
  }
  func.func @transform_4(%arg0: i32) -> (i32, i32) {
    %c0_i32 = arith.constant 0 : i32
    %c0_i32_0 = arith.constant 0 : i32
    return %arg0, %c0_i32 : i32, i32
  }
}

module attributes {stable_mosaic.version = 14 : i64} {
  func.func @body(%arg0: i32, %arg1: memref<1250x128xf32, #tpu.memory_space<vmem>>, %arg2: memref<1x1250x128xf32, #tpu.memory_space<vmem>>, %arg3: memref<1x1250x128xf32, #tpu.memory_space<vmem>>, %arg4: memref<1250x128xf32, #tpu.memory_space<vmem>>, %arg5: memref<128x128xf32, #tpu.memory_space<vmem>>, %arg6: memref<128x128xf32, #tpu.memory_space<vmem>>, %arg7: memref<8x128xf32, #tpu.memory_space<vmem>>, %arg8: memref<1250x128xf32, #tpu.memory_space<vmem>>, %arg9: memref<1250x128xf32, #tpu.memory_space<vmem>>) attributes {dimension_semantics = [#tpu.dimension_semantics<arbitrary>], iteration_bounds = array<i64: 1>, scalar_prefetch = 0 : i64, scratch_operands = 0 : i64, tpu.core_type = #tpu.core_type<tc>, window_params = [{transform_indices = @transform_0, window_bounds = array<i64: 1250, 128>}, {transform_indices = @transform_1, window_bounds = array<i64: 1, 1250, 128>}, {transform_indices = @transform_2, window_bounds = array<i64: 1, 1250, 128>}, {transform_indices = @transform_3, window_bounds = array<i64: 1250, 128>}, {pipeline_mode = #tpu.pipeline_mode<synchronous>, transform_indices = @transform_4, window_bounds = array<i64: 128, 128>}, {pipeline_mode = #tpu.pipeline_mode<synchronous>, transform_indices = @transform_5, window_bounds = array<i64: 128, 128>}, {pipeline_mode = #tpu.pipeline_mode<synchronous>, transform_indices = @transform_6, window_bounds = array<i64: 8, 128>}, {transform_indices = @transform_7, window_bounds = array<i64: 1250, 128>}, {transform_indices = @transform_8, window_bounds = array<i64: 1250, 128>}]} {
    %get3A = arith.constant 0 : index
    %get3A_0 = arith.constant 0 : index
    %get3A_1 = vector.load %arg4[%get3A, %get3A_0] : memref<1250x128xf32, #tpu.memory_space<vmem>>, vector<1250x128xf32>
    %get3A_2 = arith.constant 0 : index
    %get3A_3 = arith.constant 0 : index
    %get3A_4 = vector.load %arg1[%get3A_2, %get3A_3] : memref<1250x128xf32, #tpu.memory_space<vmem>>, vector<1250x128xf32>
    %get3A_5 = arith.constant 0 : index
    %get3A_6 = arith.constant 0 : index
    %get3A_7 = arith.constant 0 : index
    %get3A_8 = vector.load %arg2[%get3A_5, %get3A_6, %get3A_7] : memref<1x1250x128xf32, #tpu.memory_space<vmem>>, vector<1x1250x128xf32>
    %get3A_9 = vector.shape_cast %get3A_8 : vector<1x1250x128xf32> to vector<1250x128xf32>
    %get3A_10 = arith.constant 0 : index
    %get3A_11 = arith.constant 0 : index
    %get3A_12 = arith.constant 0 : index
    %get3A_13 = vector.load %arg3[%get3A_10, %get3A_11, %get3A_12] : memref<1x1250x128xf32, #tpu.memory_space<vmem>>, vector<1x1250x128xf32>
    %get3A_14 = vector.shape_cast %get3A_13 : vector<1x1250x128xf32> to vector<1250x128xf32>
    %add3A = arith.addf %get3A_9, %get3A_14 : vector<1250x128xf32>
    %mul3A = arith.mulf %get3A_1, %add3A : vector<1250x128xf32>
    %sub3A = arith.subf %get3A_4, %mul3A : vector<1250x128xf32>
    %get3A_15 = arith.constant 0 : index
    %get3A_16 = arith.constant 0 : index
    %get3A_17 = vector.load %arg7[%get3A_15, %get3A_16] : memref<8x128xf32, #tpu.memory_space<vmem>>, vector<1x128xf32>
    %add3A_18 = vector.broadcast %get3A_17 : vector<1x128xf32> to vector<1250x128xf32>
    %add3A_19 = arith.addf %sub3A, %add3A_18 : vector<1250x128xf32>
    %max3A = arith.constant 0.000000e+00 : f32
    %max3A_20 = vector.broadcast %max3A : f32 to vector<1250x128xf32>
    %max3A_21 = arith.maximumf %add3A_19, %max3A_20 : vector<1250x128xf32>
    %get3A_22 = arith.constant 0 : index
    %get3A_23 = arith.constant 0 : index
    %get3A_24 = vector.load %arg5[%get3A_22, %get3A_23] : memref<128x128xf32, #tpu.memory_space<vmem>>, vector<128x128xf32>
    %dot_general3A = arith.constant dense<0.000000e+00> : vector<1250x128xf32>
    %dot_general3A_25 = tpu.matmul %max3A_21, %get3A_24, %dot_general3A {dimension_numbers = #tpu.dot_dimension_numbers<[1], [0], [0], [1], [0, 0, 1, 1], [], []>, transpose_lhs_hint = false} : vector<1250x128xf32>, vector<128x128xf32>, vector<1250x128xf32> -> vector<1250x128xf32>
    %mul3A_26 = arith.mulf %get3A_1, %dot_general3A_25 : vector<1250x128xf32>
    %swap3A = arith.constant 0 : index
    %swap3A_27 = arith.constant 0 : index
    %swap3A_28 = vector.load %arg8[%swap3A, %swap3A_27] : memref<1250x128xf32, #tpu.memory_space<vmem>>, vector<1250x128xf32>
    tpu.vector_store %arg8[%swap3A, %swap3A_27], %mul3A_26 {strides = array<i32>} : memref<1250x128xf32, #tpu.memory_space<vmem>>, vector<1250x128xf32>,
    %get3A_29 = arith.constant 0 : index
    %get3A_30 = arith.constant 0 : index
    %get3A_31 = vector.load %arg6[%get3A_29, %get3A_30] : memref<128x128xf32, #tpu.memory_space<vmem>>, vector<128x128xf32>
    %dot_general3A_32 = arith.constant dense<0.000000e+00> : vector<1250x128xf32>
    %dot_general3A_33 = tpu.matmul %max3A_21, %get3A_31, %dot_general3A_32 {dimension_numbers = #tpu.dot_dimension_numbers<[1], [0], [0], [1], [0, 0, 1, 1], [], []>, transpose_lhs_hint = false} : vector<1250x128xf32>, vector<128x128xf32>, vector<1250x128xf32> -> vector<1250x128xf32>
    %swap3A_34 = arith.constant 0 : index
    %swap3A_35 = arith.constant 0 : index
    %swap3A_36 = vector.load %arg9[%swap3A_34, %swap3A_35] : memref<1250x128xf32, #tpu.memory_space<vmem>>, vector<1250x128xf32>
    tpu.vector_store %arg9[%swap3A_34, %swap3A_35], %dot_general3A_33 {strides = array<i32>} : memref<1250x128xf32, #tpu.memory_space<vmem>>, vector<1250x128xf32>,
    return
  }
  func.func @transform_0(%arg0: i32) -> (i32, i32) {
    %c0_i32 = arith.constant 0 : i32
    %c0_i32_0 = arith.constant 0 : i32
    return %arg0, %c0_i32 : i32, i32
  }
  func.func @transform_1(%arg0: i32) -> (i32, i32, i32) {
    %c0_i32 = arith.constant 0 : i32
    %c0_i32_0 = arith.constant 0 : i32
    %c0_i32_1 = arith.constant 0 : i32
    return %c0_i32, %arg0, %c0_i32_0 : i32, i32, i32
  }
  func.func @transform_2(%arg0: i32) -> (i32, i32, i32) {
    %c1_i32 = arith.constant 1 : i32
    %c0_i32 = arith.constant 0 : i32
    %c0_i32_0 = arith.constant 0 : i32
    return %c1_i32, %arg0, %c0_i32 : i32, i32, i32
  }
  func.func @transform_3(%arg0: i32) -> (i32, i32) {
    %c0_i32 = arith.constant 0 : i32
    %c0_i32_0 = arith.constant 0 : i32
    return %arg0, %c0_i32 : i32, i32
  }
  func.func @transform_4(%arg0: i32) -> (i32, i32) {
    %c0_i32 = arith.constant 0 : i32
    %c0_i32_0 = arith.constant 0 : i32
    %c0_i32_1 = arith.constant 0 : i32
    return %c0_i32, %c0_i32_0 : i32, i32
  }
  func.func @transform_5(%arg0: i32) -> (i32, i32) {
    %c0_i32 = arith.constant 0 : i32
    %c0_i32_0 = arith.constant 0 : i32
    %c0_i32_1 = arith.constant 0 : i32
    return %c0_i32, %c0_i32_0 : i32, i32
  }
  func.func @transform_6(%arg0: i32) -> (i32, i32) {
    %c0_i32 = arith.constant 0 : i32
    %c0_i32_0 = arith.constant 0 : i32
    %c0_i32_1 = arith.constant 0 : i32
    return %c0_i32, %c0_i32_0 : i32, i32
  }
  func.func @transform_7(%arg0: i32) -> (i32, i32) {
    %c0_i32 = arith.constant 0 : i32
    %c0_i32_0 = arith.constant 0 : i32
    return %arg0, %c0_i32 : i32, i32
  }
  func.func @transform_8(%arg0: i32) -> (i32, i32) {
    %c0_i32 = arith.constant 0 : i32
    %c0_i32_0 = arith.constant 0 : i32
    return %arg0, %c0_i32 : i32, i32
  }
}

module attributes {stable_mosaic.version = 14 : i64} {
  func.func @body(%arg0: i32, %arg1: memref<1250x128xf32, #tpu.memory_space<vmem>>, %arg2: memref<1x1250x128xf32, #tpu.memory_space<vmem>>, %arg3: memref<1x1250x128xf32, #tpu.memory_space<vmem>>, %arg4: memref<1250x128xf32, #tpu.memory_space<vmem>>, %arg5: memref<128x128xf32, #tpu.memory_space<vmem>>, %arg6: memref<8x128xf32, #tpu.memory_space<vmem>>, %arg7: memref<8x128xf32, #tpu.memory_space<vmem>>, %arg8: memref<1250x128xf32, #tpu.memory_space<vmem>>) attributes {dimension_semantics = [#tpu.dimension_semantics<arbitrary>], iteration_bounds = array<i64: 1>, scalar_prefetch = 0 : i64, scratch_operands = 0 : i64, tpu.core_type = #tpu.core_type<tc>, window_params = [{transform_indices = @transform_0, window_bounds = array<i64: 1250, 128>}, {transform_indices = @transform_1, window_bounds = array<i64: 1, 1250, 128>}, {transform_indices = @transform_2, window_bounds = array<i64: 1, 1250, 128>}, {transform_indices = @transform_3, window_bounds = array<i64: 1250, 128>}, {pipeline_mode = #tpu.pipeline_mode<synchronous>, transform_indices = @transform_4, window_bounds = array<i64: 128, 128>}, {pipeline_mode = #tpu.pipeline_mode<synchronous>, transform_indices = @transform_5, window_bounds = array<i64: 8, 128>}, {pipeline_mode = #tpu.pipeline_mode<synchronous>, transform_indices = @transform_6, window_bounds = array<i64: 8, 128>}, {transform_indices = @transform_7, window_bounds = array<i64: 1250, 128>}]} {
    %get3A = arith.constant 0 : index
    %get3A_0 = arith.constant 0 : index
    %get3A_1 = vector.load %arg1[%get3A, %get3A_0] : memref<1250x128xf32, #tpu.memory_space<vmem>>, vector<1250x128xf32>
    %get3A_2 = arith.constant 0 : index
    %get3A_3 = arith.constant 0 : index
    %get3A_4 = vector.load %arg4[%get3A_2, %get3A_3] : memref<1250x128xf32, #tpu.memory_space<vmem>>, vector<1250x128xf32>
    %get3A_5 = arith.constant 0 : index
    %get3A_6 = arith.constant 0 : index
    %get3A_7 = arith.constant 0 : index
    %get3A_8 = vector.load %arg2[%get3A_5, %get3A_6, %get3A_7] : memref<1x1250x128xf32, #tpu.memory_space<vmem>>, vector<1x1250x128xf32>
    %get3A_9 = vector.shape_cast %get3A_8 : vector<1x1250x128xf32> to vector<1250x128xf32>
    %get3A_10 = arith.constant 0 : index
    %get3A_11 = arith.constant 0 : index
    %get3A_12 = arith.constant 0 : index
    %get3A_13 = vector.load %arg3[%get3A_10, %get3A_11, %get3A_12] : memref<1x1250x128xf32, #tpu.memory_space<vmem>>, vector<1x1250x128xf32>
    %get3A_14 = vector.shape_cast %get3A_13 : vector<1x1250x128xf32> to vector<1250x128xf32>
    %add3A = arith.addf %get3A_9, %get3A_14 : vector<1250x128xf32>
    %mul3A = arith.mulf %get3A_4, %add3A : vector<1250x128xf32>
    %sub3A = arith.subf %get3A_1, %mul3A : vector<1250x128xf32>
    %get3A_15 = arith.constant 0 : index
    %get3A_16 = arith.constant 0 : index
    %get3A_17 = vector.load %arg6[%get3A_15, %get3A_16] : memref<8x128xf32, #tpu.memory_space<vmem>>, vector<1x128xf32>
    %add3A_18 = vector.broadcast %get3A_17 : vector<1x128xf32> to vector<1250x128xf32>
    %add3A_19 = arith.addf %sub3A, %add3A_18 : vector<1250x128xf32>
    %max3A = arith.constant 0.000000e+00 : f32
    %max3A_20 = vector.broadcast %max3A : f32 to vector<1250x128xf32>
    %max3A_21 = arith.maximumf %add3A_19, %max3A_20 : vector<1250x128xf32>
    %get3A_22 = arith.constant 0 : index
    %get3A_23 = arith.constant 0 : index
    %get3A_24 = vector.load %arg5[%get3A_22, %get3A_23] : memref<128x128xf32, #tpu.memory_space<vmem>>, vector<128x128xf32>
    %dot_general3A = arith.constant dense<0.000000e+00> : vector<1250x128xf32>
    %dot_general3A_25 = tpu.matmul %max3A_21, %get3A_24, %dot_general3A {dimension_numbers = #tpu.dot_dimension_numbers<[1], [0], [0], [1], [0, 0, 1, 1], [], []>, transpose_lhs_hint = false} : vector<1250x128xf32>, vector<128x128xf32>, vector<1250x128xf32> -> vector<1250x128xf32>
    %get3A_26 = arith.constant 0 : index
    %get3A_27 = arith.constant 0 : index
    %get3A_28 = vector.load %arg7[%get3A_26, %get3A_27] : memref<8x128xf32, #tpu.memory_space<vmem>>, vector<1x128xf32>
    %add3A_29 = vector.broadcast %get3A_28 : vector<1x128xf32> to vector<1250x128xf32>
    %add3A_30 = arith.addf %dot_general3A_25, %add3A_29 : vector<1250x128xf32>
    %swap3A = arith.constant 0 : index
    %swap3A_31 = arith.constant 0 : index
    %swap3A_32 = vector.load %arg8[%swap3A, %swap3A_31] : memref<1250x128xf32, #tpu.memory_space<vmem>>, vector<1250x128xf32>
    tpu.vector_store %arg8[%swap3A, %swap3A_31], %add3A_30 {strides = array<i32>} : memref<1250x128xf32, #tpu.memory_space<vmem>>, vector<1250x128xf32>,
    return
  }
  func.func @transform_0(%arg0: i32) -> (i32, i32) {
    %c0_i32 = arith.constant 0 : i32
    %c0_i32_0 = arith.constant 0 : i32
    return %arg0, %c0_i32 : i32, i32
  }
  func.func @transform_1(%arg0: i32) -> (i32, i32, i32) {
    %c0_i32 = arith.constant 0 : i32
    %c0_i32_0 = arith.constant 0 : i32
    %c0_i32_1 = arith.constant 0 : i32
    return %c0_i32, %arg0, %c0_i32_0 : i32, i32, i32
  }
  func.func @transform_2(%arg0: i32) -> (i32, i32, i32) {
    %c1_i32 = arith.constant 1 : i32
    %c0_i32 = arith.constant 0 : i32
    %c0_i32_0 = arith.constant 0 : i32
    return %c1_i32, %arg0, %c0_i32 : i32, i32, i32
  }
  func.func @transform_3(%arg0: i32) -> (i32, i32) {
    %c0_i32 = arith.constant 0 : i32
    %c0_i32_0 = arith.constant 0 : i32
    return %arg0, %c0_i32 : i32, i32
  }
  func.func @transform_4(%arg0: i32) -> (i32, i32) {
    %c0_i32 = arith.constant 0 : i32
    %c0_i32_0 = arith.constant 0 : i32
    %c0_i32_1 = arith.constant 0 : i32
    return %c0_i32, %c0_i32_0 : i32, i32
  }
  func.func @transform_5(%arg0: i32) -> (i32, i32) {
    %c0_i32 = arith.constant 0 : i32
    %c0_i32_0 = arith.constant 0 : i32
    %c0_i32_1 = arith.constant 0 : i32
    return %c0_i32, %c0_i32_0 : i32, i32
  }
  func.func @transform_6(%arg0: i32) -> (i32, i32) {
    %c0_i32 = arith.constant 0 : i32
    %c0_i32_0 = arith.constant 0 : i32
    %c0_i32_1 = arith.constant 0 : i32
    return %c0_i32, %c0_i32_0 : i32, i32
  }
  func.func @transform_7(%arg0: i32) -> (i32, i32) {
    %c0_i32 = arith.constant 0 : i32
    %c0_i32_0 = arith.constant 0 : i32
    return %arg0, %c0_i32 : i32, i32
  }
}

</mosaic_0001>

<sc_bundles>
// kernel: kernel.10.cloned.1.call-start
scs
__scs_entry_jumppad:
0x0: {  	(pc) =	sbr.rel $0x88, $3  }
0x1: {  	(tag) =	ssettag $0x0;
	lr =	simm.s32 $0x1  }
0x2: {  	[smem:$0x3F97] =	sst lr;
	_ =	strace $0xD0000000  }
0x3: {  	_ = 	snop  }
0x4: {  	_ = 	snop  }
0x5: {  	_ = 	snop  }
0x6: {  	_ = 	snop  }
0x7: {  	_ = 	snop  }
__scs_overlays_trampoline_lowered:
0x8: {  	[smem:$0x3FA6] =	sst s0  }
0x9: {  	[smem:$0x3FA7] =	sst s1  }
0xa: {  	[smem:$0x3FA8] =	sst s2  }
0xb: {  	[smem:$0x3FA9] =	sst s3  }
0xc: {  	[smem:$0x3FAA] =	sst s4  }
0xd: {  	[smem:$0x3FAB] =	sst s5  }
0xe: {  	[smem:$0x3FAC] =	sst s6  }
0xf: {  	[smem:$0x3FAD] =	sst s7  }
0x10: {  	[smem:$0x3FAE] =	sst s8  }
0x11: {  	[smem:$0x3FAF] =	sst s9;
	s0 =	simm.s32 @!p0 $0x0  }
0x12: {  	s1 =	sld [smem:$0x3F95];
	s0 =	simm.s32 @p0 $0x1  }
0x13: {  	[smem:$0x3FB0] =	sst s0;
	s0 =	simm.s32 @!p1 $0x0  }
0x14: {  	s2 =	sld [smem:$0x3F94];
	s0 =	simm.s32 @p1 $0x1  }
0x15: {  	[smem:$0x3FB1] =	sst s0;
	s0 =	simm.s32 @!p2 $0x0  }
0x16: {  	s3 =	sld [smem:$0x3FDB];
	s0 =	simm.s32 @p2 $0x1  }
0x17: {  	s4 =	simm.s32 $0x1BF5;
	[smem:$0x3FB3] =	sst s0  }
0x18: {  	s0 =	sld [smem:$0x3F96];
	_ =	swait.ge [sflag:s4], $0x0  }
0x19: {  	s7 =	sld [smem:$0x3F97]  }
0x1a: {  	s8 =	sadd.s32 $0xFFFFE003, lr  }
0x1b: {  	s9 =	sadd.s32 $0xFFFFFEF7, lr;
	s5 =	simm.s32 $0xFFFFFFFF;
	p2 =	slt.u32 s8, $0xFFFFF086  }
0x1c: {  	p1 =	slt.u32 s9, $0xF7A;
	s5 =	simm.s32 @!p2 $0x0  }
0x1d: {  	s5 =	simm.s32 @p1 $0x1;
	p0 =	seq.s32 s7, s2  }
0x1e: {  	s7 =	smul.u32 @!p0 $0xF7A, s2;
	p2 =	seq.s32 @!p0 s5, $0x0  }
0x1f: {  	s9 =	smul.u32 $0xF7A, s1;
	s8 =	simm.s32 @!p0 $0x1BF5;
	p2 =	por !p2, p0  }
0x20: {  	[sflag:s8] =	ssyncset.s32 @!p0 $0xFFFFF086;
	s6 =	sadd.s32 @!p0 s3, s7;
	s7 =	simm.s32 @!p0 $0x108  }
0x21: {  	s3 =	sadd.s32 s3, s9;
	s6 =	sadd.s32 @!p0 $0x88, s6;
	s7 =	simm.s32 @p2 $0x1082  }
0x22: {  	[simem:s7], [sflag:s8] =	dma.local @!p0 [hbm:s6], $0xF7A  }
0x23: {  	s9 =	sor.u32 $0xD0000000, s2;
	s6 =	simm.s32 $0x108;
	_ =	swait.ge @!p0 [sflag:s8], $0x0  }
0x24: {  	s3 =	sadd.s32 $0x88, s3;
	s6 =	simm.s32 @!p1 $0x1082;
	[sflag:s4] =	ssyncset.s32 $0xFFFFF086  }
0x25: {  	[simem:s6], [sflag:s4] =	dma.local [hbm:s3], $0xF7A  }
0x26: {  	[smem:$0x3F97] =	sst s1;
	(tag) =	ssettag s2;
	_ =	strace s9  }
0x27: {  	s1 =	sld [smem:$0x3FA7]  }
0x28: {  	s2 =	sld [smem:$0x3FA8]  }
0x29: {  	s4 =	sld [smem:$0x3FAA]  }
0x2a: {  	p0 =	seq.s32 s5, $0x0;
	s5 =	sld [smem:$0x3FAB]  }
0x2b: {  	s6 =	sld [smem:$0x3FAC]  }
0x2c: {  	s7 =	sld [smem:$0x3FAD]  }
0x2d: {  	s3 =	simm.s32 $0x108;
	s8 =	sld [smem:$0x3FAE]  }
0x2e: {  	s3 =	simm.s32 @!p0 $0x1082;
	s9 =	sld [smem:$0x3FAF]  }
0x2f: {  	lr =	sadd.s32 s0, s3;
	s0 =	sld [smem:$0x3FA6]  }
0x30: {  	s3 =	sld [smem:$0x3FA9]  }
0x31: {  	[smem:$0x3FB2] =	sst s10  }
0x32: {  	s10 =	sld [smem:$0x3FB0];
	_ =	sdelay $0x3  }
0x33: {  	p0 =	seq.s32 s10, $0x1;
	s10 =	sld [smem:$0x3FB2];
	_ =	sdelay $0x3  }
0x34: {  	[smem:$0x3FB2] =	sst s10  }
0x35: {  	s10 =	sld [smem:$0x3FB1];
	_ =	sdelay $0x3  }
0x36: {  	p1 =	seq.s32 s10, $0x1;
	s10 =	sld [smem:$0x3FB2];
	_ =	sdelay $0x3  }
0x37: {  	[smem:$0x3FB2] =	sst s10  }
0x38: {  	s10 =	sld [smem:$0x3FB3]  }
0x39: {  	_ = 	snop;
	(pc) =	sbr.ind lr, $3  }
0x3a: {  	_ = 	snop  }
0x3b: {  	_ = 	snop  }
0x3c: {  	p2 =	seq.s32 s10, $0x1;
	s10 =	sld [smem:$0x3FB2]  }
0x3d: {  	_ =	shalt  }
0x3e: {  	_ =	shalt  }
0x3f: {  	_ =	shalt  }
0x40: {  	_ =	shalt  }
0x41: {  	_ =	shalt  }
0x42: {  	_ =	shalt  }
0x43: {  	_ =	shalt  }
0x44: {  	_ =	shalt  }
0x45: {  	_ =	shalt  }
0x46: {  	_ =	shalt  }
0x47: {  	_ =	shalt  }
0x48: {  	_ =	shalt  }
0x49: {  	_ =	shalt  }
0x4a: {  	_ =	shalt  }
0x4b: {  	_ =	shalt  }
0x4c: {  	_ =	shalt  }
0x4d: {  	_ =	shalt  }
0x4e: {  	_ =	shalt  }
0x4f: {  	_ =	shalt  }
0x50: {  	_ =	shalt  }
0x51: {  	_ =	shalt  }
0x52: {  	_ =	shalt  }
0x53: {  	_ =	shalt  }
0x54: {  	_ =	shalt  }
0x55: {  	_ =	shalt  }
0x56: {  	_ =	shalt  }
0x57: {  	_ =	shalt  }
0x58: {  	_ =	shalt  }
0x59: {  	_ =	shalt  }
0x5a: {  	_ =	shalt  }
0x5b: {  	_ =	shalt  }
0x5c: {  	_ =	shalt  }
0x5d: {  	_ =	shalt  }
0x5e: {  	_ =	shalt  }
0x5f: {  	_ =	shalt  }
0x60: {  	_ =	shalt  }
0x61: {  	_ =	shalt  }
0x62: {  	_ =	shalt  }
0x63: {  	_ =	shalt  }
0x64: {  	_ =	shalt  }
0x65: {  	_ =	shalt  }
0x66: {  	_ =	shalt  }
0x67: {  	_ =	shalt  }
0x68: {  	_ =	shalt  }
0x69: {  	_ =	shalt  }
0x6a: {  	_ =	shalt  }
0x6b: {  	_ =	shalt  }
0x6c: {  	_ =	shalt  }
0x6d: {  	_ =	shalt  }
0x6e: {  	_ =	shalt  }
0x6f: {  	_ =	shalt  }
0x70: {  	_ =	shalt  }
0x71: {  	_ =	shalt  }
0x72: {  	_ =	shalt  }
0x73: {  	_ =	shalt  }
0x74: {  	_ =	shalt  }
0x75: {  	_ =	shalt  }
0x76: {  	_ =	shalt  }
0x77: {  	_ =	shalt  }
0x78: {  	_ =	shalt  }
0x79: {  	_ =	shalt  }
0x7a: {  	_ =	shalt  }
0x7b: {  	_ =	shalt  }
0x7c: {  	_ =	shalt  }
0x7d: {  	_ =	shalt  }
0x7e: {  	_ =	shalt  }
0x7f: {  	_ =	shalt  }
0x80: {  	_ =	shalt  }
0x81: {  	_ =	shalt  }
0x82: {  	_ =	shalt  }
0x83: {  	_ =	shalt  }
0x84: {  	_ =	shalt  }
0x85: {  	_ =	shalt  }
0x86: {  	_ =	shalt  }
0x87: {  	_ =	shalt  }
.Lfunc_end0:
.L_simem_size_0:
called_computation_lowered:
.L_overlay_start_0:
0x88: {  	s2 =	sld [smem:$0x3FD9]  }
0x89: {  	s3 =	sld [smem:$0x3FFE];
	_ =	sdelay $0x1  }
0x8a: {  	s1 =	srdreg.scid  }
0x8b: {  	s0 =	sand.u32 $0x1, s1  }
0x8c: {  	s16 =	sshll.u32 s0, $0xA;
	s2 =	sadd.s32 s3, s2  }
0x8d: {  	s2 =	sadd.s32 s2, s16  }
0x8e: {  	[smem:$0x3FBE] =	sst s2  }
0x8f: {  	_ = 	snop  }
0x90: {  	(tm) =	ssettm $0x1  }
0x91: {  	s17 =	sld [smem:$0x3FFB];
	_ =	sdelay $0x3  }
0x92: {  	_ =	strace s17  }
0x93: {  	s2 =	sld [smem:$0x3FFC];
	_ =	sdelay $0x3  }
0x94: {  	_ =	strace s2  }
0x95: {  	s2 =	sld [smem:$0x3FFD];
	_ =	sdelay $0x3  }
0x96: {  	_ =	strace s2  }
0x97: {  	_ =	strace $0x8FFFFFFF  }
0x98: {  	s18 =	sld [smem:$0x3FDB];
	_ =	sdelay $0x1  }
0x99: {  	s19 =	simm.s32 $_scs_section_size  }
0x9a: {  	s4 =	simm.s32 $_size__tile_overlayer_lowered;
	s5 =	simm.s32 $_tile_overlayer_lowered  }
0x9b: {  	s22 =	simm.s32 $0x1BFF;
	s21 =	sshll.u32 s5, $0x1;
	s2 =	sadd.s32 s19, s18  }
0x9c: {  	s6 =	simm.s32 $0x0;
	s20 =	sshll.u32 s4, $0x1;
	s4 =	sadd.s32 s21, s2  }
0x9d: {  	[timem:s6], [sflag:s22] =	dma.local [hbm:s4], s20  }
0x9e: {  	_ =	swait.ge [sflag:s22], s20  }
0x9f: {  	s3 =	ssub.s32 $0x0, s20;
	[sflag:s22] =	ssyncset.done $0x0  }
0xa0: {  	[sflag:s22] =	ssyncadd.s32 s3;
	_ =	sdelay $0x1  }
0xa1: {  	s23 =	simm.s32 $0x1B8B  }
0xa2: {  	_ =	swait.ge [sflag:s23], $0x1  }
0xa3: {  	[sflag:s23] =	ssyncset.done $0x0  }
0xa4: {  	s25 =	simm.s32 $0x1B8E;
	s24 =	sld [smem:$0x3FFE];
	[sflag:s23] =	ssyncadd.s32 $0xFFFFFFFF  }
0xa5: {  	s26 =	simm.s32 $execute0_lowered;
	[smem:$0x3FD2] =	sst s25  }
0xa6: {  	s4 =	sshll.u32 s26, $0x1;
	_ =	strace $0x80000046;
	[dreg:$0x1] =	wrdreg $0xFFFFFFFF  }
0xa7: {  	s28 =	simm.s32 $_size_execute0_lowered;
	s2 =	sadd.s32 s2, s4;
	[dreg:$0x0] =	wrdreg $0x0  }
0xa8: {  	s4 =	sshll.u32 s28, $0x1;
	[dreg:$0x2] =	wrdreg s2  }
0xa9: {  	[dreg:$0x3] =	wrdreg s4  }
0xaa: {  	[dreg:$0x4] =	wrdreg $0xC0  }
0xab: {  	_ =	task [dreg:s6], $0x5FFFF  }
0xac: {  	[dreg:$0x1] =	wrdreg $0xFFFFFFFF  }
0xad: {  	[dreg:$0x0] =	wrdreg $0x60  }
0xae: {  	[dreg:$0x2] =	wrdreg s24  }
0xaf: {  	[dreg:$0x3] =	wrdreg $0x34D00  }
0xb0: {  	[dreg:$0x4] =	wrdreg $0x9  }
0xb1: {  	_ =	task.clear_ibuf [dreg:s6], $0x5FFFF;
	_ =	strace $0x90000046  }
0xb2: {  	s29 =	simm.s32 $0x9;
	_ =	strace $0x80000048  }
0xb3: {  	_ =	swait.ge [sflag:s29], $0x1  }
0xb4: {  	[sflag:s29] =	ssyncadd.s32 $0xFFFFFFFF  }
0xb5: {  	_ =	strace $0x90000048  }
0xb6: {  	_ =	sfence  }
0xb7: {  	s30 =	sld [smem:$0x0];
	_ =	sdelay $0x2  }
0xb8: {  	s31 =	sshll.u32 s1, $0xD;
	s1 =	sshrl.u32 s1, $0x2  }
0xb9: {  	s3 =	sand.u32 $0x4000, s31;
	s1 =	sadd.s32 s1, s30  }
0xba: {  	s0 =	sor.u32 s3, s0;
	s1 =	sshll.u32 s1, $0x11  }
0xbb: {  	s0 =	sor.u32 s1, s0  }
0xbc: {  	s0 =	sadd.s32 $0x8F2B, s0  }
0xbd: {  	[sflag:s0] =	ssyncadd.remote.s32 $0x1  }
0xbe: {  	_ =	sfence.sel $0xFFFF  }
0xbf: {  	[dreg:$0x0] =	wrdreg $0xFFFFFFFF;
	(pc) =	sbr.abs _section_cstart, $3  }
0xc0: {  	[dreg:$0x1] =	wrdreg $0xFFFFFFFF  }
0xc1: {  	_ =	task.clear_ibuf [dreg:s6], $0x2FFFF;
	_ =	strace $0x9FFFFFFF  }
0xc2: {  	(tm) =	ssettm $0x7FFFFFFF  }
0xc3: {  	_ =	shalt  }
tec
execute0_lowered:
.L_overlay_start_1:
0x0: {  	(tag) =	ssettag $0x1  }
0x1: {  	s0 =	rddreg [dreg:$0x0]  }
0x2: {  	s1 =	srdreg.scid;
	s4 =	stileid.u32  }
0x3: {  	s2 =	rddreg [dreg:$0x1];
	s6 =	simm.s32 $0x0;
	s15 =	simm.s32 $0xA  }
0x4: {  	s16 =	simm.s32 $0x2FD0;
	s17 =	simm.s32 $0x9;
	s18 =	simm.s32 $0x7D  }
0x5: {  	s19 =	simm.s32 $0x2800;
	s25 =	simm.s32 $0x300;
	s28 =	simm.s32 $0x1  }
0x6: {  	s29 =	simm.s32 $0x2;
	s30 =	simm.s32 $0x3;
	s31 =	simm.s32 $0x4  }
0x7: {  	s20 =	simm.s32 $0x8;
	s21 =	simm.s32 $0x0;
	s1 =	sand.u32 $0x1, s1  }
0x8: {  	s3 =	smul.u32 $0x2710, s4;
	s4 =	sshll.u32 s4, $0x1;
	[smem:$0x7FF] =	sst s6  }
0x9: {  	s5 =	smul.u32 $0x27100, s1;
	s4 =	sor.u32 s1, s4;
	s1 =	ssub.s32 $0x2, s1  }
0xa: {  	s3 =	sand.u32 $0x3FF80, s3;
	s4 =	smul.u32 $0x500, s4;
	s26 =	sshrl.u32 s1, $0x1  }
0xb: {  	_ =	strace $0x80000047;
	s5 =	sadd.s32 s5, s3;
	s1 =	ssub.s32 s1, s26  }
0xc: {  	s26 =	simm.s32 $0x380;
	s5 =	sshrl.u32 s5, $0x3;
	s4 =	sadd.s32 s4, s0  }
0xd: {  	s14 =	smax.u32 s1, $0x1;
	s1 =	simm.s32 $0x5;
	s0 =	sadd.s32 s5, s0  }
0xe: {  	s4 =	sadd.s32 $0x2800, s4;
	s5 =	sadd.s32 s3, s2;
	s3 =	simm.s32 $0x6  }
0xf: {  	s6 =	sadd.s32 $0x500, s5;
	s7 =	sadd.s32 $0xA00, s5;
	s8 =	sadd.s32 $0xF00, s5  }
0x10: {  	s9 =	sadd.s32 $0x1400, s5;
	s10 =	sadd.s32 $0x1900, s5;
	s11 =	sadd.s32 $0x1E00, s5  }
0x11: {  	v0 =	vimm.f32 $1.000000000e+00;
	v1 =	vimm.f32 $0.0e+00;
	s12 =	sadd.s32 $0x2300, s5;
	s13 =	sadd.s32 $0xC800, s0;
	s0 =	simm.s32 $0x7  }
.LBB2_1:
0x12: {  	s22 =	simm.s32 $0x0  }
0x13: {  	[tilespmem:s22], [sflag:$0xA] =	stream.linear.gather [hbm4b:s4+s22], $0x2800, $0x38;
	[tilespmem:$0x5BF0] =	vst v63  }
0x14: {  	_ =	swait.ge [sflag:s15], $0x2800  }
0x15: {  	[sflag:s15] =	ssyncset.done $0x0  }
0x16: {  	s22 =	simm.s32 $0x0;
	[sflag:s15] =	ssyncadd.s32 $0xFFFFD800  }
.LBB2_2:
0x17: {  	p0 =	sne.s32 s22, $0x1F00  }
.Ltmp0:
0x18: {  	_ = 	snop;
	(pc) =	sbr.rel @p0 .LBB2_2-.Ltmp0, $3  }
0x19: {  	_ =	sdelay $0x1  }
0x1a: {  	s23 =	sshra.s32 s22, $0x2  }
0x1b: {  	s22 =	sadd.s32 $0x40, s22;
	[tilespmem:s23+$0x2800] =	vst v0  }
0x1c: {  	s22 =	simm.s32 $0x40;
	s23 =	simm.s32 $0x0  }
.LBB2_4:
0x1d: {  	p0 =	sne.s32 s22, $0x13C0;
	[tilespmem:s23+$0x2FD0] =	vst v1;
	s23 =	smov.u32 s22;
	s22 =	sadd.s32 $0x40, s22  }
.Ltmp1:
0x1e: {  	(pc) =	sbr.rel @p0 .LBB2_4-.Ltmp1, $2  }
0x1f: {  	_ =	sdelay $0x2  }
0x20: {  	s23 =	sshra.s32 s23, $0x2  }
0x21: {  	[tilespmem:s23+$0x2FD0] =	vst v1  }
0x22: {  	[spmem:s5] =	stream.linear.scatter [tilespmem:s16], [sflag:$0x9], $0x500, $0x38;
	[tilespmem:$0x5BF0] =	vst v63  }
0x23: {  	_ = 	snop  }
0x24: {  	[spmem:s6] =	stream.linear.scatter [tilespmem:s16], [sflag:$0x9], $0x500, $0x38;
	[tilespmem:$0x5BF0] =	vst v63  }
0x25: {  	_ = 	snop  }
0x26: {  	[spmem:s7] =	stream.linear.scatter [tilespmem:s16], [sflag:$0x9], $0x500, $0x38;
	[tilespmem:$0x5BF0] =	vst v63  }
0x27: {  	_ = 	snop  }
0x28: {  	[spmem:s8] =	stream.linear.scatter [tilespmem:s16], [sflag:$0x9], $0x500, $0x38;
	[tilespmem:$0x5BF0] =	vst v63  }
0x29: {  	_ = 	snop  }
0x2a: {  	[spmem:s9] =	stream.linear.scatter [tilespmem:s16], [sflag:$0x9], $0x500, $0x38;
	[tilespmem:$0x5BF0] =	vst v63  }
0x2b: {  	_ = 	snop  }
0x2c: {  	[spmem:s10] =	stream.linear.scatter [tilespmem:s16], [sflag:$0x9], $0x500, $0x38;
	[tilespmem:$0x5BF0] =	vst v63  }
0x2d: {  	_ = 	snop  }
0x2e: {  	[spmem:s11] =	stream.linear.scatter [tilespmem:s16], [sflag:$0x9], $0x500, $0x38;
	[tilespmem:$0x5BF0] =	vst v63  }
0x2f: {  	_ = 	snop  }
0x30: {  	[spmem:s12] =	stream.linear.scatter [tilespmem:s16], [sflag:$0x9], $0x500, $0x38;
	[tilespmem:$0x5BF0] =	vst v63  }
0x31: {  	_ =	swait.ge [sflag:s17], $0x500  }
0x32: {  	[sflag:s17] =	ssyncset.done $0x0  }
0x33: {  	[sflag:s17] =	ssyncadd.s32 $0xFFFFFB00  }
0x34: {  	_ =	swait.ge [sflag:s17], $0x500  }
0x35: {  	[sflag:s17] =	ssyncset.done $0x0  }
0x36: {  	[sflag:s17] =	ssyncadd.s32 $0xFFFFFB00  }
0x37: {  	_ =	swait.ge [sflag:s17], $0x500  }
0x38: {  	[sflag:s17] =	ssyncset.done $0x0  }
0x39: {  	[sflag:s17] =	ssyncadd.s32 $0xFFFFFB00  }
0x3a: {  	_ =	swait.ge [sflag:s17], $0x500  }
0x3b: {  	[sflag:s17] =	ssyncset.done $0x0  }
0x3c: {  	[sflag:s17] =	ssyncadd.s32 $0xFFFFFB00  }
0x3d: {  	_ =	swait.ge [sflag:s17], $0x500  }
0x3e: {  	[sflag:s17] =	ssyncset.done $0x0  }
0x3f: {  	[sflag:s17] =	ssyncadd.s32 $0xFFFFFB00  }
0x40: {  	_ =	swait.ge [sflag:s17], $0x500  }
0x41: {  	[sflag:s17] =	ssyncset.done $0x0  }
0x42: {  	[sflag:s17] =	ssyncadd.s32 $0xFFFFFB00  }
0x43: {  	_ =	swait.ge [sflag:s17], $0x500  }
0x44: {  	[sflag:s17] =	ssyncset.done $0x0  }
0x45: {  	[sflag:s17] =	ssyncadd.s32 $0xFFFFFB00  }
0x46: {  	_ =	swait.ge [sflag:s17], $0x500  }
0x47: {  	[sflag:s17] =	ssyncset.done $0x0  }
0x48: {  	[sflag:s17] =	ssyncadd.s32 $0xFFFFFB00  }
0x49: {  	s22 =	simm.s32 $0x0;
	[bflag:$0x0] =	sbarrier.arrive $0xFFFF  }
0x4a: {  	[spmem:s2] =	stream.indirect.scatter.add.f32 [tilespmem:s19], [sflag:$0x1], $0x10, s22, s18, $0xb8;
	[tilespmem:$0x5BF0] =	vst v63  }
0x4b: {  	s23 =	simm.s32 $0x80  }
0x4c: {  	[spmem:s2] =	stream.indirect.scatter.add.f32 [tilespmem:s19], [sflag:$0x2], $0x10, s23, s18, $0xb8;
	[tilespmem:$0x5BF0] =	vst v63  }
0x4d: {  	s24 =	simm.s32 $0x100  }
0x4e: {  	[spmem:s2] =	stream.indirect.scatter.add.f32 [tilespmem:s19], [sflag:$0x3], $0x10, s24, s18, $0xb8;
	[tilespmem:$0x5BF0] =	vst v63  }
0x4f: {  	s23 =	simm.s32 $0x180  }
0x50: {  	[spmem:s2] =	stream.indirect.scatter.add.f32 [tilespmem:s19], [sflag:$0x4], $0x10, s23, s18, $0xb8;
	[tilespmem:$0x5BF0] =	vst v63  }
0x51: {  	s24 =	simm.s32 $0x200  }
0x52: {  	[spmem:s2] =	stream.indirect.scatter.add.f32 [tilespmem:s19], [sflag:$0x5], $0x10, s24, s18, $0xb8;
	[tilespmem:$0x5BF0] =	vst v63  }
0x53: {  	s23 =	simm.s32 $0x280  }
0x54: {  	[spmem:s2] =	stream.indirect.scatter.add.f32 [tilespmem:s19], [sflag:$0x6], $0x10, s23, s18, $0xb8;
	[tilespmem:$0x5BF0] =	vst v63  }
0x55: {  	_ = 	snop  }
0x56: {  	[spmem:s2] =	stream.indirect.scatter.add.f32 [tilespmem:s19], [sflag:$0x7], $0x10, s25, s18, $0xb8;
	[tilespmem:$0x5BF0] =	vst v63  }
0x57: {  	_ = 	snop  }
0x58: {  	[spmem:s2] =	stream.indirect.scatter.add.f32 [tilespmem:s19], [sflag:$0x8], $0x10, s26, s18, $0xb8;
	[tilespmem:$0x5BF0] =	vst v63  }
0x59: {  	_ =	swait.ge [sflag:s28], $0x7D0  }
0x5a: {  	[sflag:s28] =	ssyncset.done $0x0  }
0x5b: {  	s24 =	simm.s32 $0x400;
	[sflag:s28] =	ssyncadd.s32 $0xFFFFF830  }
0x5c: {  	[spmem:s2] =	stream.indirect.scatter.add.f32 [tilespmem:s19], [sflag:$0x1], $0x10, s24, s18, $0xb8;
	[tilespmem:$0x5BF0] =	vst v63  }
0x5d: {  	_ =	swait.ge [sflag:s29], $0x7D0  }
0x5e: {  	[sflag:s29] =	ssyncset.done $0x0  }
0x5f: {  	s23 =	simm.s32 $0x480;
	[sflag:s29] =	ssyncadd.s32 $0xFFFFF830  }
0x60: {  	[spmem:s2] =	stream.indirect.scatter.add.f32 [tilespmem:s19], [sflag:$0x2], $0x10, s23, s18, $0xb8;
	[tilespmem:$0x5BF0] =	vst v63  }
0x61: {  	_ =	swait.ge [sflag:s30], $0x7D0  }
0x62: {  	[sflag:s30] =	ssyncset.done $0x0  }
0x63: {  	s24 =	simm.s32 $0x500;
	[sflag:s30] =	ssyncadd.s32 $0xFFFFF830  }
0x64: {  	[spmem:s2] =	stream.indirect.scatter.add.f32 [tilespmem:s19], [sflag:$0x3], $0x10, s24, s18, $0xb8;
	[tilespmem:$0x5BF0] =	vst v63  }
0x65: {  	_ =	swait.ge [sflag:s31], $0x7D0  }
0x66: {  	[sflag:s31] =	ssyncset.done $0x0  }
0x67: {  	s23 =	simm.s32 $0x580;
	[sflag:s31] =	ssyncadd.s32 $0xFFFFF830  }
0x68: {  	[spmem:s2] =	stream.indirect.scatter.add.f32 [tilespmem:s19], [sflag:$0x4], $0x10, s23, s18, $0xb8;
	[tilespmem:$0x5BF0] =	vst v63  }
0x69: {  	_ =	swait.ge [sflag:s1], $0x7D0  }
0x6a: {  	[sflag:s1] =	ssyncset.done $0x0  }
0x6b: {  	s24 =	simm.s32 $0x600;
	[sflag:s1] =	ssyncadd.s32 $0xFFFFF830  }
0x6c: {  	[spmem:s2] =	stream.indirect.scatter.add.f32 [tilespmem:s19], [sflag:$0x5], $0x10, s24, s18, $0xb8;
	[tilespmem:$0x5BF0] =	vst v63  }
0x6d: {  	_ =	swait.ge [sflag:s3], $0x7D0  }
0x6e: {  	[sflag:s3] =	ssyncset.done $0x0  }
0x6f: {  	s23 =	simm.s32 $0x680;
	[sflag:s3] =	ssyncadd.s32 $0xFFFFF830  }
0x70: {  	[spmem:s2] =	stream.indirect.scatter.add.f32 [tilespmem:s19], [sflag:$0x6], $0x10, s23, s18, $0xb8;
	[tilespmem:$0x5BF0] =	vst v63  }
0x71: {  	_ =	swait.ge [sflag:s0], $0x7D0  }
0x72: {  	[sflag:s0] =	ssyncset.done $0x0  }
0x73: {  	s24 =	simm.s32 $0x700;
	[sflag:s0] =	ssyncadd.s32 $0xFFFFF830  }
0x74: {  	[spmem:s2] =	stream.indirect.scatter.add.f32 [tilespmem:s19], [sflag:$0x7], $0x10, s24, s18, $0xb8;
	[tilespmem:$0x5BF0] =	vst v63  }
0x75: {  	_ =	swait.ge [sflag:s20], $0x7D0  }
0x76: {  	[sflag:s20] =	ssyncset.done $0x0  }
0x77: {  	s22 =	simm.s32 $0x1000;
	s23 =	simm.s32 $0x780;
	[sflag:s20] =	ssyncadd.s32 $0xFFFFF830  }
.LBB2_6:
0x78: {  	[spmem:s2] =	stream.indirect.scatter.add.f32 [tilespmem:s19], [sflag:$0x8], $0x10, s23, s18, $0xb8;
	[tilespmem:$0x5BF0] =	vst v63  }
0x79: {  	s23 =	smov.u32 s22  }
0x7a: {  	p0 =	sne.s32 s22, $0x8000;
	s22 =	sadd.s32 $0x1000, s22;
	_ =	swait.ge [sflag:s28], $0x7D0  }
0x7b: {  	s23 =	sshra.s32 s23, $0x2;
	[sflag:s28] =	ssyncset.done $0x0  }
0x7c: {  	s24 =	sadd.s32 $0x400, s23;
	[sflag:s28] =	ssyncadd.s32 $0xFFFFF830  }
0x7d: {  	[spmem:s2] =	stream.indirect.scatter.add.f32 [tilespmem:s19], [sflag:$0x1], $0x10, s24, s18, $0xb8;
	[tilespmem:$0x5BF0] =	vst v63  }
0x7e: {  	_ =	swait.ge [sflag:s29], $0x7D0  }
0x7f: {  	[sflag:s29] =	ssyncset.done $0x0  }
0x80: {  	s24 =	sadd.s32 $0x480, s23;
	[sflag:s29] =	ssyncadd.s32 $0xFFFFF830  }
0x81: {  	[spmem:s2] =	stream.indirect.scatter.add.f32 [tilespmem:s19], [sflag:$0x2], $0x10, s24, s18, $0xb8;
	[tilespmem:$0x5BF0] =	vst v63  }
0x82: {  	_ =	swait.ge [sflag:s30], $0x7D0  }
0x83: {  	[sflag:s30] =	ssyncset.done $0x0  }
0x84: {  	s24 =	sadd.s32 $0x500, s23;
	[sflag:s30] =	ssyncadd.s32 $0xFFFFF830  }
0x85: {  	[spmem:s2] =	stream.indirect.scatter.add.f32 [tilespmem:s19], [sflag:$0x3], $0x10, s24, s18, $0xb8;
	[tilespmem:$0x5BF0] =	vst v63  }
0x86: {  	_ =	swait.ge [sflag:s31], $0x7D0  }
0x87: {  	[sflag:s31] =	ssyncset.done $0x0  }
0x88: {  	s24 =	sadd.s32 $0x580, s23;
	[sflag:s31] =	ssyncadd.s32 $0xFFFFF830  }
0x89: {  	[spmem:s2] =	stream.indirect.scatter.add.f32 [tilespmem:s19], [sflag:$0x4], $0x10, s24, s18, $0xb8;
	[tilespmem:$0x5BF0] =	vst v63  }
0x8a: {  	_ =	swait.ge [sflag:s1], $0x7D0  }
0x8b: {  	[sflag:s1] =	ssyncset.done $0x0  }
0x8c: {  	s24 =	sadd.s32 $0x600, s23;
	[sflag:s1] =	ssyncadd.s32 $0xFFFFF830  }
0x8d: {  	[spmem:s2] =	stream.indirect.scatter.add.f32 [tilespmem:s19], [sflag:$0x5], $0x10, s24, s18, $0xb8;
	[tilespmem:$0x5BF0] =	vst v63  }
0x8e: {  	_ =	swait.ge [sflag:s3], $0x7D0  }
0x8f: {  	[sflag:s3] =	ssyncset.done $0x0  }
0x90: {  	s24 =	sadd.s32 $0x680, s23;
	[sflag:s3] =	ssyncadd.s32 $0xFFFFF830  }
0x91: {  	[spmem:s2] =	stream.indirect.scatter.add.f32 [tilespmem:s19], [sflag:$0x6], $0x10, s24, s18, $0xb8;
	[tilespmem:$0x5BF0] =	vst v63  }
0x92: {  	_ =	swait.ge [sflag:s0], $0x7D0  }
0x93: {  	[sflag:s0] =	ssyncset.done $0x0  }
.Ltmp2:
0x94: {  	s24 =	sadd.s32 $0x700, s23;
	[sflag:s0] =	ssyncadd.s32 $0xFFFFF830;
	(pc) =	sbr.rel @p0 .LBB2_6-.Ltmp2, $4  }
0x95: {  	[spmem:s2] =	stream.indirect.scatter.add.f32 [tilespmem:s19], [sflag:$0x7], $0x10, s24, s18, $0xb8;
	[tilespmem:$0x5BF0] =	vst v63  }
0x96: {  	_ =	swait.ge [sflag:s20], $0x7D0  }
0x97: {  	[sflag:s20] =	ssyncset.done $0x0  }
0x98: {  	s23 =	sadd.s32 $0x780, s23;
	[sflag:s20] =	ssyncadd.s32 $0xFFFFF830  }
0x99: {  	[spmem:s2] =	stream.indirect.scatter.add.f32 [tilespmem:s19], [sflag:$0x8], $0x10, s23, s18, $0xb8;
	[tilespmem:$0x5BF0] =	vst v63  }
0x9a: {  	_ =	swait.ge [sflag:s28], $0x7D0  }
0x9b: {  	[sflag:s28] =	ssyncset.done $0x0  }
0x9c: {  	[sflag:s28] =	ssyncadd.s32 $0xFFFFF830  }
0x9d: {  	_ =	swait.ge [sflag:s29], $0x7D0  }
0x9e: {  	[sflag:s29] =	ssyncset.done $0x0  }
0x9f: {  	[sflag:s29] =	ssyncadd.s32 $0xFFFFF830  }
0xa0: {  	_ =	swait.ge [sflag:s30], $0x7D0  }
0xa1: {  	[sflag:s30] =	ssyncset.done $0x0  }
0xa2: {  	[sflag:s30] =	ssyncadd.s32 $0xFFFFF830  }
0xa3: {  	_ =	swait.ge [sflag:s31], $0x7D0  }
0xa4: {  	[sflag:s31] =	ssyncset.done $0x0  }
0xa5: {  	[sflag:s31] =	ssyncadd.s32 $0xFFFFF830  }
0xa6: {  	_ =	swait.ge [sflag:s1], $0x7D0  }
0xa7: {  	[sflag:s1] =	ssyncset.done $0x0  }
0xa8: {  	[sflag:s1] =	ssyncadd.s32 $0xFFFFF830  }
0xa9: {  	_ =	swait.ge [sflag:s3], $0x7D0  }
0xaa: {  	[sflag:s3] =	ssyncset.done $0x0  }
0xab: {  	[sflag:s3] =	ssyncadd.s32 $0xFFFFF830  }
0xac: {  	_ =	swait.ge [sflag:s0], $0x7D0  }
0xad: {  	[sflag:s0] =	ssyncset.done $0x0  }
0xae: {  	[sflag:s0] =	ssyncadd.s32 $0xFFFFF830  }
0xaf: {  	s22 =	stileid.u32;
	_ =	swait.ge [sflag:s20], $0x7D0  }
0xb0: {  	s24 =	sshrl.u32 s5, $0x3;
	s21 =	sadd.s32 $0x1, s21;
	[sflag:s20] =	ssyncset.done $0x0  }
0xb1: {  	s22 =	sshll.u32 s22, $0x6;
	p0 =	sne.s32 s21, s14;
	[sflag:s20] =	ssyncadd.s32 $0xFFFFF830  }
.Ltmp3:
0xb2: {  	s22 =	sor.u32 $0x1C0A, s22;
	[bflag:$0x0] =	sbarrier.arrive $0xFFFF;
	(pc) =	sbr.rel @p0 .LBB2_1-.Ltmp3, $4  }
0xb3: {  	[hbm:s13], [sflag:s22] =	dma.local [spmem:s24], $0x4F0  }
0xb4: {  	_ =	swait.ge [sflag:s15], $0x4F0  }
0xb5: {  	[sflag:s15] =	ssyncset.done $0x0  }
0xb6: {  	[sflag:s15] =	ssyncadd.s32 $0xFFFFFB10  }
0xb7: {  	_ =	sfence.sel $0x180000  }
0xb8: {  	[bflag:$0x0] =	sbarrier.arrive $0xFFFF  }
0xb9: {  	_ =	strace $0x90000047  }
0xba: {  	s0 =	stileid.u32;
	[bflag:$0x2] =	sbarrier.arrive $0xFFFF  }
0xbb: {  	p0 =	sne.s32 s0, $0x0;
	s0 =	rddreg [dreg:$0x2]  }
0xbc: {  	s0 =	sadd.s32 @!p0 $0x100000, s0  }
0xbd: {  	[sflag:s0] =	ssyncadd.tile.s32 @!p0 $0x1;
	_ =	shalt  }
.Lfunc_end2:
_tile_overlayer_lowered:
.L_overlay_start_2:
0xbe: {  	(tag) =	ssettag $0x2  }
0xbf: {  	s0 =	rddreg [dreg:$0x0];
	s2 =	stileid.u32  }
0xc0: {  	s1 =	rddreg [dreg:$0x1];
	p0 =	sne.s32 s2, $0x0  }
0xc1: {  	s3 =	rddreg [dreg:$0x2];
	[bflag:$0x3] =	sbarrier.arrive $0xFFFF;
	s2 =	simm.s32 @!p0 $0x1C0A  }
0xc2: {  	[timem:s3], [sflag:s2] =	dma.local @!p0 [hbm:s0], s1  }
0xc3: {  	s0 =	simm.s32 @!p0 $0xA  }
0xc4: {  	_ =	swait.ge @!p0 [sflag:s0], s1  }
0xc5: {  	s1 =	ssub.s32 @!p0 $0x0, s1;
	[sflag:s0] =	ssyncset.done @!p0 $0x0  }
0xc6: {  	[sflag:s0] =	ssyncadd.s32 @!p0 s1  }
0xc7: {  	[bflag:$0x3] =	sbarrier.arrive $0xFFFF  }
0xc8: {  	_ =	shalt  }

// kernel: kernel.13.cloned.1.call-start
scs
__scs_entry_jumppad:
0x0: {  	(pc) =	sbr.rel $0x88, $3  }
0x1: {  	(tag) =	ssettag $0x0;
	lr =	simm.s32 $0x1  }
0x2: {  	[smem:$0x3F97] =	sst lr;
	_ =	strace $0xD0000000  }
0x3: {  	_ = 	snop  }
0x4: {  	_ = 	snop  }
0x5: {  	_ = 	snop  }
0x6: {  	_ = 	snop  }
0x7: {  	_ = 	snop  }
__scs_overlays_trampoline_lowered:
0x8: {  	[smem:$0x3FA6] =	sst s0  }
0x9: {  	[smem:$0x3FA7] =	sst s1  }
0xa: {  	[smem:$0x3FA8] =	sst s2  }
0xb: {  	[smem:$0x3FA9] =	sst s3  }
0xc: {  	[smem:$0x3FAA] =	sst s4  }
0xd: {  	[smem:$0x3FAB] =	sst s5  }
0xe: {  	[smem:$0x3FAC] =	sst s6  }
0xf: {  	[smem:$0x3FAD] =	sst s7  }
0x10: {  	[smem:$0x3FAE] =	sst s8  }
0x11: {  	[smem:$0x3FAF] =	sst s9;
	s0 =	simm.s32 @!p0 $0x0  }
0x12: {  	s1 =	sld [smem:$0x3F95];
	s0 =	simm.s32 @p0 $0x1  }
0x13: {  	[smem:$0x3FB0] =	sst s0;
	s0 =	simm.s32 @!p1 $0x0  }
0x14: {  	s2 =	sld [smem:$0x3F94];
	s0 =	simm.s32 @p1 $0x1  }
0x15: {  	[smem:$0x3FB1] =	sst s0;
	s0 =	simm.s32 @!p2 $0x0  }
0x16: {  	s3 =	sld [smem:$0x3FDB];
	s0 =	simm.s32 @p2 $0x1  }
0x17: {  	s4 =	simm.s32 $0x1BF5;
	[smem:$0x3FB3] =	sst s0  }
0x18: {  	s0 =	sld [smem:$0x3F96];
	_ =	swait.ge [sflag:s4], $0x0  }
0x19: {  	s7 =	sld [smem:$0x3F97]  }
0x1a: {  	s8 =	sadd.s32 $0xFFFFE003, lr  }
0x1b: {  	s9 =	sadd.s32 $0xFFFFFEF7, lr;
	s5 =	simm.s32 $0xFFFFFFFF;
	p2 =	slt.u32 s8, $0xFFFFF086  }
0x1c: {  	p1 =	slt.u32 s9, $0xF7A;
	s5 =	simm.s32 @!p2 $0x0  }
0x1d: {  	s5 =	simm.s32 @p1 $0x1;
	p0 =	seq.s32 s7, s2  }
0x1e: {  	s7 =	smul.u32 @!p0 $0xF7A, s2;
	p2 =	seq.s32 @!p0 s5, $0x0  }
0x1f: {  	s9 =	smul.u32 $0xF7A, s1;
	s8 =	simm.s32 @!p0 $0x1BF5;
	p2 =	por !p2, p0  }
0x20: {  	[sflag:s8] =	ssyncset.s32 @!p0 $0xFFFFF086;
	s6 =	sadd.s32 @!p0 s3, s7;
	s7 =	simm.s32 @!p0 $0x108  }
0x21: {  	s3 =	sadd.s32 s3, s9;
	s6 =	sadd.s32 @!p0 $0x88, s6;
	s7 =	simm.s32 @p2 $0x1082  }
0x22: {  	[simem:s7], [sflag:s8] =	dma.local @!p0 [hbm:s6], $0xF7A  }
0x23: {  	s9 =	sor.u32 $0xD0000000, s2;
	s6 =	simm.s32 $0x108;
	_ =	swait.ge @!p0 [sflag:s8], $0x0  }
0x24: {  	s3 =	sadd.s32 $0x88, s3;
	s6 =	simm.s32 @!p1 $0x1082;
	[sflag:s4] =	ssyncset.s32 $0xFFFFF086  }
0x25: {  	[simem:s6], [sflag:s4] =	dma.local [hbm:s3], $0xF7A  }
0x26: {  	[smem:$0x3F97] =	sst s1;
	(tag) =	ssettag s2;
	_ =	strace s9  }
0x27: {  	s1 =	sld [smem:$0x3FA7]  }
0x28: {  	s2 =	sld [smem:$0x3FA8]  }
0x29: {  	s4 =	sld [smem:$0x3FAA]  }
0x2a: {  	p0 =	seq.s32 s5, $0x0;
	s5 =	sld [smem:$0x3FAB]  }
0x2b: {  	s6 =	sld [smem:$0x3FAC]  }
0x2c: {  	s7 =	sld [smem:$0x3FAD]  }
0x2d: {  	s3 =	simm.s32 $0x108;
	s8 =	sld [smem:$0x3FAE]  }
0x2e: {  	s3 =	simm.s32 @!p0 $0x1082;
	s9 =	sld [smem:$0x3FAF]  }
0x2f: {  	lr =	sadd.s32 s0, s3;
	s0 =	sld [smem:$0x3FA6]  }
0x30: {  	s3 =	sld [smem:$0x3FA9]  }
0x31: {  	[smem:$0x3FB2] =	sst s10  }
0x32: {  	s10 =	sld [smem:$0x3FB0];
	_ =	sdelay $0x3  }
0x33: {  	p0 =	seq.s32 s10, $0x1;
	s10 =	sld [smem:$0x3FB2];
	_ =	sdelay $0x3  }
0x34: {  	[smem:$0x3FB2] =	sst s10  }
0x35: {  	s10 =	sld [smem:$0x3FB1];
	_ =	sdelay $0x3  }
0x36: {  	p1 =	seq.s32 s10, $0x1;
	s10 =	sld [smem:$0x3FB2];
	_ =	sdelay $0x3  }
0x37: {  	[smem:$0x3FB2] =	sst s10  }
0x38: {  	s10 =	sld [smem:$0x3FB3]  }
0x39: {  	_ = 	snop;
	(pc) =	sbr.ind lr, $3  }
0x3a: {  	_ = 	snop  }
0x3b: {  	_ = 	snop  }
0x3c: {  	p2 =	seq.s32 s10, $0x1;
	s10 =	sld [smem:$0x3FB2]  }
0x3d: {  	_ =	shalt  }
0x3e: {  	_ =	shalt  }
0x3f: {  	_ =	shalt  }
0x40: {  	_ =	shalt  }
0x41: {  	_ =	shalt  }
0x42: {  	_ =	shalt  }
0x43: {  	_ =	shalt  }
0x44: {  	_ =	shalt  }
0x45: {  	_ =	shalt  }
0x46: {  	_ =	shalt  }
0x47: {  	_ =	shalt  }
0x48: {  	_ =	shalt  }
0x49: {  	_ =	shalt  }
0x4a: {  	_ =	shalt  }
0x4b: {  	_ =	shalt  }
0x4c: {  	_ =	shalt  }
0x4d: {  	_ =	shalt  }
0x4e: {  	_ =	shalt  }
0x4f: {  	_ =	shalt  }
0x50: {  	_ =	shalt  }
0x51: {  	_ =	shalt  }
0x52: {  	_ =	shalt  }
0x53: {  	_ =	shalt  }
0x54: {  	_ =	shalt  }
0x55: {  	_ =	shalt  }
0x56: {  	_ =	shalt  }
0x57: {  	_ =	shalt  }
0x58: {  	_ =	shalt  }
0x59: {  	_ =	shalt  }
0x5a: {  	_ =	shalt  }
0x5b: {  	_ =	shalt  }
0x5c: {  	_ =	shalt  }
0x5d: {  	_ =	shalt  }
0x5e: {  	_ =	shalt  }
0x5f: {  	_ =	shalt  }
0x60: {  	_ =	shalt  }
0x61: {  	_ =	shalt  }
0x62: {  	_ =	shalt  }
0x63: {  	_ =	shalt  }
0x64: {  	_ =	shalt  }
0x65: {  	_ =	shalt  }
0x66: {  	_ =	shalt  }
0x67: {  	_ =	shalt  }
0x68: {  	_ =	shalt  }
0x69: {  	_ =	shalt  }
0x6a: {  	_ =	shalt  }
0x6b: {  	_ =	shalt  }
0x6c: {  	_ =	shalt  }
0x6d: {  	_ =	shalt  }
0x6e: {  	_ =	shalt  }
0x6f: {  	_ =	shalt  }
0x70: {  	_ =	shalt  }
0x71: {  	_ =	shalt  }
0x72: {  	_ =	shalt  }
0x73: {  	_ =	shalt  }
0x74: {  	_ =	shalt  }
0x75: {  	_ =	shalt  }
0x76: {  	_ =	shalt  }
0x77: {  	_ =	shalt  }
0x78: {  	_ =	shalt  }
0x79: {  	_ =	shalt  }
0x7a: {  	_ =	shalt  }
0x7b: {  	_ =	shalt  }
0x7c: {  	_ =	shalt  }
0x7d: {  	_ =	shalt  }
0x7e: {  	_ =	shalt  }
0x7f: {  	_ =	shalt  }
0x80: {  	_ =	shalt  }
0x81: {  	_ =	shalt  }
0x82: {  	_ =	shalt  }
0x83: {  	_ =	shalt  }
0x84: {  	_ =	shalt  }
0x85: {  	_ =	shalt  }
0x86: {  	_ =	shalt  }
0x87: {  	_ =	shalt  }
.Lfunc_end0:
.L_simem_size_0:
called_computation.1_lowered:
.L_overlay_start_0:
0x88: {  	s2 =	sld [smem:$0x3FD9]  }
0x89: {  	s3 =	sld [smem:$0x3FFE];
	_ =	sdelay $0x1  }
0x8a: {  	s1 =	srdreg.scid  }
0x8b: {  	s0 =	sand.u32 $0x1, s1  }
0x8c: {  	s17 =	sshll.u32 s0, $0xA;
	s2 =	sadd.s32 s3, s2  }
0x8d: {  	s2 =	sadd.s32 s2, s17  }
0x8e: {  	[smem:$0x3FBE] =	sst s2  }
0x8f: {  	_ = 	snop  }
0x90: {  	s2 =	sld [smem:$0x3FD0];
	(tm) =	ssettm $0x1  }
0x91: {  	s18 =	sld [smem:$0x3FFB];
	_ =	sdelay $0x3  }
0x92: {  	_ =	strace s18  }
0x93: {  	s3 =	sld [smem:$0x3FFC];
	_ =	sdelay $0x3  }
0x94: {  	_ =	strace s3  }
0x95: {  	s3 =	sld [smem:$0x3FFD];
	_ =	sdelay $0x3  }
0x96: {  	_ =	strace s3  }
0x97: {  	_ =	strace $0x8FFFFFFF  }
0x98: {  	s19 =	sld [smem:$0x3FDB];
	_ =	sdelay $0x1  }
0x99: {  	s4 =	simm.s32 $_scs_section_size  }
0x9a: {  	s5 =	simm.s32 $_size__tile_overlayer_lowered;
	s6 =	simm.s32 $_tile_overlayer_lowered  }
0x9b: {  	s22 =	simm.s32 $0x1BFF;
	s21 =	sshll.u32 s6, $0x1;
	s3 =	sadd.s32 s4, s19  }
0x9c: {  	s7 =	simm.s32 $0x0;
	s20 =	sshll.u32 s5, $0x1;
	s5 =	sadd.s32 s21, s3  }
0x9d: {  	[timem:s7], [sflag:s22] =	dma.local [hbm:s5], s20  }
0x9e: {  	_ =	swait.ge [sflag:s22], s20  }
0x9f: {  	s4 =	ssub.s32 $0x0, s20;
	[sflag:s22] =	ssyncset.done $0x0  }
0xa0: {  	[sflag:s22] =	ssyncadd.s32 s4;
	_ =	sdelay $0x1  }
0xa1: {  	s23 =	simm.s32 $0x1B8B  }
0xa2: {  	_ =	swait.ge [sflag:s23], $0x1  }
0xa3: {  	[sflag:s23] =	ssyncset.done $0x0  }
0xa4: {  	s25 =	simm.s32 $0x1B8E;
	s24 =	sld [smem:$0x3FFE];
	[sflag:s23] =	ssyncadd.s32 $0xFFFFFFFF  }
0xa5: {  	s26 =	simm.s32 $execute0_lowered;
	[smem:$0x3FD2] =	sst s25  }
0xa6: {  	s5 =	sshll.u32 s26, $0x1;
	_ =	strace $0x80000049;
	[dreg:$0x1] =	wrdreg $0xFFFFFFFF  }
0xa7: {  	s28 =	simm.s32 $_size_execute0_lowered;
	s3 =	sadd.s32 s3, s5;
	[dreg:$0x0] =	wrdreg $0x0  }
0xa8: {  	s5 =	sshll.u32 s28, $0x1;
	[dreg:$0x2] =	wrdreg s3  }
0xa9: {  	[dreg:$0x3] =	wrdreg s5  }
0xaa: {  	[dreg:$0x4] =	wrdreg $0xC0  }
0xab: {  	_ =	task [dreg:s7], $0x5FFFF  }
0xac: {  	[dreg:$0x1] =	wrdreg $0xFFFFFFFF  }
0xad: {  	[dreg:$0x0] =	wrdreg $0x60  }
0xae: {  	[dreg:$0x2] =	wrdreg s2  }
0xaf: {  	[dreg:$0x3] =	wrdreg s24  }
0xb0: {  	[dreg:$0x4] =	wrdreg $0xBAA00  }
0xb1: {  	[dreg:$0x5] =	wrdreg $0x93800  }
0xb2: {  	[dreg:$0x6] =	wrdreg $0x9  }
0xb3: {  	_ =	task.clear_ibuf [dreg:s7], $0x7FFFF;
	_ =	strace $0x90000049  }
0xb4: {  	s29 =	simm.s32 $0x9;
	_ =	strace $0x8000004B  }
0xb5: {  	_ =	swait.ge [sflag:s29], $0x1  }
0xb6: {  	[sflag:s29] =	ssyncadd.s32 $0xFFFFFFFF  }
0xb7: {  	_ =	strace $0x9000004B  }
0xb8: {  	_ =	sfence  }
0xb9: {  	s30 =	sld [smem:$0x0];
	_ =	sdelay $0x2  }
0xba: {  	s31 =	sshll.u32 s1, $0xD;
	s1 =	sshrl.u32 s1, $0x2  }
0xbb: {  	s3 =	sand.u32 $0x4000, s31;
	s1 =	sadd.s32 s1, s30  }
0xbc: {  	s0 =	sor.u32 s3, s0;
	s1 =	sshll.u32 s1, $0x11  }
0xbd: {  	s0 =	sor.u32 s1, s0  }
0xbe: {  	s0 =	sadd.s32 $0x8F2B, s0  }
0xbf: {  	[sflag:s0] =	ssyncadd.remote.s32 $0x1  }
0xc0: {  	_ =	sfence.sel $0xFFFF  }
0xc1: {  	[dreg:$0x0] =	wrdreg $0xFFFFFFFF;
	(pc) =	sbr.abs _section_cstart, $3  }
0xc2: {  	[dreg:$0x1] =	wrdreg $0xFFFFFFFF  }
0xc3: {  	_ =	task.clear_ibuf [dreg:s7], $0x2FFFF;
	_ =	strace $0x9FFFFFFF  }
0xc4: {  	(tm) =	ssettm $0x7FFFFFFF  }
0xc5: {  	_ =	shalt  }
tec
execute0_lowered:
.L_overlay_start_1:
0x0: {  	(tag) =	ssettag $0x1  }
0x1: {  	s0 =	rddreg [dreg:$0x0]  }
0x2: {  	s1 =	rddreg [dreg:$0x1]  }
0x3: {  	s2 =	rddreg [dreg:$0x2]  }
0x4: {  	s3 =	rddreg [dreg:$0x3]  }
0x5: {  	s9 =	stileid.u32;
	s4 =	srdreg.scid;
	s10 =	simm.s32 $0x0  }
0x6: {  	s28 =	simm.s32 $0x5000;
	s30 =	simm.s32 $0x57D0;
	s29 =	simm.s32 $0x1  }
0x7: {  	s31 =	simm.s32 $0x6F40;
	s11 =	simm.s32 $0x9;
	s5 =	smul.u32 $0x271, s9  }
0x8: {  	s4 =	sand.u32 $0x1, s4;
	s6 =	sshll.u32 s9, $0x1;
	[smem:$0x7FF] =	sst s10  }
0x9: {  	s25 =	sshll.u32 s9, $0x6;
	s9 =	simm.s32 $0x86B0;
	s10 =	simm.s32 $0x5  }
0xa: {  	s7 =	smul.u32 $0x27100, s4;
	s6 =	sor.u32 s4, s6;
	_ =	strace $0x8000004A  }
0xb: {  	s4 =	ssub.s32 $0x2, s4;
	[dreg:$0x12] =	wrdreg s25;
	s5 =	sshrl.u32 s5, $0x3  }
0xc: {  	s12 =	sshrl.u32 s4, $0x1;
	s8 =	sshll.u32 s5, $0x7;
	s5 =	sshll.u32 s5, $0x4  }
0xd: {  	s6 =	smul.u32 $0x500, s6;
	s4 =	ssub.s32 s4, s12;
	s0 =	sadd.s32 s0, s5  }
0xe: {  	s12 =	simm.s32 $0x7;
	s24 =	smax.u32 s4, $0x1;
	[dreg:$0x8] =	wrdreg s0  }
0xf: {  	s6 =	sadd.s32 s6, s1;
	s21 =	sadd.s32 s8, s3;
	[dreg:$0x11] =	wrdreg s24  }
0x10: {  	s7 =	sadd.s32 s7, s8;
	s13 =	sadd.s32 $0x2800, s6;
	[dreg:$0x7] =	wrdreg s21  }
0x11: {  	s14 =	sadd.s32 s8, s2;
	s6 =	sadd.s32 $0x16600, s6;
	[dreg:$0x5] =	wrdreg s13  }
0x12: {  	s4 =	simm.s32 $0x7710;
	s15 =	sadd.s32 $0x500, s21;
	[dreg:$0x6] =	wrdreg s6  }
0x13: {  	s5 =	simm.s32 $0x3;
	s16 =	sadd.s32 $0xA00, s21;
	[dreg:$0x9] =	wrdreg s15  }
0x14: {  	s8 =	simm.s32 $0x4;
	s17 =	sadd.s32 $0xF00, s21;
	[dreg:$0xa] =	wrdreg s16  }
0x15: {  	s7 =	sshrl.u32 s7, $0x3;
	s18 =	sadd.s32 $0x1400, s21;
	[dreg:$0xb] =	wrdreg s17  }
0x16: {  	s19 =	sadd.s32 $0x1900, s21;
	s20 =	sadd.s32 $0x1E00, s21;
	[dreg:$0xc] =	wrdreg s18  }
0x17: {  	s22 =	sadd.s32 $0x2300, s21;
	s0 =	sor.u32 $0x1C12, s25;
	[dreg:$0xd] =	wrdreg s19  }
0x18: {  	s26 =	sshrl.u32 s14, $0x3;
	s24 =	simm.s32 $0x11;
	[dreg:$0xe] =	wrdreg s20  }
0x19: {  	s14 =	simm.s32 $0x8;
	s1 =	sadd.s32 s7, s1;
	[dreg:$0xf] =	wrdreg s22  }
.Ltmp0:
0x1a: {  	s18 =	simm.s32 $0x13;
	[dreg:$0x13] =	wrdreg s0;
	(pc) =	sbr.rel .LBB2_1-.Ltmp0, $4  }
0x1b: {  	[dreg:$0x14] =	wrdreg s26;
	s26 =	simm.s32 $0x7D;
	s20 =	simm.s32 $0x6770  }
0x1c: {  	s0 =	simm.s32 $0x2;
	s6 =	simm.s32 $0x7EE0;
	s13 =	simm.s32 $0xB  }
0x1d: {  	s15 =	simm.s32 $0xC;
	s19 =	simm.s32 $0x0;
	s23 =	sadd.s32 $0xC800, s1  }
0x1e: {  	v0 =	vimm.f32 $0.0e+00;
	s1 =	simm.s32 $0x5FA0;
	[dreg:$0x10] =	wrdreg s23;
	s23 =	simm.s32 $0x8E80  }
.LBB2_6:
0x1f: {  	_ =	swait.ge [sflag:s14], $0x7D0  }
0x20: {  	[sflag:s14] =	ssyncset.done $0x0  }
0x21: {  	[sflag:s14] =	ssyncadd.s32 $0xFFFFF830  }
0x22: {  	[spmem:s3] =	stream.indirect.scatter.add.f32 [tilespmem:s9], [sflag:$0x10], $0x10, s17, s26, $0xb8;
	[tilespmem:$0xE1B0] =	vst v63  }
0x23: {  	_ =	swait.ge [sflag:s15], $0x7D0  }
0x24: {  	[sflag:s15] =	ssyncset.done $0x0  }
0x25: {  	s7 =	simm.s32 $0xD;
	[sflag:s15] =	ssyncadd.s32 $0xFFFFF830  }
0x26: {  	_ =	swait.ge [sflag:s7], $0x7D0  }
0x27: {  	[sflag:s7] =	ssyncset.done $0x0  }
0x28: {  	s25 =	simm.s32 $0xE;
	[sflag:s7] =	ssyncadd.s32 $0xFFFFF830  }
0x29: {  	_ =	swait.ge [sflag:s25], $0x7D0  }
0x2a: {  	[sflag:s25] =	ssyncset.done $0x0  }
0x2b: {  	s16 =	simm.s32 $0xF;
	[sflag:s25] =	ssyncadd.s32 $0xFFFFF830  }
0x2c: {  	_ =	swait.ge [sflag:s16], $0x7D0  }
0x2d: {  	[sflag:s16] =	ssyncset.done $0x0  }
0x2e: {  	s17 =	simm.s32 $0x10;
	[sflag:s16] =	ssyncadd.s32 $0xFFFFF830  }
0x2f: {  	_ =	swait.ge [sflag:s17], $0x7D0  }
0x30: {  	[sflag:s17] =	ssyncset.done $0x0  }
0x31: {  	[sflag:s17] =	ssyncadd.s32 $0xFFFFF830  }
0x32: {  	[bflag:$0x0] =	sbarrier.arrive $0xFFFF  }
0x33: {  	s21 =	rddreg [dreg:$0x12]  }
0x34: {  	s7 =	sor.u32 $0x1C13, s21;
	s21 =	rddreg [dreg:$0x7]  }
0x35: {  	s22 =	rddreg [dreg:$0x10];
	s16 =	sshrl.u32 s21, $0x3  }
0x36: {  	[hbm:s22], [sflag:s7] =	dma.local [spmem:s16], $0x4F0  }
0x37: {  	_ =	swait.ge [sflag:s18], $0x4F0  }
0x38: {  	s19 =	sadd.s32 $0x1, s19;
	s25 =	rddreg [dreg:$0x11]  }
0x39: {  	p0 =	sne.s32 s19, s25  }
.Ltmp1:
0x3a: {  	_ = 	snop;
	(pc) =	sbr.rel @!p0 .LBB2_7-.Ltmp1, $3  }
0x3b: {  	_ =	sdelay $0x1  }
0x3c: {  	[sflag:s18] =	ssyncset.done $0x0  }
0x3d: {  	[sflag:s18] =	ssyncadd.s32 $0xFFFFFB10  }
.LBB2_1:
0x3e: {  	s7 =	simm.s32 $0x0;
	s16 =	rddreg [dreg:$0x5]  }
0x3f: {  	[tilespmem:s7], [sflag:$0x13] =	stream.linear.gather [hbm4b:s16+s7], $0x2800, $0x38;
	[tilespmem:$0xE1B0] =	vst v63  }
0x40: {  	_ =	swait.ge [sflag:s18], $0x2800  }
0x41: {  	[sflag:s18] =	ssyncset.done $0x0  }
0x42: {  	s17 =	simm.s32 $0x2800;
	s25 =	rddreg [dreg:$0x6];
	[sflag:s18] =	ssyncadd.s32 $0xFFFFD800  }
0x43: {  	[tilespmem:s17], [sflag:$0x13] =	stream.linear.gather [hbm4b:s25+s7], $0x2800, $0x38;
	[tilespmem:$0xE1B0] =	vst v63  }
0x44: {  	_ =	swait.ge [sflag:s18], $0x2800  }
0x45: {  	s17 =	rddreg [dreg:$0x8]  }
0x46: {  	[sflag:s18] =	ssyncset.done $0x0;
	s22 =	rddreg [dreg:$0x13]  }
0x47: {  	s25 =	rddreg [dreg:$0x14];
	[sflag:s18] =	ssyncadd.s32 $0xFFFFD800  }
0x48: {  	[spmem:s25], [sflag:s22] =	dma.local [hbm:s17], $0x4F0  }
0x49: {  	s16 =	simm.s32 $0x40;
	s17 =	simm.s32 $0x0  }
.LBB2_2:
0x4a: {  	p0 =	sne.s32 s16, $0x13C0;
	[tilespmem:s17+$0x8E80] =	vst v0;
	s17 =	smov.u32 s16;
	s16 =	sadd.s32 $0x40, s16  }
.Ltmp2:
0x4b: {  	(pc) =	sbr.rel @p0 .LBB2_2-.Ltmp2, $2  }
0x4c: {  	_ =	sdelay $0x2  }
0x4d: {  	s17 =	sshra.s32 s17, $0x2  }
0x4e: {  	[tilespmem:s17+$0x8E80] =	vst v0  }
0x4f: {  	[spmem:s21] =	stream.linear.scatter [tilespmem:s23], [sflag:$0x11], $0x500, $0x38;
	[tilespmem:$0xE1B0] =	vst v63  }
0x50: {  	s7 =	rddreg [dreg:$0x9]  }
0x51: {  	[spmem:s7] =	stream.linear.scatter [tilespmem:s23], [sflag:$0x11], $0x500, $0x38;
	[tilespmem:$0xE1B0] =	vst v63  }
0x52: {  	s25 =	rddreg [dreg:$0xa]  }
0x53: {  	[spmem:s25] =	stream.linear.scatter [tilespmem:s23], [sflag:$0x11], $0x500, $0x38;
	[tilespmem:$0xE1B0] =	vst v63  }
0x54: {  	s16 =	rddreg [dreg:$0xb]  }
0x55: {  	[spmem:s16] =	stream.linear.scatter [tilespmem:s23], [sflag:$0x11], $0x500, $0x38;
	[tilespmem:$0xE1B0] =	vst v63  }
0x56: {  	s17 =	rddreg [dreg:$0xc]  }
0x57: {  	[spmem:s17] =	stream.linear.scatter [tilespmem:s23], [sflag:$0x11], $0x500, $0x38;
	[tilespmem:$0xE1B0] =	vst v63  }
0x58: {  	s21 =	rddreg [dreg:$0xd]  }
0x59: {  	[spmem:s21] =	stream.linear.scatter [tilespmem:s23], [sflag:$0x11], $0x500, $0x38;
	[tilespmem:$0xE1B0] =	vst v63  }
0x5a: {  	s22 =	rddreg [dreg:$0xe]  }
0x5b: {  	[spmem:s22] =	stream.linear.scatter [tilespmem:s23], [sflag:$0x11], $0x500, $0x38;
	[tilespmem:$0xE1B0] =	vst v63  }
0x5c: {  	s25 =	rddreg [dreg:$0xf]  }
0x5d: {  	[spmem:s25] =	stream.linear.scatter [tilespmem:s23], [sflag:$0x11], $0x500, $0x38;
	[tilespmem:$0xE1B0] =	vst v63  }
0x5e: {  	_ =	swait.ge [sflag:s24], $0x500  }
0x5f: {  	[sflag:s24] =	ssyncset.done $0x0  }
0x60: {  	[sflag:s24] =	ssyncadd.s32 $0xFFFFFB00  }
0x61: {  	_ =	swait.ge [sflag:s24], $0x500  }
0x62: {  	[sflag:s24] =	ssyncset.done $0x0  }
0x63: {  	[sflag:s24] =	ssyncadd.s32 $0xFFFFFB00  }
0x64: {  	_ =	swait.ge [sflag:s24], $0x500  }
0x65: {  	[sflag:s24] =	ssyncset.done $0x0  }
0x66: {  	[sflag:s24] =	ssyncadd.s32 $0xFFFFFB00  }
0x67: {  	_ =	swait.ge [sflag:s24], $0x500  }
0x68: {  	[sflag:s24] =	ssyncset.done $0x0  }
0x69: {  	[sflag:s24] =	ssyncadd.s32 $0xFFFFFB00  }
0x6a: {  	_ =	swait.ge [sflag:s24], $0x500  }
0x6b: {  	[sflag:s24] =	ssyncset.done $0x0  }
0x6c: {  	[sflag:s24] =	ssyncadd.s32 $0xFFFFFB00  }
0x6d: {  	_ =	swait.ge [sflag:s24], $0x500  }
0x6e: {  	[sflag:s24] =	ssyncset.done $0x0  }
0x6f: {  	[sflag:s24] =	ssyncadd.s32 $0xFFFFFB00  }
0x70: {  	_ =	swait.ge [sflag:s24], $0x500  }
0x71: {  	[sflag:s24] =	ssyncset.done $0x0  }
0x72: {  	[sflag:s24] =	ssyncadd.s32 $0xFFFFFB00  }
0x73: {  	_ =	swait.ge [sflag:s24], $0x500  }
0x74: {  	[sflag:s24] =	ssyncset.done $0x0  }
0x75: {  	s16 =	simm.s32 $0x12;
	[sflag:s24] =	ssyncadd.s32 $0xFFFFFB00  }
0x76: {  	_ =	swait.ge [sflag:s16], $0x4F0  }
0x77: {  	[sflag:s16] =	ssyncset.done $0x0  }
0x78: {  	[sflag:s16] =	ssyncadd.s32 $0xFFFFFB10  }
0x79: {  	s25 =	simm.s32 $0x0;
	[bflag:$0x0] =	sbarrier.arrive $0xFFFF  }
0x7a: {  	[tilespmem:s28], [sflag:$0x1] =	stream.indirect.gather [spmem:s2], $0x10, s25, s26, $0xb8;
	[tilespmem:$0xE1B0] =	vst v63  }
0x7b: {  	s17 =	simm.s32 $0x80  }
0x7c: {  	[tilespmem:s30], [sflag:$0x2] =	stream.indirect.gather [spmem:s2], $0x10, s17, s26, $0xb8;
	[tilespmem:$0xE1B0] =	vst v63  }
0x7d: {  	s21 =	simm.s32 $0x100  }
0x7e: {  	[tilespmem:s1], [sflag:$0x3] =	stream.indirect.gather [spmem:s2], $0x10, s21, s26, $0xb8;
	[tilespmem:$0xE1B0] =	vst v63  }
0x7f: {  	s22 =	simm.s32 $0x180  }
0x80: {  	[tilespmem:s20], [sflag:$0x4] =	stream.indirect.gather [spmem:s2], $0x10, s22, s26, $0xb8;
	[tilespmem:$0xE1B0] =	vst v63  }
.LBB2_4:
0x81: {  	_ =	swait.ge [sflag:s29], $0x7D0  }
0x82: {  	s16 =	sshra.s32 s25, $0x2;
	[sflag:s29] =	ssyncset.done $0x0  }
0x83: {  	p0 =	seq.s32 s25, $0x0;
	s17 =	sadd.s32 $0x2800, s16;
	[sflag:s29] =	ssyncadd.s32 $0xFFFFF830  }
0x84: {  	[spmem:s3] =	stream.indirect.scatter.add.f32 [tilespmem:s28], [sflag:$0x9], $0x10, s17, s26, $0xb8;
	[tilespmem:$0xE1B0] =	vst v63  }
0x85: {  	s17 =	simm.s32 @!p0 $0xD  }
0x86: {  	_ =	swait.ge @!p0 [sflag:s17], $0x7D0  }
0x87: {  	[sflag:s17] =	ssyncset.done @!p0 $0x0  }
0x88: {  	s7 =	sadd.s32 $0x200, s16;
	[sflag:s17] =	ssyncadd.s32 @!p0 $0xFFFFF830  }
0x89: {  	[tilespmem:s31], [sflag:$0x5] =	stream.indirect.gather [spmem:s2], $0x10, s7, s26, $0xb8;
	[tilespmem:$0xE1B0] =	vst v63  }
0x8a: {  	_ =	swait.ge [sflag:s0], $0x7D0  }
0x8b: {  	[sflag:s0] =	ssyncset.done $0x0  }
0x8c: {  	s21 =	sadd.s32 $0x2880, s16;
	s17 =	simm.s32 @!p0 $0xE;
	[sflag:s0] =	ssyncadd.s32 $0xFFFFF830  }
0x8d: {  	[spmem:s3] =	stream.indirect.scatter.add.f32 [tilespmem:s30], [sflag:$0xA], $0x10, s21, s26, $0xb8;
	[tilespmem:$0xE1B0] =	vst v63  }
0x8e: {  	_ =	swait.ge @!p0 [sflag:s17], $0x7D0  }
0x8f: {  	[sflag:s17] =	ssyncset.done @!p0 $0x0  }
0x90: {  	s22 =	sadd.s32 $0x280, s16;
	[sflag:s17] =	ssyncadd.s32 @!p0 $0xFFFFF830  }
0x91: {  	[tilespmem:s4], [sflag:$0x6] =	stream.indirect.gather [spmem:s2], $0x10, s22, s26, $0xb8;
	[tilespmem:$0xE1B0] =	vst v63  }
0x92: {  	_ =	swait.ge [sflag:s5], $0x7D0  }
0x93: {  	[sflag:s5] =	ssyncset.done $0x0  }
0x94: {  	s7 =	sadd.s32 $0x2900, s16;
	s17 =	simm.s32 @!p0 $0xF;
	[sflag:s5] =	ssyncadd.s32 $0xFFFFF830  }
0x95: {  	[spmem:s3] =	stream.indirect.scatter.add.f32 [tilespmem:s1], [sflag:$0xB], $0x10, s7, s26, $0xb8;
	[tilespmem:$0xE1B0] =	vst v63  }
0x96: {  	_ =	swait.ge @!p0 [sflag:s17], $0x7D0  }
0x97: {  	[sflag:s17] =	ssyncset.done @!p0 $0x0  }
0x98: {  	s21 =	sadd.s32 $0x300, s16;
	[sflag:s17] =	ssyncadd.s32 @!p0 $0xFFFFF830  }
0x99: {  	[tilespmem:s6], [sflag:$0x7] =	stream.indirect.gather [spmem:s2], $0x10, s21, s26, $0xb8;
	[tilespmem:$0xE1B0] =	vst v63  }
0x9a: {  	_ =	swait.ge [sflag:s8], $0x7D0  }
0x9b: {  	[sflag:s8] =	ssyncset.done $0x0  }
0x9c: {  	s22 =	sadd.s32 $0x2980, s16;
	s17 =	simm.s32 @!p0 $0x10;
	[sflag:s8] =	ssyncadd.s32 $0xFFFFF830  }
0x9d: {  	[spmem:s3] =	stream.indirect.scatter.add.f32 [tilespmem:s20], [sflag:$0xC], $0x10, s22, s26, $0xb8;
	[tilespmem:$0xE1B0] =	vst v63  }
0x9e: {  	_ =	swait.ge @!p0 [sflag:s17], $0x7D0  }
0x9f: {  	[sflag:s17] =	ssyncset.done @!p0 $0x0  }
0xa0: {  	s7 =	sadd.s32 $0x380, s16;
	[sflag:s17] =	ssyncadd.s32 @!p0 $0xFFFFF830  }
0xa1: {  	[tilespmem:s9], [sflag:$0x8] =	stream.indirect.gather [spmem:s2], $0x10, s7, s26, $0xb8;
	[tilespmem:$0xE1B0] =	vst v63  }
0xa2: {  	_ =	swait.ge [sflag:s10], $0x7D0  }
0xa3: {  	[sflag:s10] =	ssyncset.done $0x0  }
0xa4: {  	s21 =	sadd.s32 $0x2A00, s16;
	[sflag:s10] =	ssyncadd.s32 $0xFFFFF830  }
0xa5: {  	[spmem:s3] =	stream.indirect.scatter.add.f32 [tilespmem:s31], [sflag:$0xD], $0x10, s21, s26, $0xb8;
	[tilespmem:$0xE1B0] =	vst v63  }
0xa6: {  	_ =	swait.ge [sflag:s11], $0x7D0  }
0xa7: {  	p0 =	seq.s32 s25, $0x9000;
	[sflag:s11] =	ssyncset.done $0x0  }
0xa8: {  	s17 =	simm.s32 @p0 $0x6;
	[sflag:s11] =	ssyncadd.s32 $0xFFFFF830  }
0xa9: {  	_ =	swait.ge @p0 [sflag:s17], $0x7D0  }
0xaa: {  	[sflag:s17] =	ssyncset.done @p0 $0x0  }
0xab: {  	[sflag:s17] =	ssyncadd.s32 @p0 $0xFFFFF830;
	s17 =	sshra.s32 @p0 s25, $0x2  }
0xac: {  	s22 =	simm.s32 @p0 $0x7710;
	s21 =	simm.s32 @p0 $0x7D;
	s17 =	sadd.s32 @p0 $0x2A80, s17  }
0xad: {  	[spmem:s3] =	stream.indirect.scatter.add.f32 @p0 [tilespmem:s22], [sflag:$0xE], $0x10, s17, s21, $0xb8;
	[tilespmem:$0xE1B0] =	vst v63  }
0xae: {  	s17 =	simm.s32 @p0 $0xA  }
0xaf: {  	_ =	swait.ge @p0 [sflag:s17], $0x7D0  }
0xb0: {  	[sflag:s17] =	ssyncset.done @p0 $0x0  }
0xb1: {  	[sflag:s17] =	ssyncadd.s32 @p0 $0xFFFFF830;
	s17 =	sshra.s32 @!p0 s25, $0x2  }
0xb2: {  	s7 =	simm.s32 @!p0 $0x5000;
	s22 =	simm.s32 @!p0 $0x7D;
	s21 =	sadd.s32 @!p0 $0x400, s17  }
0xb3: {  	[tilespmem:s7], [sflag:$0x1] =	stream.indirect.gather @!p0 [spmem:s2], $0x10, s21, s22, $0xb8;
	[tilespmem:$0xE1B0] =	vst v63  }
0xb4: {  	s7 =	simm.s32 @!p0 $0x6  }
0xb5: {  	_ =	swait.ge @!p0 [sflag:s7], $0x7D0  }
0xb6: {  	[sflag:s7] =	ssyncset.done @!p0 $0x0  }
0xb7: {  	s21 =	simm.s32 @!p0 $0x7710;
	[sflag:s7] =	ssyncadd.s32 @!p0 $0xFFFFF830;
	s7 =	sadd.s32 @!p0 $0x2A80, s17  }
0xb8: {  	[spmem:s3] =	stream.indirect.scatter.add.f32 @!p0 [tilespmem:s21], [sflag:$0xE], $0x10, s7, s22, $0xb8;
	[tilespmem:$0xE1B0] =	vst v63  }
0xb9: {  	s7 =	simm.s32 @!p0 $0xA  }
0xba: {  	_ =	swait.ge @!p0 [sflag:s7], $0x7D0  }
0xbb: {  	[sflag:s7] =	ssyncset.done @!p0 $0x0  }
0xbc: {  	[sflag:s7] =	ssyncadd.s32 @!p0 $0xFFFFF830;
	s7 =	sadd.s32 @!p0 $0x480, s17;
	s17 =	simm.s32 @!p0 $0x57D0  }
0xbd: {  	[tilespmem:s17], [sflag:$0x2] =	stream.indirect.gather @!p0 [spmem:s2], $0x10, s7, s22, $0xb8;
	[tilespmem:$0xE1B0] =	vst v63  }
0xbe: {  	_ =	swait.ge [sflag:s12], $0x7D0  }
0xbf: {  	[sflag:s12] =	ssyncset.done $0x0  }
.Ltmp3:
0xc0: {  	s22 =	sadd.s32 $0x2B00, s16;
	[sflag:s12] =	ssyncadd.s32 $0xFFFFF830;
	(pc) =	sbr.rel @p0 .LBB2_6-.Ltmp3, $4  }
0xc1: {  	[spmem:s3] =	stream.indirect.scatter.add.f32 [tilespmem:s6], [sflag:$0xF], $0x10, s22, s26, $0xb8;
	[tilespmem:$0xE1B0] =	vst v63  }
0xc2: {  	_ =	swait.ge [sflag:s13], $0x7D0  }
0xc3: {  	[sflag:s13] =	ssyncset.done $0x0  }
0xc4: {  	s17 =	sadd.s32 $0x2B80, s16;
	[sflag:s13] =	ssyncadd.s32 $0xFFFFF830  }
0xc5: {  	s7 =	sadd.s32 $0x500, s16  }
0xc6: {  	[tilespmem:s1], [sflag:$0x3] =	stream.indirect.gather [spmem:s2], $0x10, s7, s26, $0xb8;
	[tilespmem:$0xE1B0] =	vst v63  }
0xc7: {  	_ =	swait.ge [sflag:s14], $0x7D0  }
0xc8: {  	[sflag:s14] =	ssyncset.done $0x0  }
0xc9: {  	[sflag:s14] =	ssyncadd.s32 $0xFFFFF830  }
0xca: {  	[spmem:s3] =	stream.indirect.scatter.add.f32 [tilespmem:s9], [sflag:$0x10], $0x10, s17, s26, $0xb8;
	[tilespmem:$0xE1B0] =	vst v63  }
.Ltmp4:
0xcb: {  	_ = 	snop;
	(pc) =	sbr.rel .LBB2_4-.Ltmp4, $4  }
0xcc: {  	_ =	swait.ge [sflag:s15], $0x7D0  }
0xcd: {  	[sflag:s15] =	ssyncset.done $0x0  }
0xce: {  	s22 =	sadd.s32 $0x580, s16;
	s25 =	sadd.s32 $0x1000, s25;
	[sflag:s15] =	ssyncadd.s32 $0xFFFFF830  }
0xcf: {  	[tilespmem:s20], [sflag:$0x4] =	stream.indirect.gather [spmem:s2], $0x10, s22, s26, $0xb8;
	[tilespmem:$0xE1B0] =	vst v63  }
.LBB2_7:
0xd0: {  	_ =	sfence.sel $0x180000  }
0xd1: {  	[bflag:$0x0] =	sbarrier.arrive $0xFFFF  }
0xd2: {  	_ =	strace $0x9000004A  }
0xd3: {  	s0 =	stileid.u32;
	[bflag:$0x2] =	sbarrier.arrive $0xFFFF  }
0xd4: {  	p0 =	sne.s32 s0, $0x0;
	s0 =	rddreg [dreg:$0x4]  }
0xd5: {  	s0 =	sadd.s32 @!p0 $0x100000, s0  }
0xd6: {  	[sflag:s0] =	ssyncadd.tile.s32 @!p0 $0x1;
	_ =	shalt  }
.Lfunc_end2:
_tile_overlayer_lowered:
.L_overlay_start_2:
0xd7: {  	(tag) =	ssettag $0x2  }
0xd8: {  	s0 =	rddreg [dreg:$0x0];
	s2 =	stileid.u32  }
0xd9: {  	s1 =	rddreg [dreg:$0x1];
	p0 =	sne.s32 s2, $0x0  }
0xda: {  	s3 =	rddreg [dreg:$0x2];
	[bflag:$0x3] =	sbarrier.arrive $0xFFFF;
	s2 =	simm.s32 @!p0 $0x1C13  }
0xdb: {  	[timem:s3], [sflag:s2] =	dma.local @!p0 [hbm:s0], s1  }
0xdc: {  	s0 =	simm.s32 @!p0 $0x13  }
0xdd: {  	_ =	swait.ge @!p0 [sflag:s0], s1  }
0xde: {  	s1 =	ssub.s32 @!p0 $0x0, s1;
	[sflag:s0] =	ssyncset.done @!p0 $0x0  }
0xdf: {  	[sflag:s0] =	ssyncadd.s32 @!p0 s1  }
0xe0: {  	[bflag:$0x3] =	sbarrier.arrive $0xFFFF  }
0xe1: {  	_ =	shalt  }

// kernel: kernel.16.cloned.1.call-start
scs
__scs_entry_jumppad:
0x0: {  	(pc) =	sbr.rel $0x88, $3  }
0x1: {  	(tag) =	ssettag $0x0;
	lr =	simm.s32 $0x1  }
0x2: {  	[smem:$0x3F97] =	sst lr;
	_ =	strace $0xD0000000  }
0x3: {  	_ = 	snop  }
0x4: {  	_ = 	snop  }
0x5: {  	_ = 	snop  }
0x6: {  	_ = 	snop  }
0x7: {  	_ = 	snop  }
__scs_overlays_trampoline_lowered:
0x8: {  	[smem:$0x3FA6] =	sst s0  }
0x9: {  	[smem:$0x3FA7] =	sst s1  }
0xa: {  	[smem:$0x3FA8] =	sst s2  }
0xb: {  	[smem:$0x3FA9] =	sst s3  }
0xc: {  	[smem:$0x3FAA] =	sst s4  }
0xd: {  	[smem:$0x3FAB] =	sst s5  }
0xe: {  	[smem:$0x3FAC] =	sst s6  }
0xf: {  	[smem:$0x3FAD] =	sst s7  }
0x10: {  	[smem:$0x3FAE] =	sst s8  }
0x11: {  	[smem:$0x3FAF] =	sst s9;
	s0 =	simm.s32 @!p0 $0x0  }
0x12: {  	s1 =	sld [smem:$0x3F95];
	s0 =	simm.s32 @p0 $0x1  }
0x13: {  	[smem:$0x3FB0] =	sst s0;
	s0 =	simm.s32 @!p1 $0x0  }
0x14: {  	s2 =	sld [smem:$0x3F94];
	s0 =	simm.s32 @p1 $0x1  }
0x15: {  	[smem:$0x3FB1] =	sst s0;
	s0 =	simm.s32 @!p2 $0x0  }
0x16: {  	s3 =	sld [smem:$0x3FDB];
	s0 =	simm.s32 @p2 $0x1  }
0x17: {  	s4 =	simm.s32 $0x1BF5;
	[smem:$0x3FB3] =	sst s0  }
0x18: {  	s0 =	sld [smem:$0x3F96];
	_ =	swait.ge [sflag:s4], $0x0  }
0x19: {  	s7 =	sld [smem:$0x3F97]  }
0x1a: {  	s8 =	sadd.s32 $0xFFFFE003, lr  }
0x1b: {  	s9 =	sadd.s32 $0xFFFFFEF7, lr;
	s5 =	simm.s32 $0xFFFFFFFF;
	p2 =	slt.u32 s8, $0xFFFFF086  }
0x1c: {  	p1 =	slt.u32 s9, $0xF7A;
	s5 =	simm.s32 @!p2 $0x0  }
0x1d: {  	s5 =	simm.s32 @p1 $0x1;
	p0 =	seq.s32 s7, s2  }
0x1e: {  	s7 =	smul.u32 @!p0 $0xF7A, s2;
	p2 =	seq.s32 @!p0 s5, $0x0  }
0x1f: {  	s9 =	smul.u32 $0xF7A, s1;
	s8 =	simm.s32 @!p0 $0x1BF5;
	p2 =	por !p2, p0  }
0x20: {  	[sflag:s8] =	ssyncset.s32 @!p0 $0xFFFFF086;
	s6 =	sadd.s32 @!p0 s3, s7;
	s7 =	simm.s32 @!p0 $0x108  }
0x21: {  	s3 =	sadd.s32 s3, s9;
	s6 =	sadd.s32 @!p0 $0x88, s6;
	s7 =	simm.s32 @p2 $0x1082  }
0x22: {  	[simem:s7], [sflag:s8] =	dma.local @!p0 [hbm:s6], $0xF7A  }
0x23: {  	s9 =	sor.u32 $0xD0000000, s2;
	s6 =	simm.s32 $0x108;
	_ =	swait.ge @!p0 [sflag:s8], $0x0  }
0x24: {  	s3 =	sadd.s32 $0x88, s3;
	s6 =	simm.s32 @!p1 $0x1082;
	[sflag:s4] =	ssyncset.s32 $0xFFFFF086  }
0x25: {  	[simem:s6], [sflag:s4] =	dma.local [hbm:s3], $0xF7A  }
0x26: {  	[smem:$0x3F97] =	sst s1;
	(tag) =	ssettag s2;
	_ =	strace s9  }
0x27: {  	s1 =	sld [smem:$0x3FA7]  }
0x28: {  	s2 =	sld [smem:$0x3FA8]  }
0x29: {  	s4 =	sld [smem:$0x3FAA]  }
0x2a: {  	p0 =	seq.s32 s5, $0x0;
	s5 =	sld [smem:$0x3FAB]  }
0x2b: {  	s6 =	sld [smem:$0x3FAC]  }
0x2c: {  	s7 =	sld [smem:$0x3FAD]  }
0x2d: {  	s3 =	simm.s32 $0x108;
	s8 =	sld [smem:$0x3FAE]  }
0x2e: {  	s3 =	simm.s32 @!p0 $0x1082;
	s9 =	sld [smem:$0x3FAF]  }
0x2f: {  	lr =	sadd.s32 s0, s3;
	s0 =	sld [smem:$0x3FA6]  }
0x30: {  	s3 =	sld [smem:$0x3FA9]  }
0x31: {  	[smem:$0x3FB2] =	sst s10  }
0x32: {  	s10 =	sld [smem:$0x3FB0];
	_ =	sdelay $0x3  }
0x33: {  	p0 =	seq.s32 s10, $0x1;
	s10 =	sld [smem:$0x3FB2];
	_ =	sdelay $0x3  }
0x34: {  	[smem:$0x3FB2] =	sst s10  }
0x35: {  	s10 =	sld [smem:$0x3FB1];
	_ =	sdelay $0x3  }
0x36: {  	p1 =	seq.s32 s10, $0x1;
	s10 =	sld [smem:$0x3FB2];
	_ =	sdelay $0x3  }
0x37: {  	[smem:$0x3FB2] =	sst s10  }
0x38: {  	s10 =	sld [smem:$0x3FB3]  }
0x39: {  	_ = 	snop;
	(pc) =	sbr.ind lr, $3  }
0x3a: {  	_ = 	snop  }
0x3b: {  	_ = 	snop  }
0x3c: {  	p2 =	seq.s32 s10, $0x1;
	s10 =	sld [smem:$0x3FB2]  }
0x3d: {  	_ =	shalt  }
0x3e: {  	_ =	shalt  }
0x3f: {  	_ =	shalt  }
0x40: {  	_ =	shalt  }
0x41: {  	_ =	shalt  }
0x42: {  	_ =	shalt  }
0x43: {  	_ =	shalt  }
0x44: {  	_ =	shalt  }
0x45: {  	_ =	shalt  }
0x46: {  	_ =	shalt  }
0x47: {  	_ =	shalt  }
0x48: {  	_ =	shalt  }
0x49: {  	_ =	shalt  }
0x4a: {  	_ =	shalt  }
0x4b: {  	_ =	shalt  }
0x4c: {  	_ =	shalt  }
0x4d: {  	_ =	shalt  }
0x4e: {  	_ =	shalt  }
0x4f: {  	_ =	shalt  }
0x50: {  	_ =	shalt  }
0x51: {  	_ =	shalt  }
0x52: {  	_ =	shalt  }
0x53: {  	_ =	shalt  }
0x54: {  	_ =	shalt  }
0x55: {  	_ =	shalt  }
0x56: {  	_ =	shalt  }
0x57: {  	_ =	shalt  }
0x58: {  	_ =	shalt  }
0x59: {  	_ =	shalt  }
0x5a: {  	_ =	shalt  }
0x5b: {  	_ =	shalt  }
0x5c: {  	_ =	shalt  }
0x5d: {  	_ =	shalt  }
0x5e: {  	_ =	shalt  }
0x5f: {  	_ =	shalt  }
0x60: {  	_ =	shalt  }
0x61: {  	_ =	shalt  }
0x62: {  	_ =	shalt  }
0x63: {  	_ =	shalt  }
0x64: {  	_ =	shalt  }
0x65: {  	_ =	shalt  }
0x66: {  	_ =	shalt  }
0x67: {  	_ =	shalt  }
0x68: {  	_ =	shalt  }
0x69: {  	_ =	shalt  }
0x6a: {  	_ =	shalt  }
0x6b: {  	_ =	shalt  }
0x6c: {  	_ =	shalt  }
0x6d: {  	_ =	shalt  }
0x6e: {  	_ =	shalt  }
0x6f: {  	_ =	shalt  }
0x70: {  	_ =	shalt  }
0x71: {  	_ =	shalt  }
0x72: {  	_ =	shalt  }
0x73: {  	_ =	shalt  }
0x74: {  	_ =	shalt  }
0x75: {  	_ =	shalt  }
0x76: {  	_ =	shalt  }
0x77: {  	_ =	shalt  }
0x78: {  	_ =	shalt  }
0x79: {  	_ =	shalt  }
0x7a: {  	_ =	shalt  }
0x7b: {  	_ =	shalt  }
0x7c: {  	_ =	shalt  }
0x7d: {  	_ =	shalt  }
0x7e: {  	_ =	shalt  }
0x7f: {  	_ =	shalt  }
0x80: {  	_ =	shalt  }
0x81: {  	_ =	shalt  }
0x82: {  	_ =	shalt  }
0x83: {  	_ =	shalt  }
0x84: {  	_ =	shalt  }
0x85: {  	_ =	shalt  }
0x86: {  	_ =	shalt  }
0x87: {  	_ =	shalt  }
.Lfunc_end0:
.L_simem_size_0:
called_computation.2_lowered:
.L_overlay_start_0:
0x88: {  	s2 =	sld [smem:$0x3FD9]  }
0x89: {  	s3 =	sld [smem:$0x3FFE];
	_ =	sdelay $0x1  }
0x8a: {  	s1 =	srdreg.scid  }
0x8b: {  	s0 =	sand.u32 $0x1, s1  }
0x8c: {  	s17 =	sshll.u32 s0, $0xA;
	s2 =	sadd.s32 s3, s2  }
0x8d: {  	s2 =	sadd.s32 s2, s17  }
0x8e: {  	[smem:$0x3FBE] =	sst s2  }
0x8f: {  	_ = 	snop  }
0x90: {  	s2 =	sld [smem:$0x3FD0];
	(tm) =	ssettm $0x1  }
0x91: {  	s18 =	sld [smem:$0x3FFB];
	_ =	sdelay $0x3  }
0x92: {  	_ =	strace s18  }
0x93: {  	s3 =	sld [smem:$0x3FFC];
	_ =	sdelay $0x3  }
0x94: {  	_ =	strace s3  }
0x95: {  	s3 =	sld [smem:$0x3FFD];
	_ =	sdelay $0x3  }
0x96: {  	_ =	strace s3  }
0x97: {  	_ =	strace $0x8FFFFFFF  }
0x98: {  	s19 =	sld [smem:$0x3FDB];
	_ =	sdelay $0x1  }
0x99: {  	s4 =	simm.s32 $_scs_section_size  }
0x9a: {  	s5 =	simm.s32 $_size__tile_overlayer_lowered;
	s6 =	simm.s32 $_tile_overlayer_lowered  }
0x9b: {  	s22 =	simm.s32 $0x1BFF;
	s21 =	sshll.u32 s6, $0x1;
	s3 =	sadd.s32 s4, s19  }
0x9c: {  	s7 =	simm.s32 $0x0;
	s20 =	sshll.u32 s5, $0x1;
	s5 =	sadd.s32 s21, s3  }
0x9d: {  	[timem:s7], [sflag:s22] =	dma.local [hbm:s5], s20  }
0x9e: {  	_ =	swait.ge [sflag:s22], s20  }
0x9f: {  	s4 =	ssub.s32 $0x0, s20;
	[sflag:s22] =	ssyncset.done $0x0  }
0xa0: {  	[sflag:s22] =	ssyncadd.s32 s4;
	_ =	sdelay $0x1  }
0xa1: {  	s23 =	simm.s32 $0x1B8B  }
0xa2: {  	_ =	swait.ge [sflag:s23], $0x1  }
0xa3: {  	[sflag:s23] =	ssyncset.done $0x0  }
0xa4: {  	s25 =	simm.s32 $0x1B8E;
	s24 =	sld [smem:$0x3FFE];
	[sflag:s23] =	ssyncadd.s32 $0xFFFFFFFF  }
0xa5: {  	s26 =	simm.s32 $execute0_lowered;
	[smem:$0x3FD2] =	sst s25  }
0xa6: {  	s5 =	sshll.u32 s26, $0x1;
	_ =	strace $0x8000004C;
	[dreg:$0x1] =	wrdreg $0xFFFFFFFF  }
0xa7: {  	s28 =	simm.s32 $_size_execute0_lowered;
	s3 =	sadd.s32 s3, s5;
	[dreg:$0x0] =	wrdreg $0x0  }
0xa8: {  	s5 =	sshll.u32 s28, $0x1;
	[dreg:$0x2] =	wrdreg s3  }
0xa9: {  	[dreg:$0x3] =	wrdreg s5  }
0xaa: {  	[dreg:$0x4] =	wrdreg $0xC0  }
0xab: {  	_ =	task [dreg:s7], $0x5FFFF  }
0xac: {  	[dreg:$0x1] =	wrdreg $0xFFFFFFFF  }
0xad: {  	[dreg:$0x0] =	wrdreg $0x60  }
0xae: {  	[dreg:$0x2] =	wrdreg s2  }
0xaf: {  	[dreg:$0x3] =	wrdreg s24  }
0xb0: {  	[dreg:$0x4] =	wrdreg $0xBAA00  }
0xb1: {  	[dreg:$0x5] =	wrdreg $0x93800  }
0xb2: {  	[dreg:$0x6] =	wrdreg $0x9  }
0xb3: {  	_ =	task.clear_ibuf [dreg:s7], $0x7FFFF;
	_ =	strace $0x9000004C  }
0xb4: {  	s29 =	simm.s32 $0x9;
	_ =	strace $0x8000004E  }
0xb5: {  	_ =	swait.ge [sflag:s29], $0x1  }
0xb6: {  	[sflag:s29] =	ssyncadd.s32 $0xFFFFFFFF  }
0xb7: {  	_ =	strace $0x9000004E  }
0xb8: {  	_ =	sfence  }
0xb9: {  	s30 =	sld [smem:$0x0];
	_ =	sdelay $0x2  }
0xba: {  	s31 =	sshll.u32 s1, $0xD;
	s1 =	sshrl.u32 s1, $0x2  }
0xbb: {  	s3 =	sand.u32 $0x4000, s31;
	s1 =	sadd.s32 s1, s30  }
0xbc: {  	s0 =	sor.u32 s3, s0;
	s1 =	sshll.u32 s1, $0x11  }
0xbd: {  	s0 =	sor.u32 s1, s0  }
0xbe: {  	s0 =	sadd.s32 $0x8F2B, s0  }
0xbf: {  	[sflag:s0] =	ssyncadd.remote.s32 $0x1  }
0xc0: {  	_ =	sfence.sel $0xFFFF  }
0xc1: {  	[dreg:$0x0] =	wrdreg $0xFFFFFFFF;
	(pc) =	sbr.abs _section_cstart, $3  }
0xc2: {  	[dreg:$0x1] =	wrdreg $0xFFFFFFFF  }
0xc3: {  	_ =	task.clear_ibuf [dreg:s7], $0x2FFFF;
	_ =	strace $0x9FFFFFFF  }
0xc4: {  	(tm) =	ssettm $0x7FFFFFFF  }
0xc5: {  	_ =	shalt  }
tec
execute0_lowered:
.L_overlay_start_1:
0x0: {  	(tag) =	ssettag $0x1  }
0x1: {  	s0 =	rddreg [dreg:$0x0]  }
0x2: {  	s1 =	rddreg [dreg:$0x1]  }
0x3: {  	s2 =	rddreg [dreg:$0x2]  }
0x4: {  	s3 =	rddreg [dreg:$0x3]  }
0x5: {  	s9 =	stileid.u32;
	s4 =	srdreg.scid;
	s10 =	simm.s32 $0x0  }
0x6: {  	s28 =	simm.s32 $0x5000;
	s30 =	simm.s32 $0x57D0;
	s29 =	simm.s32 $0x1  }
0x7: {  	s31 =	simm.s32 $0x6F40;
	s11 =	simm.s32 $0x9;
	s5 =	smul.u32 $0x271, s9  }
0x8: {  	s4 =	sand.u32 $0x1, s4;
	s6 =	sshll.u32 s9, $0x1;
	[smem:$0x7FF] =	sst s10  }
0x9: {  	s25 =	sshll.u32 s9, $0x6;
	s9 =	simm.s32 $0x86B0;
	s10 =	simm.s32 $0x5  }
0xa: {  	s7 =	smul.u32 $0x27100, s4;
	s6 =	sor.u32 s4, s6;
	_ =	strace $0x8000004D  }
0xb: {  	s4 =	ssub.s32 $0x2, s4;
	[dreg:$0x12] =	wrdreg s25;
	s5 =	sshrl.u32 s5, $0x3  }
0xc: {  	s12 =	sshrl.u32 s4, $0x1;
	s8 =	sshll.u32 s5, $0x7;
	s5 =	sshll.u32 s5, $0x4  }
0xd: {  	s6 =	smul.u32 $0x500, s6;
	s4 =	ssub.s32 s4, s12;
	s0 =	sadd.s32 s0, s5  }
0xe: {  	s12 =	simm.s32 $0x7;
	s24 =	smax.u32 s4, $0x1;
	[dreg:$0x8] =	wrdreg s0  }
0xf: {  	s6 =	sadd.s32 s6, s1;
	s21 =	sadd.s32 s8, s3;
	[dreg:$0x11] =	wrdreg s24  }
0x10: {  	s7 =	sadd.s32 s7, s8;
	s13 =	sadd.s32 $0x2800, s6;
	[dreg:$0x7] =	wrdreg s21  }
0x11: {  	s14 =	sadd.s32 s8, s2;
	s6 =	sadd.s32 $0x16600, s6;
	[dreg:$0x5] =	wrdreg s13  }
0x12: {  	s4 =	simm.s32 $0x7710;
	s15 =	sadd.s32 $0x500, s21;
	[dreg:$0x6] =	wrdreg s6  }
0x13: {  	s5 =	simm.s32 $0x3;
	s16 =	sadd.s32 $0xA00, s21;
	[dreg:$0x9] =	wrdreg s15  }
0x14: {  	s8 =	simm.s32 $0x4;
	s17 =	sadd.s32 $0xF00, s21;
	[dreg:$0xa] =	wrdreg s16  }
0x15: {  	s7 =	sshrl.u32 s7, $0x3;
	s18 =	sadd.s32 $0x1400, s21;
	[dreg:$0xb] =	wrdreg s17  }
0x16: {  	s19 =	sadd.s32 $0x1900, s21;
	s20 =	sadd.s32 $0x1E00, s21;
	[dreg:$0xc] =	wrdreg s18  }
0x17: {  	s22 =	sadd.s32 $0x2300, s21;
	s0 =	sor.u32 $0x1C12, s25;
	[dreg:$0xd] =	wrdreg s19  }
0x18: {  	s26 =	sshrl.u32 s14, $0x3;
	s24 =	simm.s32 $0x11;
	[dreg:$0xe] =	wrdreg s20  }
0x19: {  	s14 =	simm.s32 $0x8;
	s1 =	sadd.s32 s7, s1;
	[dreg:$0xf] =	wrdreg s22  }
.Ltmp0:
0x1a: {  	s18 =	simm.s32 $0x13;
	[dreg:$0x13] =	wrdreg s0;
	(pc) =	sbr.rel .LBB2_1-.Ltmp0, $4  }
0x1b: {  	[dreg:$0x14] =	wrdreg s26;
	s26 =	simm.s32 $0x7D;
	s20 =	simm.s32 $0x6770  }
0x1c: {  	s0 =	simm.s32 $0x2;
	s6 =	simm.s32 $0x7EE0;
	s13 =	simm.s32 $0xB  }
0x1d: {  	s15 =	simm.s32 $0xC;
	s19 =	simm.s32 $0x0;
	s23 =	sadd.s32 $0xC800, s1  }
0x1e: {  	v0 =	vimm.f32 $0.0e+00;
	s1 =	simm.s32 $0x5FA0;
	[dreg:$0x10] =	wrdreg s23;
	s23 =	simm.s32 $0x8E80  }
.LBB2_6:
0x1f: {  	_ =	swait.ge [sflag:s14], $0x7D0  }
0x20: {  	[sflag:s14] =	ssyncset.done $0x0  }
0x21: {  	[sflag:s14] =	ssyncadd.s32 $0xFFFFF830  }
0x22: {  	[spmem:s3] =	stream.indirect.scatter.add.f32 [tilespmem:s9], [sflag:$0x10], $0x10, s17, s26, $0xb8;
	[tilespmem:$0xE1B0] =	vst v63  }
0x23: {  	_ =	swait.ge [sflag:s15], $0x7D0  }
0x24: {  	[sflag:s15] =	ssyncset.done $0x0  }
0x25: {  	s7 =	simm.s32 $0xD;
	[sflag:s15] =	ssyncadd.s32 $0xFFFFF830  }
0x26: {  	_ =	swait.ge [sflag:s7], $0x7D0  }
0x27: {  	[sflag:s7] =	ssyncset.done $0x0  }
0x28: {  	s25 =	simm.s32 $0xE;
	[sflag:s7] =	ssyncadd.s32 $0xFFFFF830  }
0x29: {  	_ =	swait.ge [sflag:s25], $0x7D0  }
0x2a: {  	[sflag:s25] =	ssyncset.done $0x0  }
0x2b: {  	s16 =	simm.s32 $0xF;
	[sflag:s25] =	ssyncadd.s32 $0xFFFFF830  }
0x2c: {  	_ =	swait.ge [sflag:s16], $0x7D0  }
0x2d: {  	[sflag:s16] =	ssyncset.done $0x0  }
0x2e: {  	s17 =	simm.s32 $0x10;
	[sflag:s16] =	ssyncadd.s32 $0xFFFFF830  }
0x2f: {  	_ =	swait.ge [sflag:s17], $0x7D0  }
0x30: {  	[sflag:s17] =	ssyncset.done $0x0  }
0x31: {  	[sflag:s17] =	ssyncadd.s32 $0xFFFFF830  }
0x32: {  	[bflag:$0x0] =	sbarrier.arrive $0xFFFF  }
0x33: {  	s21 =	rddreg [dreg:$0x12]  }
0x34: {  	s7 =	sor.u32 $0x1C13, s21;
	s21 =	rddreg [dreg:$0x7]  }
0x35: {  	s22 =	rddreg [dreg:$0x10];
	s16 =	sshrl.u32 s21, $0x3  }
0x36: {  	[hbm:s22], [sflag:s7] =	dma.local [spmem:s16], $0x4F0  }
0x37: {  	_ =	swait.ge [sflag:s18], $0x4F0  }
0x38: {  	s19 =	sadd.s32 $0x1, s19;
	s25 =	rddreg [dreg:$0x11]  }
0x39: {  	p0 =	sne.s32 s19, s25  }
.Ltmp1:
0x3a: {  	_ = 	snop;
	(pc) =	sbr.rel @!p0 .LBB2_7-.Ltmp1, $3  }
0x3b: {  	_ =	sdelay $0x1  }
0x3c: {  	[sflag:s18] =	ssyncset.done $0x0  }
0x3d: {  	[sflag:s18] =	ssyncadd.s32 $0xFFFFFB10  }
.LBB2_1:
0x3e: {  	s7 =	simm.s32 $0x0;
	s16 =	rddreg [dreg:$0x5]  }
0x3f: {  	[tilespmem:s7], [sflag:$0x13] =	stream.linear.gather [hbm4b:s16+s7], $0x2800, $0x38;
	[tilespmem:$0xE1B0] =	vst v63  }
0x40: {  	_ =	swait.ge [sflag:s18], $0x2800  }
0x41: {  	[sflag:s18] =	ssyncset.done $0x0  }
0x42: {  	s17 =	simm.s32 $0x2800;
	s25 =	rddreg [dreg:$0x6];
	[sflag:s18] =	ssyncadd.s32 $0xFFFFD800  }
0x43: {  	[tilespmem:s17], [sflag:$0x13] =	stream.linear.gather [hbm4b:s25+s7], $0x2800, $0x38;
	[tilespmem:$0xE1B0] =	vst v63  }
0x44: {  	_ =	swait.ge [sflag:s18], $0x2800  }
0x45: {  	s17 =	rddreg [dreg:$0x8]  }
0x46: {  	[sflag:s18] =	ssyncset.done $0x0;
	s22 =	rddreg [dreg:$0x13]  }
0x47: {  	s25 =	rddreg [dreg:$0x14];
	[sflag:s18] =	ssyncadd.s32 $0xFFFFD800  }
0x48: {  	[spmem:s25], [sflag:s22] =	dma.local [hbm:s17], $0x4F0  }
0x49: {  	s16 =	simm.s32 $0x40;
	s17 =	simm.s32 $0x0  }
.LBB2_2:
0x4a: {  	p0 =	sne.s32 s16, $0x13C0;
	[tilespmem:s17+$0x8E80] =	vst v0;
	s17 =	smov.u32 s16;
	s16 =	sadd.s32 $0x40, s16  }
.Ltmp2:
0x4b: {  	(pc) =	sbr.rel @p0 .LBB2_2-.Ltmp2, $2  }
0x4c: {  	_ =	sdelay $0x2  }
0x4d: {  	s17 =	sshra.s32 s17, $0x2  }
0x4e: {  	[tilespmem:s17+$0x8E80] =	vst v0  }
0x4f: {  	[spmem:s21] =	stream.linear.scatter [tilespmem:s23], [sflag:$0x11], $0x500, $0x38;
	[tilespmem:$0xE1B0] =	vst v63  }
0x50: {  	s7 =	rddreg [dreg:$0x9]  }
0x51: {  	[spmem:s7] =	stream.linear.scatter [tilespmem:s23], [sflag:$0x11], $0x500, $0x38;
	[tilespmem:$0xE1B0] =	vst v63  }
0x52: {  	s25 =	rddreg [dreg:$0xa]  }
0x53: {  	[spmem:s25] =	stream.linear.scatter [tilespmem:s23], [sflag:$0x11], $0x500, $0x38;
	[tilespmem:$0xE1B0] =	vst v63  }
0x54: {  	s16 =	rddreg [dreg:$0xb]  }
0x55: {  	[spmem:s16] =	stream.linear.scatter [tilespmem:s23], [sflag:$0x11], $0x500, $0x38;
	[tilespmem:$0xE1B0] =	vst v63  }
0x56: {  	s17 =	rddreg [dreg:$0xc]  }
0x57: {  	[spmem:s17] =	stream.linear.scatter [tilespmem:s23], [sflag:$0x11], $0x500, $0x38;
	[tilespmem:$0xE1B0] =	vst v63  }
0x58: {  	s21 =	rddreg [dreg:$0xd]  }
0x59: {  	[spmem:s21] =	stream.linear.scatter [tilespmem:s23], [sflag:$0x11], $0x500, $0x38;
	[tilespmem:$0xE1B0] =	vst v63  }
0x5a: {  	s22 =	rddreg [dreg:$0xe]  }
0x5b: {  	[spmem:s22] =	stream.linear.scatter [tilespmem:s23], [sflag:$0x11], $0x500, $0x38;
	[tilespmem:$0xE1B0] =	vst v63  }
0x5c: {  	s25 =	rddreg [dreg:$0xf]  }
0x5d: {  	[spmem:s25] =	stream.linear.scatter [tilespmem:s23], [sflag:$0x11], $0x500, $0x38;
	[tilespmem:$0xE1B0] =	vst v63  }
0x5e: {  	_ =	swait.ge [sflag:s24], $0x500  }
0x5f: {  	[sflag:s24] =	ssyncset.done $0x0  }
0x60: {  	[sflag:s24] =	ssyncadd.s32 $0xFFFFFB00  }
0x61: {  	_ =	swait.ge [sflag:s24], $0x500  }
0x62: {  	[sflag:s24] =	ssyncset.done $0x0  }
0x63: {  	[sflag:s24] =	ssyncadd.s32 $0xFFFFFB00  }
0x64: {  	_ =	swait.ge [sflag:s24], $0x500  }
0x65: {  	[sflag:s24] =	ssyncset.done $0x0  }
0x66: {  	[sflag:s24] =	ssyncadd.s32 $0xFFFFFB00  }
0x67: {  	_ =	swait.ge [sflag:s24], $0x500  }
0x68: {  	[sflag:s24] =	ssyncset.done $0x0  }
0x69: {  	[sflag:s24] =	ssyncadd.s32 $0xFFFFFB00  }
0x6a: {  	_ =	swait.ge [sflag:s24], $0x500  }
0x6b: {  	[sflag:s24] =	ssyncset.done $0x0  }
0x6c: {  	[sflag:s24] =	ssyncadd.s32 $0xFFFFFB00  }
0x6d: {  	_ =	swait.ge [sflag:s24], $0x500  }
0x6e: {  	[sflag:s24] =	ssyncset.done $0x0  }
0x6f: {  	[sflag:s24] =	ssyncadd.s32 $0xFFFFFB00  }
0x70: {  	_ =	swait.ge [sflag:s24], $0x500  }
0x71: {  	[sflag:s24] =	ssyncset.done $0x0  }
0x72: {  	[sflag:s24] =	ssyncadd.s32 $0xFFFFFB00  }
0x73: {  	_ =	swait.ge [sflag:s24], $0x500  }
0x74: {  	[sflag:s24] =	ssyncset.done $0x0  }
0x75: {  	s16 =	simm.s32 $0x12;
	[sflag:s24] =	ssyncadd.s32 $0xFFFFFB00  }
0x76: {  	_ =	swait.ge [sflag:s16], $0x4F0  }
0x77: {  	[sflag:s16] =	ssyncset.done $0x0  }
0x78: {  	[sflag:s16] =	ssyncadd.s32 $0xFFFFFB10  }
0x79: {  	s25 =	simm.s32 $0x0;
	[bflag:$0x0] =	sbarrier.arrive $0xFFFF  }
0x7a: {  	[tilespmem:s28], [sflag:$0x1] =	stream.indirect.gather [spmem:s2], $0x10, s25, s26, $0xb8;
	[tilespmem:$0xE1B0] =	vst v63  }
0x7b: {  	s17 =	simm.s32 $0x80  }
0x7c: {  	[tilespmem:s30], [sflag:$0x2] =	stream.indirect.gather [spmem:s2], $0x10, s17, s26, $0xb8;
	[tilespmem:$0xE1B0] =	vst v63  }
0x7d: {  	s21 =	simm.s32 $0x100  }
0x7e: {  	[tilespmem:s1], [sflag:$0x3] =	stream.indirect.gather [spmem:s2], $0x10, s21, s26, $0xb8;
	[tilespmem:$0xE1B0] =	vst v63  }
0x7f: {  	s22 =	simm.s32 $0x180  }
0x80: {  	[tilespmem:s20], [sflag:$0x4] =	stream.indirect.gather [spmem:s2], $0x10, s22, s26, $0xb8;
	[tilespmem:$0xE1B0] =	vst v63  }
.LBB2_4:
0x81: {  	_ =	swait.ge [sflag:s29], $0x7D0  }
0x82: {  	s16 =	sshra.s32 s25, $0x2;
	[sflag:s29] =	ssyncset.done $0x0  }
0x83: {  	p0 =	seq.s32 s25, $0x0;
	s17 =	sadd.s32 $0x2800, s16;
	[sflag:s29] =	ssyncadd.s32 $0xFFFFF830  }
0x84: {  	[spmem:s3] =	stream.indirect.scatter.add.f32 [tilespmem:s28], [sflag:$0x9], $0x10, s17, s26, $0xb8;
	[tilespmem:$0xE1B0] =	vst v63  }
0x85: {  	s17 =	simm.s32 @!p0 $0xD  }
0x86: {  	_ =	swait.ge @!p0 [sflag:s17], $0x7D0  }
0x87: {  	[sflag:s17] =	ssyncset.done @!p0 $0x0  }
0x88: {  	s7 =	sadd.s32 $0x200, s16;
	[sflag:s17] =	ssyncadd.s32 @!p0 $0xFFFFF830  }
0x89: {  	[tilespmem:s31], [sflag:$0x5] =	stream.indirect.gather [spmem:s2], $0x10, s7, s26, $0xb8;
	[tilespmem:$0xE1B0] =	vst v63  }
0x8a: {  	_ =	swait.ge [sflag:s0], $0x7D0  }
0x8b: {  	[sflag:s0] =	ssyncset.done $0x0  }
0x8c: {  	s21 =	sadd.s32 $0x2880, s16;
	s17 =	simm.s32 @!p0 $0xE;
	[sflag:s0] =	ssyncadd.s32 $0xFFFFF830  }
0x8d: {  	[spmem:s3] =	stream.indirect.scatter.add.f32 [tilespmem:s30], [sflag:$0xA], $0x10, s21, s26, $0xb8;
	[tilespmem:$0xE1B0] =	vst v63  }
0x8e: {  	_ =	swait.ge @!p0 [sflag:s17], $0x7D0  }
0x8f: {  	[sflag:s17] =	ssyncset.done @!p0 $0x0  }
0x90: {  	s22 =	sadd.s32 $0x280, s16;
	[sflag:s17] =	ssyncadd.s32 @!p0 $0xFFFFF830  }
0x91: {  	[tilespmem:s4], [sflag:$0x6] =	stream.indirect.gather [spmem:s2], $0x10, s22, s26, $0xb8;
	[tilespmem:$0xE1B0] =	vst v63  }
0x92: {  	_ =	swait.ge [sflag:s5], $0x7D0  }
0x93: {  	[sflag:s5] =	ssyncset.done $0x0  }
0x94: {  	s7 =	sadd.s32 $0x2900, s16;
	s17 =	simm.s32 @!p0 $0xF;
	[sflag:s5] =	ssyncadd.s32 $0xFFFFF830  }
0x95: {  	[spmem:s3] =	stream.indirect.scatter.add.f32 [tilespmem:s1], [sflag:$0xB], $0x10, s7, s26, $0xb8;
	[tilespmem:$0xE1B0] =	vst v63  }
0x96: {  	_ =	swait.ge @!p0 [sflag:s17], $0x7D0  }
0x97: {  	[sflag:s17] =	ssyncset.done @!p0 $0x0  }
0x98: {  	s21 =	sadd.s32 $0x300, s16;
	[sflag:s17] =	ssyncadd.s32 @!p0 $0xFFFFF830  }
0x99: {  	[tilespmem:s6], [sflag:$0x7] =	stream.indirect.gather [spmem:s2], $0x10, s21, s26, $0xb8;
	[tilespmem:$0xE1B0] =	vst v63  }
0x9a: {  	_ =	swait.ge [sflag:s8], $0x7D0  }
0x9b: {  	[sflag:s8] =	ssyncset.done $0x0  }
0x9c: {  	s22 =	sadd.s32 $0x2980, s16;
	s17 =	simm.s32 @!p0 $0x10;
	[sflag:s8] =	ssyncadd.s32 $0xFFFFF830  }
0x9d: {  	[spmem:s3] =	stream.indirect.scatter.add.f32 [tilespmem:s20], [sflag:$0xC], $0x10, s22, s26, $0xb8;
	[tilespmem:$0xE1B0] =	vst v63  }
0x9e: {  	_ =	swait.ge @!p0 [sflag:s17], $0x7D0  }
0x9f: {  	[sflag:s17] =	ssyncset.done @!p0 $0x0  }
0xa0: {  	s7 =	sadd.s32 $0x380, s16;
	[sflag:s17] =	ssyncadd.s32 @!p0 $0xFFFFF830  }
0xa1: {  	[tilespmem:s9], [sflag:$0x8] =	stream.indirect.gather [spmem:s2], $0x10, s7, s26, $0xb8;
	[tilespmem:$0xE1B0] =	vst v63  }
0xa2: {  	_ =	swait.ge [sflag:s10], $0x7D0  }
0xa3: {  	[sflag:s10] =	ssyncset.done $0x0  }
0xa4: {  	s21 =	sadd.s32 $0x2A00, s16;
	[sflag:s10] =	ssyncadd.s32 $0xFFFFF830  }
0xa5: {  	[spmem:s3] =	stream.indirect.scatter.add.f32 [tilespmem:s31], [sflag:$0xD], $0x10, s21, s26, $0xb8;
	[tilespmem:$0xE1B0] =	vst v63  }
0xa6: {  	_ =	swait.ge [sflag:s11], $0x7D0  }
0xa7: {  	p0 =	seq.s32 s25, $0x9000;
	[sflag:s11] =	ssyncset.done $0x0  }
0xa8: {  	s17 =	simm.s32 @p0 $0x6;
	[sflag:s11] =	ssyncadd.s32 $0xFFFFF830  }
0xa9: {  	_ =	swait.ge @p0 [sflag:s17], $0x7D0  }
0xaa: {  	[sflag:s17] =	ssyncset.done @p0 $0x0  }
0xab: {  	[sflag:s17] =	ssyncadd.s32 @p0 $0xFFFFF830;
	s17 =	sshra.s32 @p0 s25, $0x2  }
0xac: {  	s22 =	simm.s32 @p0 $0x7710;
	s21 =	simm.s32 @p0 $0x7D;
	s17 =	sadd.s32 @p0 $0x2A80, s17  }
0xad: {  	[spmem:s3] =	stream.indirect.scatter.add.f32 @p0 [tilespmem:s22], [sflag:$0xE], $0x10, s17, s21, $0xb8;
	[tilespmem:$0xE1B0] =	vst v63  }
0xae: {  	s17 =	simm.s32 @p0 $0xA  }
0xaf: {  	_ =	swait.ge @p0 [sflag:s17], $0x7D0  }
0xb0: {  	[sflag:s17] =	ssyncset.done @p0 $0x0  }
0xb1: {  	[sflag:s17] =	ssyncadd.s32 @p0 $0xFFFFF830;
	s17 =	sshra.s32 @!p0 s25, $0x2  }
0xb2: {  	s7 =	simm.s32 @!p0 $0x5000;
	s22 =	simm.s32 @!p0 $0x7D;
	s21 =	sadd.s32 @!p0 $0x400, s17  }
0xb3: {  	[tilespmem:s7], [sflag:$0x1] =	stream.indirect.gather @!p0 [spmem:s2], $0x10, s21, s22, $0xb8;
	[tilespmem:$0xE1B0] =	vst v63  }
0xb4: {  	s7 =	simm.s32 @!p0 $0x6  }
0xb5: {  	_ =	swait.ge @!p0 [sflag:s7], $0x7D0  }
0xb6: {  	[sflag:s7] =	ssyncset.done @!p0 $0x0  }
0xb7: {  	s21 =	simm.s32 @!p0 $0x7710;
	[sflag:s7] =	ssyncadd.s32 @!p0 $0xFFFFF830;
	s7 =	sadd.s32 @!p0 $0x2A80, s17  }
0xb8: {  	[spmem:s3] =	stream.indirect.scatter.add.f32 @!p0 [tilespmem:s21], [sflag:$0xE], $0x10, s7, s22, $0xb8;
	[tilespmem:$0xE1B0] =	vst v63  }
0xb9: {  	s7 =	simm.s32 @!p0 $0xA  }
0xba: {  	_ =	swait.ge @!p0 [sflag:s7], $0x7D0  }
0xbb: {  	[sflag:s7] =	ssyncset.done @!p0 $0x0  }
0xbc: {  	[sflag:s7] =	ssyncadd.s32 @!p0 $0xFFFFF830;
	s7 =	sadd.s32 @!p0 $0x480, s17;
	s17 =	simm.s32 @!p0 $0x57D0  }
0xbd: {  	[tilespmem:s17], [sflag:$0x2] =	stream.indirect.gather @!p0 [spmem:s2], $0x10, s7, s22, $0xb8;
	[tilespmem:$0xE1B0] =	vst v63  }
0xbe: {  	_ =	swait.ge [sflag:s12], $0x7D0  }
0xbf: {  	[sflag:s12] =	ssyncset.done $0x0  }
.Ltmp3:
0xc0: {  	s22 =	sadd.s32 $0x2B00, s16;
	[sflag:s12] =	ssyncadd.s32 $0xFFFFF830;
	(pc) =	sbr.rel @p0 .LBB2_6-.Ltmp3, $4  }
0xc1: {  	[spmem:s3] =	stream.indirect.scatter.add.f32 [tilespmem:s6], [sflag:$0xF], $0x10, s22, s26, $0xb8;
	[tilespmem:$0xE1B0] =	vst v63  }
0xc2: {  	_ =	swait.ge [sflag:s13], $0x7D0  }
0xc3: {  	[sflag:s13] =	ssyncset.done $0x0  }
0xc4: {  	s17 =	sadd.s32 $0x2B80, s16;
	[sflag:s13] =	ssyncadd.s32 $0xFFFFF830  }
0xc5: {  	s7 =	sadd.s32 $0x500, s16  }
0xc6: {  	[tilespmem:s1], [sflag:$0x3] =	stream.indirect.gather [spmem:s2], $0x10, s7, s26, $0xb8;
	[tilespmem:$0xE1B0] =	vst v63  }
0xc7: {  	_ =	swait.ge [sflag:s14], $0x7D0  }
0xc8: {  	[sflag:s14] =	ssyncset.done $0x0  }
0xc9: {  	[sflag:s14] =	ssyncadd.s32 $0xFFFFF830  }
0xca: {  	[spmem:s3] =	stream.indirect.scatter.add.f32 [tilespmem:s9], [sflag:$0x10], $0x10, s17, s26, $0xb8;
	[tilespmem:$0xE1B0] =	vst v63  }
.Ltmp4:
0xcb: {  	_ = 	snop;
	(pc) =	sbr.rel .LBB2_4-.Ltmp4, $4  }
0xcc: {  	_ =	swait.ge [sflag:s15], $0x7D0  }
0xcd: {  	[sflag:s15] =	ssyncset.done $0x0  }
0xce: {  	s22 =	sadd.s32 $0x580, s16;
	s25 =	sadd.s32 $0x1000, s25;
	[sflag:s15] =	ssyncadd.s32 $0xFFFFF830  }
0xcf: {  	[tilespmem:s20], [sflag:$0x4] =	stream.indirect.gather [spmem:s2], $0x10, s22, s26, $0xb8;
	[tilespmem:$0xE1B0] =	vst v63  }
.LBB2_7:
0xd0: {  	_ =	sfence.sel $0x180000  }
0xd1: {  	[bflag:$0x0] =	sbarrier.arrive $0xFFFF  }
0xd2: {  	_ =	strace $0x9000004D  }
0xd3: {  	s0 =	stileid.u32;
	[bflag:$0x2] =	sbarrier.arrive $0xFFFF  }
0xd4: {  	p0 =	sne.s32 s0, $0x0;
	s0 =	rddreg [dreg:$0x4]  }
0xd5: {  	s0 =	sadd.s32 @!p0 $0x100000, s0  }
0xd6: {  	[sflag:s0] =	ssyncadd.tile.s32 @!p0 $0x1;
	_ =	shalt  }
.Lfunc_end2:
_tile_overlayer_lowered:
.L_overlay_start_2:
0xd7: {  	(tag) =	ssettag $0x2  }
0xd8: {  	s0 =	rddreg [dreg:$0x0];
	s2 =	stileid.u32  }
0xd9: {  	s1 =	rddreg [dreg:$0x1];
	p0 =	sne.s32 s2, $0x0  }
0xda: {  	s3 =	rddreg [dreg:$0x2];
	[bflag:$0x3] =	sbarrier.arrive $0xFFFF;
	s2 =	simm.s32 @!p0 $0x1C13  }
0xdb: {  	[timem:s3], [sflag:s2] =	dma.local @!p0 [hbm:s0], s1  }
0xdc: {  	s0 =	simm.s32 @!p0 $0x13  }
0xdd: {  	_ =	swait.ge @!p0 [sflag:s0], s1  }
0xde: {  	s1 =	ssub.s32 @!p0 $0x0, s1;
	[sflag:s0] =	ssyncset.done @!p0 $0x0  }
0xdf: {  	[sflag:s0] =	ssyncadd.s32 @!p0 s1  }
0xe0: {  	[bflag:$0x3] =	sbarrier.arrive $0xFFFF  }
0xe1: {  	_ =	shalt  }

</sc_bundles>
